<compile_context>
chip_gen: v7x
topology: tpu7x:2x2x1
jax: 0.10.2.dev20260603
libtpu: 0.0.44.dev20260713+nightly
codegen_flags: <defaults>
</compile_context>

<pallas_src>
import jax
import jax.numpy as jnp
from jax import lax
from jax.experimental import pallas as pl
from jax.experimental.pallas import tpu as pltpu
from jax.experimental.pallas import tpu_sc as plsc

B, T = 16, 100
H, Wd, C = 27, 48, 3
PIX = H * Wd
NBINS = 512
NFRAMES = B * T
GROUP = 16
NGROUPS = NFRAMES // GROUP
PIXPAD = 1408
LOOKUP_WINDOW = 101
OUTPUT_DIM = 128
PAD = (LOOKUP_WINDOW - 1) // 2


def _tc_bin_body(fr_ref, out_ref):
    ti = lax.broadcasted_iota(jnp.int32, (T, T), 0)
    tj = lax.broadcasted_iota(jnp.int32, (T, T), 1)
    eye = jnp.where(ti == tj, 1.0, 0.0)

    parts = []
    for j in range(2):
        x = fr_ref[j]
        r = x[:, 0, :, :]
        g = x[:, 1, :, :]
        b = x[:, 2, :, :]
        bins = ((r >> 5) << 6) + ((g >> 5) << 3) + (b >> 5)
        bins2 = bins.reshape(PIX, T).astype(jnp.float32)
        binsT = lax.dot_general(
            eye, bins2, (((1,), (1,)), ((), ())),
            preferred_element_type=jnp.float32,
            precision=lax.Precision.HIGHEST,
        )
        parts.append((binsT + 0.5).astype(jnp.int32))
    binsT2 = jnp.concatenate(parts, axis=0)
    zpad = jnp.zeros((2 * T, PIXPAD - PIX), jnp.int32)
    out_ref[...] = jnp.concatenate([binsT2, zpad], axis=1)


def _tc_bin(frames_t):
    return pl.pallas_call(
        _tc_bin_body,
        grid=(B // 2,),
        in_specs=[
            pl.BlockSpec((2, H, C, Wd, T), lambda i: (i, 0, 0, 0, 0)),
        ],
        out_specs=pl.BlockSpec((2 * T, PIXPAD), lambda i: (i, 0)),
        out_shape=jax.ShapeDtypeStruct((NFRAMES, PIXPAD), jnp.int32),
    )(frames_t)


def _sc_hist_body(binned_hbm, hist_hbm, buf0, buf1, h0, h1,
                  si0, si1, so0, so1):
    info = plsc.get_sparse_core_info()
    nc = info.num_cores
    nw = nc * info.num_subcores
    wid = lax.axis_index("s") * nc + lax.axis_index("c")

    lane_frame = lax.iota(jnp.int32, 16) * PIXPAD
    lane_hist = lax.iota(jnp.int32, 16) * NBINS
    ones = jnp.ones((16,), jnp.int32)
    zeros = jnp.zeros((16,), jnp.int32)

    bufs, hs = [buf0, buf1], [h0, h1]
    sis, sos = [si0, si1], [so0, so1]
    ngroups_per_w = (NGROUPS + nw - 1) // nw

    def in_slice(g):
        off = pl.multiple_of(g * (GROUP * PIXPAD), GROUP * PIXPAD)
        return binned_hbm.at[pl.ds(off, GROUP * PIXPAD)]

    def out_slice(g):
        off = pl.multiple_of(g * (GROUP * NBINS), GROUP * NBINS)
        return hist_hbm.at[pl.ds(off, GROUP * NBINS)]

    def start_in(i):
        g = wid + i * nw
        pltpu.async_copy(in_slice(g), bufs[i % 2], sis[i % 2])

    def wait_in(i):
        g = wid + i * nw
        pltpu.make_async_copy(in_slice(g), bufs[i % 2], sis[i % 2]).wait()

    def start_out(i):
        g = wid + i * nw
        pltpu.async_copy(hs[i % 2], out_slice(g), sos[i % 2])

    def wait_out(i):
        g = wid + i * nw
        pltpu.make_async_copy(hs[i % 2], out_slice(g), sos[i % 2]).wait()

    def stage(i):
        buf, h16 = bufs[i % 2], hs[i % 2]
        wait_in(i)
        if i + 1 < ngroups_per_w:
            if (i + 2) * nw <= NGROUPS:
                start_in(i + 1)
            else:
                @pl.when(wid + (i + 1) * nw < NGROUPS)
                def _():
                    start_in(i + 1)
        if i >= 2:
            wait_out(i - 2)

        @plsc.parallel_loop(0, GROUP * NBINS // 16, unroll=8)
        def _(j):
            h16[pl.ds(j * 16, 16)] = zeros

        @plsc.parallel_loop(0, PIX, unroll=8)
        def _(p):
            v = plsc.load_gather(buf, [lane_frame + p])
            plsc.addupdate_scatter(h16, [lane_hist + v], ones)

        start_out(i)

    start_in(0)
    for i in range(ngroups_per_w):
        if (i + 1) * nw <= NGROUPS:
            stage(i)
        else:
            @pl.when(wid + i * nw < NGROUPS)
            def _():
                stage(i)

    wait_out(ngroups_per_w - 2)
    if ngroups_per_w * nw <= NGROUPS:
        wait_out(ngroups_per_w - 1)
    else:
        @pl.when(wid + (ngroups_per_w - 1) * nw < NGROUPS)
        def _():
            wait_out(ngroups_per_w - 1)


def _sc_histograms(binned_flat):
    mesh = plsc.VectorSubcoreMesh(core_axis_name="c", subcore_axis_name="s")
    return pl.kernel(
        _sc_hist_body,
        out_type=jax.ShapeDtypeStruct((NFRAMES * NBINS,), jnp.int32),
        mesh=mesh,
        compiler_params=pltpu.CompilerParams(needs_layout_passes=False),
        scratch_types=[
            pltpu.VMEM((GROUP * PIXPAD,), jnp.int32),
            pltpu.VMEM((GROUP * PIXPAD,), jnp.int32),
            pltpu.VMEM((GROUP * NBINS,), jnp.int32),
            pltpu.VMEM((GROUP * NBINS,), jnp.int32),
            pltpu.SemaphoreType.DMA,
            pltpu.SemaphoreType.DMA,
            pltpu.SemaphoreType.DMA,
            pltpu.SemaphoreType.DMA,
        ],
    )(binned_flat)


def _tc_dense_body(hist_ref, w_ref, bias_ref, out_ref):
    width = T + 2 * PAD
    t_idx = lax.broadcasted_iota(jnp.int32, (T, width), 0)
    zpad = jnp.zeros((T, PAD), jnp.float32)
    wmat = w_ref[...]
    bias = bias_ref[0][None, :]

    for j in range(B):
        h = hist_ref[pl.ds(j * T, T), :].astype(jnp.float32)
        n2 = jnp.sum(h * h, axis=1, keepdims=True)
        x = h / jnp.maximum(jnp.sqrt(n2), 1e-12)
        sims = lax.dot_general(
            x, x, (((1,), (1,)), ((), ())),
            preferred_element_type=jnp.float32,
        )
        r = jnp.concatenate([zpad, sims, zpad], axis=1)
        for s in (1, 2, 4, 8, 16, 32, 64):
            shifted = jnp.concatenate([r[:, s:], r[:, :s]], axis=1)
            r = jnp.where((t_idx & s) != 0, shifted, r)
        sims_g = r[:, :LOOKUP_WINDOW]
        out = lax.dot_general(
            sims_g, wmat, (((1,), (0,)), ((), ())),
            preferred_element_type=jnp.float32,
        )
        out_ref[:, j, :] = jnp.maximum(out + bias, 0.0)


def _tc_dense(hist2d, W, bias2d):
    return pl.pallas_call(
        _tc_dense_body,
        grid=(1,),
        in_specs=[
            pl.BlockSpec((NFRAMES, NBINS), lambda i: (0, 0)),
            pl.BlockSpec((LOOKUP_WINDOW, OUTPUT_DIM), lambda i: (0, 0)),
            pl.BlockSpec((1, OUTPUT_DIM), lambda i: (0, 0)),
        ],
        out_specs=pl.BlockSpec((T, B, OUTPUT_DIM), lambda i: (0, 0, 0)),
        out_shape=jax.ShapeDtypeStruct((T, B, OUTPUT_DIM), jnp.float32),
    )(hist2d, W, bias2d)


@jax.jit
def kernel(inputs, W, b):
    frames_t = jnp.transpose(inputs, (0, 2, 4, 3, 1))
    binned = _tc_bin(frames_t)
    hist = _sc_histograms(binned.reshape(NFRAMES * PIXPAD))
    hist2d = hist.reshape(NFRAMES, NBINS)
    out_t = _tc_dense(hist2d, jnp.transpose(W), b.reshape(1, OUTPUT_DIM))
    return jnp.transpose(out_t, (1, 0, 2))

# --- scband reference (transcript-rebuilt; emitter-appended) ---
"""Pipeline reference for scband-color-histograms-2748779070178 (READ-ONLY COPY).

The authoritative reference and input builder live on the scoring server;
editing this copy changes nothing except your own understanding.
"""

import jax, jax.numpy as jnp
import numpy as np

LOOKUP_WINDOW = 101
OUTPUT_DIM = 128


def setup_inputs(seed: int = 0) -> dict:
    key = jax.random.key(seed)
    k1, k2, k3 = jax.random.split(key, 3)
    frames = jax.random.randint(k1, (16, 100, 27, 48, 3), 0, 256, dtype=jnp.int32)
    W = jax.random.normal(k2, (OUTPUT_DIM, LOOKUP_WINDOW), dtype=jnp.float32) * (1.0 / np.sqrt(LOOKUP_WINDOW))
    b = jax.random.normal(k3, (OUTPUT_DIM,), dtype=jnp.float32) * 0.01
    return {"inputs": frames, "W": W, "b": b}


def _compute_color_histograms(frames):
    frames = frames.astype(jnp.int32)
    B, T, H, Wd, C = frames.shape
    ff = frames.reshape(B * T, H * Wd, 3)
    R = ff[:, :, 0] >> 5
    G = ff[:, :, 1] >> 5
    Bl = ff[:, :, 2] >> 5
    binned = (R << 6) + (G << 3) + Bl
    prefix = (jnp.arange(B * T, dtype=jnp.int32) << 9)[:, None]
    binned = (binned + prefix).reshape(-1)
    hist = jnp.zeros(B * T * 512, dtype=jnp.int32).at[binned].add(
        jnp.ones(binned.shape[0], dtype=jnp.int32))
    hist = hist.reshape(B, T, 512).astype(jnp.float32)
    norm = jnp.sqrt(jnp.sum(hist * hist, axis=2, keepdims=True))
    x = hist / jnp.maximum(norm, 1e-12)
    return x


def _forward(inputs, W, b):
    x = _compute_color_histograms(inputs)
    B, T = x.shape[0], x.shape[1]
    sims = jnp.einsum('btd,bsd->bts', x, x)
    pad = (LOOKUP_WINDOW - 1) // 2
    sims_p = jnp.pad(sims, ((0, 0), (0, 0), (pad, pad)))
    time_idx = jnp.arange(T)[:, None]
    lookup = jnp.arange(LOOKUP_WINDOW)[None, :] + time_idx
    sims_g = sims_p[:, time_idx, lookup]
    out = jax.nn.relu(sims_g @ W.T + b)
    return out


def reference(inputs, W, b):
    return _forward(inputs, W, b)

if __name__ == "__main__":
    import jax
    _d = setup_inputs()
    print(jax.jit(kernel)(*tuple(_d.values())))

</pallas_src>

<mosaic_0001>
#map = affine_map<(d0, d1) -> (0)>
module attributes {stable_mosaic.version = 14 : i64} {
  func.func @_sc_hist_body(%arg0: i32, %arg1: i32, %arg2: memref<2252800xi32, #tpu.memory_space<hbm>>, %arg3: memref<819200xi32, #tpu.memory_space<hbm>>, %arg4: memref<22528xi32, #tpu.memory_space<vmem>>, %arg5: memref<22528xi32, #tpu.memory_space<vmem>>, %arg6: memref<8192xi32, #tpu.memory_space<vmem>>, %arg7: memref<8192xi32, #tpu.memory_space<vmem>>, %arg8: memref<!tpu.dma_semaphore, #tpu.memory_space<semaphore_mem>>, %arg9: memref<!tpu.dma_semaphore, #tpu.memory_space<semaphore_mem>>, %arg10: memref<!tpu.dma_semaphore, #tpu.memory_space<semaphore_mem>>, %arg11: memref<!tpu.dma_semaphore, #tpu.memory_space<semaphore_mem>>) attributes {dimension_semantics = [#tpu.dimension_semantics<core_parallel>, #tpu.dimension_semantics<subcore_parallel>], iteration_bounds = array<i64: 2, 16>, scalar_prefetch = 0 : i64, scratch_operands = 8 : i64, tpu.core_type = #tpu.core_type<sc_vector_subcore>, window_params = [{transform_indices = #map}, {transform_indices = #map}]} {
    %mul3A = arith.constant 2 : i32
    %mul3A_0 = arith.muli %arg1, %mul3A : i32
    %add3A = arith.addi %mul3A_0, %arg0 : i32
    %iota3A = tpu.iota {dimensions = array<i32: 0>} : vector<16xi32>
    %mul3A_1 = arith.constant 1408 : i32
    %mul3A_2 = vector.broadcast %mul3A_1 : i32 to vector<16xi32>
    %mul3A_3 = arith.muli %iota3A, %mul3A_2 : vector<16xi32>
    %iota3A_4 = tpu.iota {dimensions = array<i32: 0>} : vector<16xi32>
    %mul3A_5 = arith.constant 512 : i32
    %mul3A_6 = vector.broadcast %mul3A_5 : i32 to vector<16xi32>
    %mul3A_7 = arith.muli %iota3A_4, %mul3A_6 : vector<16xi32>
    %broadcast_in_dim3A = arith.constant 1 : i32
    %broadcast_in_dim3A_8 = vector.broadcast %broadcast_in_dim3A : i32 to vector<16xi32>
    %broadcast_in_dim3A_9 = arith.constant 0 : i32
    %broadcast_in_dim3A_10 = vector.broadcast %broadcast_in_dim3A_9 : i32 to vector<16xi32>
    %add3A_11 = arith.constant 0 : i32
    %add3A_12 = arith.addi %add3A, %add3A_11 : i32
    %mul3A_13 = arith.constant 22528 : i32
    %mul3A_14 = arith.muli %add3A_12, %mul3A_13 : i32
    %multiple_of3A = tpu.assume_multiple %mul3A_14, 22528 : i32
    %dma_start3A = tpu.memref_slice %arg2[%multiple_of3A] : memref<2252800xi32, #tpu.memory_space<hbm>> -> memref<22528xi32, #tpu.memory_space<hbm>>
    %dma_start3A_15 = tpu.memref_slice %arg2[%multiple_of3A] : memref<2252800xi32, #tpu.memory_space<hbm>> -> memref<22528xi32, #tpu.memory_space<hbm>>
    tpu.enqueue_dma source(%dma_start3A_15 : memref<22528xi32, #tpu.memory_space<hbm>>) target(%arg4 : memref<22528xi32, #tpu.memory_space<vmem>>) target_semaphore(%arg8 : memref<!tpu.dma_semaphore, #tpu.memory_space<semaphore_mem>>)
    %add3A_16 = arith.constant 0 : i32
    %add3A_17 = arith.addi %add3A, %add3A_16 : i32
    %mul3A_18 = arith.constant 22528 : i32
    %mul3A_19 = arith.muli %add3A_17, %mul3A_18 : i32
    %multiple_of3A_20 = tpu.assume_multiple %mul3A_19, 22528 : i32
    %dma_wait3A = tpu.memref_slice %arg2[%multiple_of3A_20] : memref<2252800xi32, #tpu.memory_space<hbm>> -> memref<22528xi32, #tpu.memory_space<hbm>>
    %dma_wait3A_21 = tpu.memref_slice %arg2[%multiple_of3A_20] : memref<2252800xi32, #tpu.memory_space<hbm>> -> memref<22528xi32, #tpu.memory_space<hbm>>
    tpu.wait_dma2 semaphore(%arg8 : memref<!tpu.dma_semaphore, #tpu.memory_space<semaphore_mem>>) src(%dma_wait3A_21 : memref<22528xi32, #tpu.memory_space<hbm>>) dst(%arg4 : memref<22528xi32, #tpu.memory_space<vmem>>)
    %add3A_22 = arith.constant 32 : i32
    %add3A_23 = arith.addi %add3A, %add3A_22 : i32
    %mul3A_24 = arith.constant 22528 : i32
    %mul3A_25 = arith.muli %add3A_23, %mul3A_24 : i32
    %multiple_of3A_26 = tpu.assume_multiple %mul3A_25, 22528 : i32
    %dma_start3A_27 = tpu.memref_slice %arg2[%multiple_of3A_26] : memref<2252800xi32, #tpu.memory_space<hbm>> -> memref<22528xi32, #tpu.memory_space<hbm>>
    %dma_start3A_28 = tpu.memref_slice %arg2[%multiple_of3A_26] : memref<2252800xi32, #tpu.memory_space<hbm>> -> memref<22528xi32, #tpu.memory_space<hbm>>
    tpu.enqueue_dma source(%dma_start3A_28 : memref<22528xi32, #tpu.memory_space<hbm>>) target(%arg5 : memref<22528xi32, #tpu.memory_space<vmem>>) target_semaphore(%arg9 : memref<!tpu.dma_semaphore, #tpu.memory_space<semaphore_mem>>)
    %parallel_loop3A = arith.constant 0 : i32
    %parallel_loop3A_29 = arith.constant 512 : i32
    %parallel_loop3A_30 = arith.constant 1 : i32
    scf.for %parallel_loop3A_120 = %parallel_loop3A to %parallel_loop3A_29 step %parallel_loop3A_30  : i32 {
      %parallel_loop3A_121 = arith.constant 16 : i32
      %parallel_loop3A_122 = arith.muli %parallel_loop3A_120, %parallel_loop3A_121 : i32
      %parallel_loop3A_123 = arith.index_cast %parallel_loop3A_122 : i32 to index
      %parallel_loop3A_124 = tpu.vector_load %arg6[%parallel_loop3A_123] {strides = array<i32>} : memref<8192xi32, #tpu.memory_space<vmem>>, vector<16xi32>,
      tpu.vector_store %arg6[%parallel_loop3A_123], %broadcast_in_dim3A_10 {strides = array<i32>} : memref<8192xi32, #tpu.memory_space<vmem>>, vector<16xi32>,
    } {sc.loop_unroll_factor = 8 : i64, sc.parallel_access}
    %parallel_loop3A_31 = arith.constant 0 : i32
    %parallel_loop3A_32 = arith.constant 1296 : i32
    %parallel_loop3A_33 = arith.constant 1 : i32
    scf.for %parallel_loop3A_120 = %parallel_loop3A_31 to %parallel_loop3A_32 step %parallel_loop3A_33  : i32 {
      %parallel_loop3A_121 = vector.broadcast %parallel_loop3A_120 : i32 to vector<16xi32>
      %parallel_loop3A_122 = arith.addi %mul3A_3, %parallel_loop3A_121 : vector<16xi32>
      %parallel_loop3A_123 = tpu.vector_load_idx %arg4[%parallel_loop3A_122] : memref<22528xi32, #tpu.memory_space<vmem>>[vector<16xi32>], vector<16xi32>,
      %parallel_loop3A_124 = arith.addi %mul3A_7, %parallel_loop3A_123 : vector<16xi32>
      tpu.vector_store_idx %arg6[%parallel_loop3A_124], %broadcast_in_dim3A_8 {add = true} : memref<8192xi32, #tpu.memory_space<vmem>>[vector<16xi32>], vector<16xi32>,
    } {sc.loop_unroll_factor = 8 : i64, sc.parallel_access}
    %add3A_34 = arith.constant 0 : i32
    %add3A_35 = arith.addi %add3A, %add3A_34 : i32
    %mul3A_36 = arith.constant 8192 : i32
    %mul3A_37 = arith.muli %add3A_35, %mul3A_36 : i32
    %multiple_of3A_38 = tpu.assume_multiple %mul3A_37, 8192 : i32
    %dma_start3A_39 = tpu.memref_slice %arg3[%multiple_of3A_38] : memref<819200xi32, #tpu.memory_space<hbm>> -> memref<8192xi32, #tpu.memory_space<hbm>>
    %dma_start3A_40 = tpu.memref_slice %arg3[%multiple_of3A_38] : memref<819200xi32, #tpu.memory_space<hbm>> -> memref<8192xi32, #tpu.memory_space<hbm>>
    tpu.enqueue_dma source(%arg6 : memref<8192xi32, #tpu.memory_space<vmem>>) target(%dma_start3A_40 : memref<8192xi32, #tpu.memory_space<hbm>>) target_semaphore(%arg10 : memref<!tpu.dma_semaphore, #tpu.memory_space<semaphore_mem>>)
    %add3A_41 = arith.constant 32 : i32
    %add3A_42 = arith.addi %add3A, %add3A_41 : i32
    %mul3A_43 = arith.constant 22528 : i32
    %mul3A_44 = arith.muli %add3A_42, %mul3A_43 : i32
    %multiple_of3A_45 = tpu.assume_multiple %mul3A_44, 22528 : i32
    %dma_wait3A_46 = tpu.memref_slice %arg2[%multiple_of3A_45] : memref<2252800xi32, #tpu.memory_space<hbm>> -> memref<22528xi32, #tpu.memory_space<hbm>>
    %dma_wait3A_47 = tpu.memref_slice %arg2[%multiple_of3A_45] : memref<2252800xi32, #tpu.memory_space<hbm>> -> memref<22528xi32, #tpu.memory_space<hbm>>
    tpu.wait_dma2 semaphore(%arg9 : memref<!tpu.dma_semaphore, #tpu.memory_space<semaphore_mem>>) src(%dma_wait3A_47 : memref<22528xi32, #tpu.memory_space<hbm>>) dst(%arg5 : memref<22528xi32, #tpu.memory_space<vmem>>)
    %add3A_48 = arith.constant 64 : i32
    %add3A_49 = arith.addi %add3A, %add3A_48 : i32
    %mul3A_50 = arith.constant 22528 : i32
    %mul3A_51 = arith.muli %add3A_49, %mul3A_50 : i32
    %multiple_of3A_52 = tpu.assume_multiple %mul3A_51, 22528 : i32
    %dma_start3A_53 = tpu.memref_slice %arg2[%multiple_of3A_52] : memref<2252800xi32, #tpu.memory_space<hbm>> -> memref<22528xi32, #tpu.memory_space<hbm>>
    %dma_start3A_54 = tpu.memref_slice %arg2[%multiple_of3A_52] : memref<2252800xi32, #tpu.memory_space<hbm>> -> memref<22528xi32, #tpu.memory_space<hbm>>
    tpu.enqueue_dma source(%dma_start3A_54 : memref<22528xi32, #tpu.memory_space<hbm>>) target(%arg4 : memref<22528xi32, #tpu.memory_space<vmem>>) target_semaphore(%arg8 : memref<!tpu.dma_semaphore, #tpu.memory_space<semaphore_mem>>)
    %parallel_loop3A_55 = arith.constant 0 : i32
    %parallel_loop3A_56 = arith.constant 512 : i32
    %parallel_loop3A_57 = arith.constant 1 : i32
    scf.for %parallel_loop3A_120 = %parallel_loop3A_55 to %parallel_loop3A_56 step %parallel_loop3A_57  : i32 {
      %parallel_loop3A_121 = arith.constant 16 : i32
      %parallel_loop3A_122 = arith.muli %parallel_loop3A_120, %parallel_loop3A_121 : i32
      %parallel_loop3A_123 = arith.index_cast %parallel_loop3A_122 : i32 to index
      %parallel_loop3A_124 = tpu.vector_load %arg7[%parallel_loop3A_123] {strides = array<i32>} : memref<8192xi32, #tpu.memory_space<vmem>>, vector<16xi32>,
      tpu.vector_store %arg7[%parallel_loop3A_123], %broadcast_in_dim3A_10 {strides = array<i32>} : memref<8192xi32, #tpu.memory_space<vmem>>, vector<16xi32>,
    } {sc.loop_unroll_factor = 8 : i64, sc.parallel_access}
    %parallel_loop3A_58 = arith.constant 0 : i32
    %parallel_loop3A_59 = arith.constant 1296 : i32
    %parallel_loop3A_60 = arith.constant 1 : i32
    scf.for %parallel_loop3A_120 = %parallel_loop3A_58 to %parallel_loop3A_59 step %parallel_loop3A_60  : i32 {
      %parallel_loop3A_121 = vector.broadcast %parallel_loop3A_120 : i32 to vector<16xi32>
      %parallel_loop3A_122 = arith.addi %mul3A_3, %parallel_loop3A_121 : vector<16xi32>
      %parallel_loop3A_123 = tpu.vector_load_idx %arg5[%parallel_loop3A_122] : memref<22528xi32, #tpu.memory_space<vmem>>[vector<16xi32>], vector<16xi32>,
      %parallel_loop3A_124 = arith.addi %mul3A_7, %parallel_loop3A_123 : vector<16xi32>
      tpu.vector_store_idx %arg7[%parallel_loop3A_124], %broadcast_in_dim3A_8 {add = true} : memref<8192xi32, #tpu.memory_space<vmem>>[vector<16xi32>], vector<16xi32>,
    } {sc.loop_unroll_factor = 8 : i64, sc.parallel_access}
    %add3A_61 = arith.constant 32 : i32
    %add3A_62 = arith.addi %add3A, %add3A_61 : i32
    %mul3A_63 = arith.constant 8192 : i32
    %mul3A_64 = arith.muli %add3A_62, %mul3A_63 : i32
    %multiple_of3A_65 = tpu.assume_multiple %mul3A_64, 8192 : i32
    %dma_start3A_66 = tpu.memref_slice %arg3[%multiple_of3A_65] : memref<819200xi32, #tpu.memory_space<hbm>> -> memref<8192xi32, #tpu.memory_space<hbm>>
    %dma_start3A_67 = tpu.memref_slice %arg3[%multiple_of3A_65] : memref<819200xi32, #tpu.memory_space<hbm>> -> memref<8192xi32, #tpu.memory_space<hbm>>
    tpu.enqueue_dma source(%arg7 : memref<8192xi32, #tpu.memory_space<vmem>>) target(%dma_start3A_67 : memref<8192xi32, #tpu.memory_space<hbm>>) target_semaphore(%arg11 : memref<!tpu.dma_semaphore, #tpu.memory_space<semaphore_mem>>)
    %add3A_68 = arith.constant 64 : i32
    %add3A_69 = arith.addi %add3A, %add3A_68 : i32
    %mul3A_70 = arith.constant 22528 : i32
    %mul3A_71 = arith.muli %add3A_69, %mul3A_70 : i32
    %multiple_of3A_72 = tpu.assume_multiple %mul3A_71, 22528 : i32
    %dma_wait3A_73 = tpu.memref_slice %arg2[%multiple_of3A_72] : memref<2252800xi32, #tpu.memory_space<hbm>> -> memref<22528xi32, #tpu.memory_space<hbm>>
    %dma_wait3A_74 = tpu.memref_slice %arg2[%multiple_of3A_72] : memref<2252800xi32, #tpu.memory_space<hbm>> -> memref<22528xi32, #tpu.memory_space<hbm>>
    tpu.wait_dma2 semaphore(%arg8 : memref<!tpu.dma_semaphore, #tpu.memory_space<semaphore_mem>>) src(%dma_wait3A_74 : memref<22528xi32, #tpu.memory_space<hbm>>) dst(%arg4 : memref<22528xi32, #tpu.memory_space<vmem>>)
    %add3A_75 = arith.constant 96 : i32
    %add3A_76 = arith.addi %add3A, %add3A_75 : i32
    %lt3A = arith.constant 100 : i32
    %lt3A_77 = arith.cmpi slt, %add3A_76, %lt3A : i32
    %convert_element_type3A = arith.extui %lt3A_77 : i1 to i32
    %cond3A = arith.constant 0 : i32
    %cond3A_78 = arith.cmpi ne, %convert_element_type3A, %cond3A : i32
    scf.if %cond3A_78 {
      %add3A_120 = arith.constant 96 : i32
      %add3A_121 = arith.addi %add3A, %add3A_120 : i32
      %mul3A_122 = arith.constant 22528 : i32
      %mul3A_123 = arith.muli %add3A_121, %mul3A_122 : i32
      %multiple_of3A_124 = tpu.assume_multiple %mul3A_123, 22528 : i32
      %dma_start3A_125 = tpu.memref_slice %arg2[%multiple_of3A_124] : memref<2252800xi32, #tpu.memory_space<hbm>> -> memref<22528xi32, #tpu.memory_space<hbm>>
      %dma_start3A_126 = tpu.memref_slice %arg2[%multiple_of3A_124] : memref<2252800xi32, #tpu.memory_space<hbm>> -> memref<22528xi32, #tpu.memory_space<hbm>>
      tpu.enqueue_dma source(%dma_start3A_126 : memref<22528xi32, #tpu.memory_space<hbm>>) target(%arg5 : memref<22528xi32, #tpu.memory_space<vmem>>) target_semaphore(%arg9 : memref<!tpu.dma_semaphore, #tpu.memory_space<semaphore_mem>>)
    } else {
    }
    %add3A_79 = arith.constant 0 : i32
    %add3A_80 = arith.addi %add3A, %add3A_79 : i32
    %mul3A_81 = arith.constant 8192 : i32
    %mul3A_82 = arith.muli %add3A_80, %mul3A_81 : i32
    %multiple_of3A_83 = tpu.assume_multiple %mul3A_82, 8192 : i32
    %dma_wait3A_84 = tpu.memref_slice %arg3[%multiple_of3A_83] : memref<819200xi32, #tpu.memory_space<hbm>> -> memref<8192xi32, #tpu.memory_space<hbm>>
    %dma_wait3A_85 = tpu.memref_slice %arg3[%multiple_of3A_83] : memref<819200xi32, #tpu.memory_space<hbm>> -> memref<8192xi32, #tpu.memory_space<hbm>>
    tpu.wait_dma2 semaphore(%arg10 : memref<!tpu.dma_semaphore, #tpu.memory_space<semaphore_mem>>) src(%arg6 : memref<8192xi32, #tpu.memory_space<vmem>>) dst(%dma_wait3A_85 : memref<8192xi32, #tpu.memory_space<hbm>>)
    %parallel_loop3A_86 = arith.constant 0 : i32
    %parallel_loop3A_87 = arith.constant 512 : i32
    %parallel_loop3A_88 = arith.constant 1 : i32
    scf.for %parallel_loop3A_120 = %parallel_loop3A_86 to %parallel_loop3A_87 step %parallel_loop3A_88  : i32 {
      %parallel_loop3A_121 = arith.constant 16 : i32
      %parallel_loop3A_122 = arith.muli %parallel_loop3A_120, %parallel_loop3A_121 : i32
      %parallel_loop3A_123 = arith.index_cast %parallel_loop3A_122 : i32 to index
      %parallel_loop3A_124 = tpu.vector_load %arg6[%parallel_loop3A_123] {strides = array<i32>} : memref<8192xi32, #tpu.memory_space<vmem>>, vector<16xi32>,
      tpu.vector_store %arg6[%parallel_loop3A_123], %broadcast_in_dim3A_10 {strides = array<i32>} : memref<8192xi32, #tpu.memory_space<vmem>>, vector<16xi32>,
    } {sc.loop_unroll_factor = 8 : i64, sc.parallel_access}
    %parallel_loop3A_89 = arith.constant 0 : i32
    %parallel_loop3A_90 = arith.constant 1296 : i32
    %parallel_loop3A_91 = arith.constant 1 : i32
    scf.for %parallel_loop3A_120 = %parallel_loop3A_89 to %parallel_loop3A_90 step %parallel_loop3A_91  : i32 {
      %parallel_loop3A_121 = vector.broadcast %parallel_loop3A_120 : i32 to vector<16xi32>
      %parallel_loop3A_122 = arith.addi %mul3A_3, %parallel_loop3A_121 : vector<16xi32>
      %parallel_loop3A_123 = tpu.vector_load_idx %arg4[%parallel_loop3A_122] : memref<22528xi32, #tpu.memory_space<vmem>>[vector<16xi32>], vector<16xi32>,
      %parallel_loop3A_124 = arith.addi %mul3A_7, %parallel_loop3A_123 : vector<16xi32>
      tpu.vector_store_idx %arg6[%parallel_loop3A_124], %broadcast_in_dim3A_8 {add = true} : memref<8192xi32, #tpu.memory_space<vmem>>[vector<16xi32>], vector<16xi32>,
    } {sc.loop_unroll_factor = 8 : i64, sc.parallel_access}
    %add3A_92 = arith.constant 64 : i32
    %add3A_93 = arith.addi %add3A, %add3A_92 : i32
    %mul3A_94 = arith.constant 8192 : i32
    %mul3A_95 = arith.muli %add3A_93, %mul3A_94 : i32
    %multiple_of3A_96 = tpu.assume_multiple %mul3A_95, 8192 : i32
    %dma_start3A_97 = tpu.memref_slice %arg3[%multiple_of3A_96] : memref<819200xi32, #tpu.memory_space<hbm>> -> memref<8192xi32, #tpu.memory_space<hbm>>
    %dma_start3A_98 = tpu.memref_slice %arg3[%multiple_of3A_96] : memref<819200xi32, #tpu.memory_space<hbm>> -> memref<8192xi32, #tpu.memory_space<hbm>>
    tpu.enqueue_dma source(%arg6 : memref<8192xi32, #tpu.memory_space<vmem>>) target(%dma_start3A_98 : memref<8192xi32, #tpu.memory_space<hbm>>) target_semaphore(%arg10 : memref<!tpu.dma_semaphore, #tpu.memory_space<semaphore_mem>>)
    %add3A_99 = arith.constant 96 : i32
    %add3A_100 = arith.addi %add3A, %add3A_99 : i32
    %lt3A_101 = arith.constant 100 : i32
    %lt3A_102 = arith.cmpi slt, %add3A_100, %lt3A_101 : i32
    %convert_element_type3A_103 = arith.extui %lt3A_102 : i1 to i32
    %cond3A_104 = arith.constant 0 : i32
    %cond3A_105 = arith.cmpi ne, %convert_element_type3A_103, %cond3A_104 : i32
    scf.if %cond3A_105 {
      %add3A_120 = arith.constant 96 : i32
      %add3A_121 = arith.addi %add3A, %add3A_120 : i32
      %mul3A_122 = arith.constant 22528 : i32
      %mul3A_123 = arith.muli %add3A_121, %mul3A_122 : i32
      %multiple_of3A_124 = tpu.assume_multiple %mul3A_123, 22528 : i32
      %dma_wait3A_125 = tpu.memref_slice %arg2[%multiple_of3A_124] : memref<2252800xi32, #tpu.memory_space<hbm>> -> memref<22528xi32, #tpu.memory_space<hbm>>
      %dma_wait3A_126 = tpu.memref_slice %arg2[%multiple_of3A_124] : memref<2252800xi32, #tpu.memory_space<hbm>> -> memref<22528xi32, #tpu.memory_space<hbm>>
      tpu.wait_dma2 semaphore(%arg9 : memref<!tpu.dma_semaphore, #tpu.memory_space<semaphore_mem>>) src(%dma_wait3A_126 : memref<22528xi32, #tpu.memory_space<hbm>>) dst(%arg5 : memref<22528xi32, #tpu.memory_space<vmem>>)
      %add3A_127 = arith.constant 32 : i32
      %add3A_128 = arith.addi %add3A, %add3A_127 : i32
      %mul3A_129 = arith.constant 8192 : i32
      %mul3A_130 = arith.muli %add3A_128, %mul3A_129 : i32
      %multiple_of3A_131 = tpu.assume_multiple %mul3A_130, 8192 : i32
      %dma_wait3A_132 = tpu.memref_slice %arg3[%multiple_of3A_131] : memref<819200xi32, #tpu.memory_space<hbm>> -> memref<8192xi32, #tpu.memory_space<hbm>>
      %dma_wait3A_133 = tpu.memref_slice %arg3[%multiple_of3A_131] : memref<819200xi32, #tpu.memory_space<hbm>> -> memref<8192xi32, #tpu.memory_space<hbm>>
      tpu.wait_dma2 semaphore(%arg11 : memref<!tpu.dma_semaphore, #tpu.memory_space<semaphore_mem>>) src(%arg7 : memref<8192xi32, #tpu.memory_space<vmem>>) dst(%dma_wait3A_133 : memref<8192xi32, #tpu.memory_space<hbm>>)
      %parallel_loop3A_134 = arith.constant 0 : i32
      %parallel_loop3A_135 = arith.constant 512 : i32
      %parallel_loop3A_136 = arith.constant 1 : i32
      scf.for %parallel_loop3A_147 = %parallel_loop3A_134 to %parallel_loop3A_135 step %parallel_loop3A_136  : i32 {
        %parallel_loop3A_148 = arith.constant 16 : i32
        %parallel_loop3A_149 = arith.muli %parallel_loop3A_147, %parallel_loop3A_148 : i32
        %parallel_loop3A_150 = arith.index_cast %parallel_loop3A_149 : i32 to index
        %parallel_loop3A_151 = tpu.vector_load %arg7[%parallel_loop3A_150] {strides = array<i32>} : memref<8192xi32, #tpu.memory_space<vmem>>, vector<16xi32>,
        tpu.vector_store %arg7[%parallel_loop3A_150], %broadcast_in_dim3A_10 {strides = array<i32>} : memref<8192xi32, #tpu.memory_space<vmem>>, vector<16xi32>,
      } {sc.loop_unroll_factor = 8 : i64, sc.parallel_access}
      %parallel_loop3A_137 = arith.constant 0 : i32
      %parallel_loop3A_138 = arith.constant 1296 : i32
      %parallel_loop3A_139 = arith.constant 1 : i32
      scf.for %parallel_loop3A_147 = %parallel_loop3A_137 to %parallel_loop3A_138 step %parallel_loop3A_139  : i32 {
        %parallel_loop3A_148 = vector.broadcast %parallel_loop3A_147 : i32 to vector<16xi32>
        %parallel_loop3A_149 = arith.addi %mul3A_3, %parallel_loop3A_148 : vector<16xi32>
        %parallel_loop3A_150 = tpu.vector_load_idx %arg5[%parallel_loop3A_149] : memref<22528xi32, #tpu.memory_space<vmem>>[vector<16xi32>], vector<16xi32>,
        %parallel_loop3A_151 = arith.addi %mul3A_7, %parallel_loop3A_150 : vector<16xi32>
        tpu.vector_store_idx %arg7[%parallel_loop3A_151], %broadcast_in_dim3A_8 {add = true} : memref<8192xi32, #tpu.memory_space<vmem>>[vector<16xi32>], vector<16xi32>,
      } {sc.loop_unroll_factor = 8 : i64, sc.parallel_access}
      %add3A_140 = arith.constant 96 : i32
      %add3A_141 = arith.addi %add3A, %add3A_140 : i32
      %mul3A_142 = arith.constant 8192 : i32
      %mul3A_143 = arith.muli %add3A_141, %mul3A_142 : i32
      %multiple_of3A_144 = tpu.assume_multiple %mul3A_143, 8192 : i32
      %dma_start3A_145 = tpu.memref_slice %arg3[%multiple_of3A_144] : memref<819200xi32, #tpu.memory_space<hbm>> -> memref<8192xi32, #tpu.memory_space<hbm>>
      %dma_start3A_146 = tpu.memref_slice %arg3[%multiple_of3A_144] : memref<819200xi32, #tpu.memory_space<hbm>> -> memref<8192xi32, #tpu.memory_space<hbm>>
      tpu.enqueue_dma source(%arg7 : memref<8192xi32, #tpu.memory_space<vmem>>) target(%dma_start3A_146 : memref<8192xi32, #tpu.memory_space<hbm>>) target_semaphore(%arg11 : memref<!tpu.dma_semaphore, #tpu.memory_space<semaphore_mem>>)
    } else {
    }
    %add3A_106 = arith.constant 64 : i32
    %add3A_107 = arith.addi %add3A, %add3A_106 : i32
    %mul3A_108 = arith.constant 8192 : i32
    %mul3A_109 = arith.muli %add3A_107, %mul3A_108 : i32
    %multiple_of3A_110 = tpu.assume_multiple %mul3A_109, 8192 : i32
    %dma_wait3A_111 = tpu.memref_slice %arg3[%multiple_of3A_110] : memref<819200xi32, #tpu.memory_space<hbm>> -> memref<8192xi32, #tpu.memory_space<hbm>>
    %dma_wait3A_112 = tpu.memref_slice %arg3[%multiple_of3A_110] : memref<819200xi32, #tpu.memory_space<hbm>> -> memref<8192xi32, #tpu.memory_space<hbm>>
    tpu.wait_dma2 semaphore(%arg10 : memref<!tpu.dma_semaphore, #tpu.memory_space<semaphore_mem>>) src(%arg6 : memref<8192xi32, #tpu.memory_space<vmem>>) dst(%dma_wait3A_112 : memref<8192xi32, #tpu.memory_space<hbm>>)
    %add3A_113 = arith.constant 96 : i32
    %add3A_114 = arith.addi %add3A, %add3A_113 : i32
    %lt3A_115 = arith.constant 100 : i32
    %lt3A_116 = arith.cmpi slt, %add3A_114, %lt3A_115 : i32
    %convert_element_type3A_117 = arith.extui %lt3A_116 : i1 to i32
    %cond3A_118 = arith.constant 0 : i32
    %cond3A_119 = arith.cmpi ne, %convert_element_type3A_117, %cond3A_118 : i32
    scf.if %cond3A_119 {
      %add3A_120 = arith.constant 96 : i32
      %add3A_121 = arith.addi %add3A, %add3A_120 : i32
      %mul3A_122 = arith.constant 8192 : i32
      %mul3A_123 = arith.muli %add3A_121, %mul3A_122 : i32
      %multiple_of3A_124 = tpu.assume_multiple %mul3A_123, 8192 : i32
      %dma_wait3A_125 = tpu.memref_slice %arg3[%multiple_of3A_124] : memref<819200xi32, #tpu.memory_space<hbm>> -> memref<8192xi32, #tpu.memory_space<hbm>>
      %dma_wait3A_126 = tpu.memref_slice %arg3[%multiple_of3A_124] : memref<819200xi32, #tpu.memory_space<hbm>> -> memref<8192xi32, #tpu.memory_space<hbm>>
      tpu.wait_dma2 semaphore(%arg11 : memref<!tpu.dma_semaphore, #tpu.memory_space<semaphore_mem>>) src(%arg7 : memref<8192xi32, #tpu.memory_space<vmem>>) dst(%dma_wait3A_126 : memref<8192xi32, #tpu.memory_space<hbm>>)
    } else {
    }
    return
  }
}

module attributes {stable_mosaic.version = 14 : i64} {
  func.func @_tc_bin_body(%arg0: i32, %arg1: memref<2x27x3x48x100xi32, #tpu.memory_space<vmem>>, %arg2: memref<200x1408xi32, #tpu.memory_space<vmem>>) attributes {dimension_semantics = [#tpu.dimension_semantics<arbitrary>], iteration_bounds = array<i64: 8>, scalar_prefetch = 0 : i64, scratch_operands = 0 : i64, tpu.core_type = #tpu.core_type<tc>, window_params = [{transform_indices = @transform_0, window_bounds = array<i64: 2, 27, 3, 48, 100>}, {transform_indices = @transform_1, window_bounds = array<i64: 200, 1408>}]} {
    %iota3A = tpu.iota {dimensions = array<i32: 0>} : vector<100x100xi32>
    %iota3A_0 = tpu.iota {dimensions = array<i32: 1>} : vector<100x100xi32>
    %eq3A = arith.cmpi eq, %iota3A, %iota3A_0 : vector<100x100xi32>
    %jit3A = arith.constant 1.000000e+00 : f32
    %jit3A_1 = arith.constant 0.000000e+00 : f32
    %broadcast_in_dim3A = vector.broadcast %jit3A : f32 to vector<100x100xf32>
    %broadcast_in_dim3A_2 = vector.broadcast %jit3A_1 : f32 to vector<100x100xf32>
    %select_n3A = arith.select %eq3A, %broadcast_in_dim3A, %broadcast_in_dim3A_2 : vector<100x100xi1>, vector<100x100xf32>
    %get3A = arith.constant 0 : index
    %get3A_3 = arith.constant 0 : index
    %get3A_4 = arith.constant 0 : index
    %get3A_5 = arith.constant 0 : index
    %get3A_6 = arith.constant 0 : index
    %get3A_7 = vector.load %arg1[%get3A, %get3A_3, %get3A_4, %get3A_5, %get3A_6] : memref<2x27x3x48x100xi32, #tpu.memory_space<vmem>>, vector<1x27x3x48x100xi32>
    %get3A_8 = vector.shape_cast %get3A_7 : vector<1x27x3x48x100xi32> to vector<27x3x48x100xi32>
    %slice3A = vector.extract_strided_slice %get3A_8 {offsets = [0, 0, 0, 0], sizes = [27, 1, 48, 100], strides = [1, 1, 1, 1]} : vector<27x3x48x100xi32> to vector<27x1x48x100xi32>
    %squeeze3A = vector.shape_cast %slice3A : vector<27x1x48x100xi32> to vector<27x48x100xi32>
    %slice3A_9 = vector.extract_strided_slice %get3A_8 {offsets = [0, 1, 0, 0], sizes = [27, 1, 48, 100], strides = [1, 1, 1, 1]} : vector<27x3x48x100xi32> to vector<27x1x48x100xi32>
    %squeeze3A_10 = vector.shape_cast %slice3A_9 : vector<27x1x48x100xi32> to vector<27x48x100xi32>
    %slice3A_11 = vector.extract_strided_slice %get3A_8 {offsets = [0, 2, 0, 0], sizes = [27, 1, 48, 100], strides = [1, 1, 1, 1]} : vector<27x3x48x100xi32> to vector<27x1x48x100xi32>
    %squeeze3A_12 = vector.shape_cast %slice3A_11 : vector<27x1x48x100xi32> to vector<27x48x100xi32>
    %shift_right_arithmetic3A = arith.constant 5 : i32
    %shift_right_arithmetic3A_13 = vector.broadcast %shift_right_arithmetic3A : i32 to vector<27x48x100xi32>
    %shift_right_arithmetic3A_14 = arith.shrsi %squeeze3A, %shift_right_arithmetic3A_13 : vector<27x48x100xi32>
    %shift_left3A = arith.constant 6 : i32
    %shift_left3A_15 = vector.broadcast %shift_left3A : i32 to vector<27x48x100xi32>
    %shift_left3A_16 = arith.shli %shift_right_arithmetic3A_14, %shift_left3A_15 : vector<27x48x100xi32>
    %shift_right_arithmetic3A_17 = arith.constant 5 : i32
    %shift_right_arithmetic3A_18 = vector.broadcast %shift_right_arithmetic3A_17 : i32 to vector<27x48x100xi32>
    %shift_right_arithmetic3A_19 = arith.shrsi %squeeze3A_10, %shift_right_arithmetic3A_18 : vector<27x48x100xi32>
    %shift_left3A_20 = arith.constant 3 : i32
    %shift_left3A_21 = vector.broadcast %shift_left3A_20 : i32 to vector<27x48x100xi32>
    %shift_left3A_22 = arith.shli %shift_right_arithmetic3A_19, %shift_left3A_21 : vector<27x48x100xi32>
    %add3A = arith.addi %shift_left3A_16, %shift_left3A_22 : vector<27x48x100xi32>
    %shift_right_arithmetic3A_23 = arith.constant 5 : i32
    %shift_right_arithmetic3A_24 = vector.broadcast %shift_right_arithmetic3A_23 : i32 to vector<27x48x100xi32>
    %shift_right_arithmetic3A_25 = arith.shrsi %squeeze3A_12, %shift_right_arithmetic3A_24 : vector<27x48x100xi32>
    %add3A_26 = arith.addi %add3A, %shift_right_arithmetic3A_25 : vector<27x48x100xi32>
    %reshape3A = vector.shape_cast %add3A_26 : vector<27x48x100xi32> to vector<1296x100xi32>
    %convert_element_type3A = arith.sitofp %reshape3A : vector<1296x100xi32> to vector<1296x100xf32>
    %dot_general3A = arith.constant dense<0.000000e+00> : vector<100x1296xf32>
    %dot_general3A_27 = tpu.matmul %select_n3A, %convert_element_type3A, %dot_general3A {dimension_numbers = #tpu.dot_dimension_numbers<[1], [1], [0], [0], [0, 0, 1, 0], [], []>, precision = #tpu.contract_precision<fp32>, transpose_lhs_hint = false} : vector<100x100xf32>, vector<1296x100xf32>, vector<100x1296xf32> -> vector<100x1296xf32>
    %add3A_28 = arith.constant 5.000000e-01 : f32
    %add3A_29 = vector.broadcast %add3A_28 : f32 to vector<100x1296xf32>
    %add3A_30 = arith.addf %dot_general3A_27, %add3A_29 : vector<100x1296xf32>
    %convert_element_type3A_31 = arith.fptosi %add3A_30 : vector<100x1296xf32> to vector<100x1296xi32>
    %get3A_32 = arith.constant 1 : index
    %get3A_33 = arith.constant 0 : index
    %get3A_34 = arith.constant 0 : index
    %get3A_35 = arith.constant 0 : index
    %get3A_36 = arith.constant 0 : index
    %get3A_37 = vector.load %arg1[%get3A_32, %get3A_33, %get3A_34, %get3A_35, %get3A_36] : memref<2x27x3x48x100xi32, #tpu.memory_space<vmem>>, vector<1x27x3x48x100xi32>
    %get3A_38 = vector.shape_cast %get3A_37 : vector<1x27x3x48x100xi32> to vector<27x3x48x100xi32>
    %slice3A_39 = vector.extract_strided_slice %get3A_38 {offsets = [0, 0, 0, 0], sizes = [27, 1, 48, 100], strides = [1, 1, 1, 1]} : vector<27x3x48x100xi32> to vector<27x1x48x100xi32>
    %squeeze3A_40 = vector.shape_cast %slice3A_39 : vector<27x1x48x100xi32> to vector<27x48x100xi32>
    %slice3A_41 = vector.extract_strided_slice %get3A_38 {offsets = [0, 1, 0, 0], sizes = [27, 1, 48, 100], strides = [1, 1, 1, 1]} : vector<27x3x48x100xi32> to vector<27x1x48x100xi32>
    %squeeze3A_42 = vector.shape_cast %slice3A_41 : vector<27x1x48x100xi32> to vector<27x48x100xi32>
    %slice3A_43 = vector.extract_strided_slice %get3A_38 {offsets = [0, 2, 0, 0], sizes = [27, 1, 48, 100], strides = [1, 1, 1, 1]} : vector<27x3x48x100xi32> to vector<27x1x48x100xi32>
    %squeeze3A_44 = vector.shape_cast %slice3A_43 : vector<27x1x48x100xi32> to vector<27x48x100xi32>
    %shift_right_arithmetic3A_45 = arith.constant 5 : i32
    %shift_right_arithmetic3A_46 = vector.broadcast %shift_right_arithmetic3A_45 : i32 to vector<27x48x100xi32>
    %shift_right_arithmetic3A_47 = arith.shrsi %squeeze3A_40, %shift_right_arithmetic3A_46 : vector<27x48x100xi32>
    %shift_left3A_48 = arith.constant 6 : i32
    %shift_left3A_49 = vector.broadcast %shift_left3A_48 : i32 to vector<27x48x100xi32>
    %shift_left3A_50 = arith.shli %shift_right_arithmetic3A_47, %shift_left3A_49 : vector<27x48x100xi32>
    %shift_right_arithmetic3A_51 = arith.constant 5 : i32
    %shift_right_arithmetic3A_52 = vector.broadcast %shift_right_arithmetic3A_51 : i32 to vector<27x48x100xi32>
    %shift_right_arithmetic3A_53 = arith.shrsi %squeeze3A_42, %shift_right_arithmetic3A_52 : vector<27x48x100xi32>
    %shift_left3A_54 = arith.constant 3 : i32
    %shift_left3A_55 = vector.broadcast %shift_left3A_54 : i32 to vector<27x48x100xi32>
    %shift_left3A_56 = arith.shli %shift_right_arithmetic3A_53, %shift_left3A_55 : vector<27x48x100xi32>
    %add3A_57 = arith.addi %shift_left3A_50, %shift_left3A_56 : vector<27x48x100xi32>
    %shift_right_arithmetic3A_58 = arith.constant 5 : i32
    %shift_right_arithmetic3A_59 = vector.broadcast %shift_right_arithmetic3A_58 : i32 to vector<27x48x100xi32>
    %shift_right_arithmetic3A_60 = arith.shrsi %squeeze3A_44, %shift_right_arithmetic3A_59 : vector<27x48x100xi32>
    %add3A_61 = arith.addi %add3A_57, %shift_right_arithmetic3A_60 : vector<27x48x100xi32>
    %reshape3A_62 = vector.shape_cast %add3A_61 : vector<27x48x100xi32> to vector<1296x100xi32>
    %convert_element_type3A_63 = arith.sitofp %reshape3A_62 : vector<1296x100xi32> to vector<1296x100xf32>
    %dot_general3A_64 = arith.constant dense<0.000000e+00> : vector<100x1296xf32>
    %dot_general3A_65 = tpu.matmul %select_n3A, %convert_element_type3A_63, %dot_general3A_64 {dimension_numbers = #tpu.dot_dimension_numbers<[1], [1], [0], [0], [0, 0, 1, 0], [], []>, precision = #tpu.contract_precision<fp32>, transpose_lhs_hint = false} : vector<100x100xf32>, vector<1296x100xf32>, vector<100x1296xf32> -> vector<100x1296xf32>
    %add3A_66 = arith.constant 5.000000e-01 : f32
    %add3A_67 = vector.broadcast %add3A_66 : f32 to vector<100x1296xf32>
    %add3A_68 = arith.addf %dot_general3A_65, %add3A_67 : vector<100x1296xf32>
    %convert_element_type3A_69 = arith.fptosi %add3A_68 : vector<100x1296xf32> to vector<100x1296xi32>
    %concatenate3A = tpu.concatenate %convert_element_type3A_31, %convert_element_type3A_69 in 0 : vector<100x1296xi32>, vector<100x1296xi32> -> vector<200x1296xi32>
    %broadcast_in_dim3A_70 = arith.constant 0 : i32
    %broadcast_in_dim3A_71 = vector.broadcast %broadcast_in_dim3A_70 : i32 to vector<200x112xi32>
    %concatenate3A_72 = tpu.concatenate %concatenate3A, %broadcast_in_dim3A_71 in 1 : vector<200x1296xi32>, vector<200x112xi32> -> vector<200x1408xi32>
    %swap3A = arith.constant 0 : index
    %swap3A_73 = arith.constant 0 : index
    %swap3A_74 = vector.load %arg2[%swap3A, %swap3A_73] : memref<200x1408xi32, #tpu.memory_space<vmem>>, vector<200x1408xi32>
    tpu.vector_store %arg2[%swap3A, %swap3A_73], %concatenate3A_72 {strides = array<i32>} : memref<200x1408xi32, #tpu.memory_space<vmem>>, vector<200x1408xi32>,
    return
  }
  func.func @transform_0(%arg0: i32) -> (i32, i32, i32, i32, i32) {
    %c0_i32 = arith.constant 0 : i32
    %c0_i32_0 = arith.constant 0 : i32
    %c0_i32_1 = arith.constant 0 : i32
    %c0_i32_2 = arith.constant 0 : i32
    %c0_i32_3 = arith.constant 0 : i32
    return %arg0, %c0_i32, %c0_i32_0, %c0_i32_1, %c0_i32_2 : i32, i32, i32, i32, i32
  }
  func.func @transform_1(%arg0: i32) -> (i32, i32) {
    %c0_i32 = arith.constant 0 : i32
    %c0_i32_0 = arith.constant 0 : i32
    return %arg0, %c0_i32 : i32, i32
  }
}

module attributes {stable_mosaic.version = 14 : i64} {
  func.func @_tc_dense_body(%arg0: i32, %arg1: memref<1600x512xi32, #tpu.memory_space<vmem>>, %arg2: memref<101x128xf32, #tpu.memory_space<vmem>>, %arg3: memref<1x128xf32, #tpu.memory_space<vmem>>, %arg4: memref<100x16x128xf32, #tpu.memory_space<vmem>>) attributes {dimension_semantics = [#tpu.dimension_semantics<arbitrary>], iteration_bounds = array<i64: 1>, scalar_prefetch = 0 : i64, scratch_operands = 0 : i64, tpu.core_type = #tpu.core_type<tc>, window_params = [{pipeline_mode = #tpu.pipeline_mode<synchronous>, transform_indices = @transform_0, window_bounds = array<i64: 1600, 512>}, {pipeline_mode = #tpu.pipeline_mode<synchronous>, transform_indices = @transform_1, window_bounds = array<i64: 101, 128>}, {pipeline_mode = #tpu.pipeline_mode<synchronous>, transform_indices = @transform_2, window_bounds = array<i64: 1, 128>}, {pipeline_mode = #tpu.pipeline_mode<synchronous>, transform_indices = @transform_3, window_bounds = array<i64: 100, 16, 128>}]} {
    %iota3A = tpu.iota {dimensions = array<i32: 0>} : vector<100x200xi32>
    %broadcast_in_dim3A = arith.constant 0.000000e+00 : f32
    %broadcast_in_dim3A_0 = vector.broadcast %broadcast_in_dim3A : f32 to vector<100x50xf32>
    %get3A = arith.constant 0 : index
    %get3A_1 = arith.constant 0 : index
    %get3A_2 = vector.load %arg2[%get3A, %get3A_1] : memref<101x128xf32, #tpu.memory_space<vmem>>, vector<101x128xf32>
    %get3A_3 = arith.constant 0 : index
    %get3A_4 = arith.constant 0 : index
    %get3A_5 = vector.load %arg3[%get3A_3, %get3A_4] : memref<1x128xf32, #tpu.memory_space<vmem>>, vector<1x128xf32>
    %get3A_6 = vector.shape_cast %get3A_5 : vector<1x128xf32> to vector<128xf32>
    %broadcast_in_dim3A_7 = vector.shape_cast %get3A_6 : vector<128xf32> to vector<1x128xf32>
    %get3A_8 = arith.constant 0 : index
    %get3A_9 = arith.constant 0 : index
    %get3A_10 = vector.load %arg1[%get3A_8, %get3A_9] : memref<1600x512xi32, #tpu.memory_space<vmem>>, vector<100x512xi32>
    %convert_element_type3A = arith.sitofp %get3A_10 : vector<100x512xi32> to vector<100x512xf32>
    %mul3A = arith.mulf %convert_element_type3A, %convert_element_type3A : vector<100x512xf32>
    %reduce_sum3A = arith.constant dense<0.000000e+00> : vector<100xf32>
    %reduce_sum3A_11 = vector.multi_reduction <add>, %mul3A, %reduce_sum3A [1] : vector<100x512xf32> to vector<100xf32>
    %broadcast_in_dim3A_12 = vector.shape_cast %reduce_sum3A_11 : vector<100xf32> to vector<100x1xf32>
    %sqrt3A = math.sqrt %broadcast_in_dim3A_12 : vector<100x1xf32>
    %max3A = arith.constant 9.99999996E-13 : f32
    %max3A_13 = vector.broadcast %max3A : f32 to vector<100x1xf32>
    %max3A_14 = arith.maximumf %sqrt3A, %max3A_13 : vector<100x1xf32>
    %div3A = vector.broadcast %max3A_14 : vector<100x1xf32> to vector<100x512xf32>
    %div3A_15 = arith.divf %convert_element_type3A, %div3A : vector<100x512xf32>
    %dot_general3A = arith.constant dense<0.000000e+00> : vector<100x100xf32>
    %dot_general3A_16 = tpu.matmul %div3A_15, %div3A_15, %dot_general3A {dimension_numbers = #tpu.dot_dimension_numbers<[1], [1], [0], [0], [0, 0, 1, 0], [], []>, transpose_lhs_hint = false} : vector<100x512xf32>, vector<100x512xf32>, vector<100x100xf32> -> vector<100x100xf32>
    %concatenate3A = tpu.concatenate %broadcast_in_dim3A_0, %dot_general3A_16, %broadcast_in_dim3A_0 in 1 : vector<100x50xf32>, vector<100x100xf32>, vector<100x50xf32> -> vector<100x200xf32>
    %slice3A = vector.extract_strided_slice %concatenate3A {offsets = [0, 1], sizes = [100, 199], strides = [1, 1]} : vector<100x200xf32> to vector<100x199xf32>
    %slice3A_17 = vector.extract_strided_slice %concatenate3A {offsets = [0, 0], sizes = [100, 1], strides = [1, 1]} : vector<100x200xf32> to vector<100x1xf32>
    %concatenate3A_18 = tpu.concatenate %slice3A, %slice3A_17 in 1 : vector<100x199xf32>, vector<100x1xf32> -> vector<100x200xf32>
    %and3A = arith.constant 1 : i32
    %and3A_19 = vector.broadcast %and3A : i32 to vector<100x200xi32>
    %and3A_20 = arith.andi %iota3A, %and3A_19 : vector<100x200xi32>
    %ne3A = arith.constant 0 : i32
    %ne3A_21 = vector.broadcast %ne3A : i32 to vector<100x200xi32>
    %ne3A_22 = arith.cmpi ne, %and3A_20, %ne3A_21 : vector<100x200xi32>
    %select_n3A = arith.select %ne3A_22, %concatenate3A_18, %concatenate3A : vector<100x200xi1>, vector<100x200xf32>
    %slice3A_23 = vector.extract_strided_slice %select_n3A {offsets = [0, 2], sizes = [100, 198], strides = [1, 1]} : vector<100x200xf32> to vector<100x198xf32>
    %slice3A_24 = vector.extract_strided_slice %select_n3A {offsets = [0, 0], sizes = [100, 2], strides = [1, 1]} : vector<100x200xf32> to vector<100x2xf32>
    %concatenate3A_25 = tpu.concatenate %slice3A_23, %slice3A_24 in 1 : vector<100x198xf32>, vector<100x2xf32> -> vector<100x200xf32>
    %and3A_26 = arith.constant 2 : i32
    %and3A_27 = vector.broadcast %and3A_26 : i32 to vector<100x200xi32>
    %and3A_28 = arith.andi %iota3A, %and3A_27 : vector<100x200xi32>
    %ne3A_29 = arith.constant 0 : i32
    %ne3A_30 = vector.broadcast %ne3A_29 : i32 to vector<100x200xi32>
    %ne3A_31 = arith.cmpi ne, %and3A_28, %ne3A_30 : vector<100x200xi32>
    %select_n3A_32 = arith.select %ne3A_31, %concatenate3A_25, %select_n3A : vector<100x200xi1>, vector<100x200xf32>
    %slice3A_33 = vector.extract_strided_slice %select_n3A_32 {offsets = [0, 4], sizes = [100, 196], strides = [1, 1]} : vector<100x200xf32> to vector<100x196xf32>
    %slice3A_34 = vector.extract_strided_slice %select_n3A_32 {offsets = [0, 0], sizes = [100, 4], strides = [1, 1]} : vector<100x200xf32> to vector<100x4xf32>
    %concatenate3A_35 = tpu.concatenate %slice3A_33, %slice3A_34 in 1 : vector<100x196xf32>, vector<100x4xf32> -> vector<100x200xf32>
    %and3A_36 = arith.constant 4 : i32
    %and3A_37 = vector.broadcast %and3A_36 : i32 to vector<100x200xi32>
    %and3A_38 = arith.andi %iota3A, %and3A_37 : vector<100x200xi32>
    %ne3A_39 = arith.constant 0 : i32
    %ne3A_40 = vector.broadcast %ne3A_39 : i32 to vector<100x200xi32>
    %ne3A_41 = arith.cmpi ne, %and3A_38, %ne3A_40 : vector<100x200xi32>
    %select_n3A_42 = arith.select %ne3A_41, %concatenate3A_35, %select_n3A_32 : vector<100x200xi1>, vector<100x200xf32>
    %slice3A_43 = vector.extract_strided_slice %select_n3A_42 {offsets = [0, 8], sizes = [100, 192], strides = [1, 1]} : vector<100x200xf32> to vector<100x192xf32>
    %slice3A_44 = vector.extract_strided_slice %select_n3A_42 {offsets = [0, 0], sizes = [100, 8], strides = [1, 1]} : vector<100x200xf32> to vector<100x8xf32>
    %concatenate3A_45 = tpu.concatenate %slice3A_43, %slice3A_44 in 1 : vector<100x192xf32>, vector<100x8xf32> -> vector<100x200xf32>
    %and3A_46 = arith.constant 8 : i32
    %and3A_47 = vector.broadcast %and3A_46 : i32 to vector<100x200xi32>
    %and3A_48 = arith.andi %iota3A, %and3A_47 : vector<100x200xi32>
    %ne3A_49 = arith.constant 0 : i32
    %ne3A_50 = vector.broadcast %ne3A_49 : i32 to vector<100x200xi32>
    %ne3A_51 = arith.cmpi ne, %and3A_48, %ne3A_50 : vector<100x200xi32>
    %select_n3A_52 = arith.select %ne3A_51, %concatenate3A_45, %select_n3A_42 : vector<100x200xi1>, vector<100x200xf32>
    %slice3A_53 = vector.extract_strided_slice %select_n3A_52 {offsets = [0, 16], sizes = [100, 184], strides = [1, 1]} : vector<100x200xf32> to vector<100x184xf32>
    %slice3A_54 = vector.extract_strided_slice %select_n3A_52 {offsets = [0, 0], sizes = [100, 16], strides = [1, 1]} : vector<100x200xf32> to vector<100x16xf32>
    %concatenate3A_55 = tpu.concatenate %slice3A_53, %slice3A_54 in 1 : vector<100x184xf32>, vector<100x16xf32> -> vector<100x200xf32>
    %and3A_56 = arith.constant 16 : i32
    %and3A_57 = vector.broadcast %and3A_56 : i32 to vector<100x200xi32>
    %and3A_58 = arith.andi %iota3A, %and3A_57 : vector<100x200xi32>
    %ne3A_59 = arith.constant 0 : i32
    %ne3A_60 = vector.broadcast %ne3A_59 : i32 to vector<100x200xi32>
    %ne3A_61 = arith.cmpi ne, %and3A_58, %ne3A_60 : vector<100x200xi32>
    %select_n3A_62 = arith.select %ne3A_61, %concatenate3A_55, %select_n3A_52 : vector<100x200xi1>, vector<100x200xf32>
    %slice3A_63 = vector.extract_strided_slice %select_n3A_62 {offsets = [0, 32], sizes = [100, 168], strides = [1, 1]} : vector<100x200xf32> to vector<100x168xf32>
    %slice3A_64 = vector.extract_strided_slice %select_n3A_62 {offsets = [0, 0], sizes = [100, 32], strides = [1, 1]} : vector<100x200xf32> to vector<100x32xf32>
    %concatenate3A_65 = tpu.concatenate %slice3A_63, %slice3A_64 in 1 : vector<100x168xf32>, vector<100x32xf32> -> vector<100x200xf32>
    %and3A_66 = arith.constant 32 : i32
    %and3A_67 = vector.broadcast %and3A_66 : i32 to vector<100x200xi32>
    %and3A_68 = arith.andi %iota3A, %and3A_67 : vector<100x200xi32>
    %ne3A_69 = arith.constant 0 : i32
    %ne3A_70 = vector.broadcast %ne3A_69 : i32 to vector<100x200xi32>
    %ne3A_71 = arith.cmpi ne, %and3A_68, %ne3A_70 : vector<100x200xi32>
    %select_n3A_72 = arith.select %ne3A_71, %concatenate3A_65, %select_n3A_62 : vector<100x200xi1>, vector<100x200xf32>
    %slice3A_73 = vector.extract_strided_slice %select_n3A_72 {offsets = [0, 64], sizes = [100, 136], strides = [1, 1]} : vector<100x200xf32> to vector<100x136xf32>
    %slice3A_74 = vector.extract_strided_slice %select_n3A_72 {offsets = [0, 0], sizes = [100, 64], strides = [1, 1]} : vector<100x200xf32> to vector<100x64xf32>
    %concatenate3A_75 = tpu.concatenate %slice3A_73, %slice3A_74 in 1 : vector<100x136xf32>, vector<100x64xf32> -> vector<100x200xf32>
    %and3A_76 = arith.constant 64 : i32
    %and3A_77 = vector.broadcast %and3A_76 : i32 to vector<100x200xi32>
    %and3A_78 = arith.andi %iota3A, %and3A_77 : vector<100x200xi32>
    %ne3A_79 = arith.constant 0 : i32
    %ne3A_80 = vector.broadcast %ne3A_79 : i32 to vector<100x200xi32>
    %ne3A_81 = arith.cmpi ne, %and3A_78, %ne3A_80 : vector<100x200xi32>
    %select_n3A_82 = arith.select %ne3A_81, %concatenate3A_75, %select_n3A_72 : vector<100x200xi1>, vector<100x200xf32>
    %slice3A_83 = vector.extract_strided_slice %select_n3A_82 {offsets = [0, 0], sizes = [100, 101], strides = [1, 1]} : vector<100x200xf32> to vector<100x101xf32>
    %dot_general3A_84 = arith.constant dense<0.000000e+00> : vector<100x128xf32>
    %dot_general3A_85 = tpu.matmul %slice3A_83, %get3A_2, %dot_general3A_84 {dimension_numbers = #tpu.dot_dimension_numbers<[1], [0], [0], [1], [0, 0, 1, 1], [], []>, transpose_lhs_hint = false} : vector<100x101xf32>, vector<101x128xf32>, vector<100x128xf32> -> vector<100x128xf32>
    %add3A = vector.broadcast %broadcast_in_dim3A_7 : vector<1x128xf32> to vector<100x128xf32>
    %add3A_86 = arith.addf %dot_general3A_85, %add3A : vector<100x128xf32>
    %max3A_87 = arith.constant 0.000000e+00 : f32
    %max3A_88 = vector.broadcast %max3A_87 : f32 to vector<100x128xf32>
    %max3A_89 = arith.maximumf %add3A_86, %max3A_88 : vector<100x128xf32>
    %swap3A = arith.constant 0 : index
    %swap3A_90 = arith.constant 0 : index
    %swap3A_91 = arith.constant 0 : index
    %swap3A_92 = vector.load %arg4[%swap3A, %swap3A_90, %swap3A_91] : memref<100x16x128xf32, #tpu.memory_space<vmem>>, vector<100x1x128xf32>
    %swap3A_93 = vector.shape_cast %swap3A_92 : vector<100x1x128xf32> to vector<100x128xf32>
    %swap3A_94 = vector.shape_cast %max3A_89 : vector<100x128xf32> to vector<100x1x128xf32>
    tpu.vector_store %arg4[%swap3A, %swap3A_90, %swap3A_91], %swap3A_94 {strides = array<i32>} : memref<100x16x128xf32, #tpu.memory_space<vmem>>, vector<100x1x128xf32>,
    %get3A_95 = arith.constant 100 : index
    %get3A_96 = arith.constant 0 : index
    %get3A_97 = vector.load %arg1[%get3A_95, %get3A_96] : memref<1600x512xi32, #tpu.memory_space<vmem>>, vector<100x512xi32>
    %convert_element_type3A_98 = arith.sitofp %get3A_97 : vector<100x512xi32> to vector<100x512xf32>
    %mul3A_99 = arith.mulf %convert_element_type3A_98, %convert_element_type3A_98 : vector<100x512xf32>
    %reduce_sum3A_100 = arith.constant dense<0.000000e+00> : vector<100xf32>
    %reduce_sum3A_101 = vector.multi_reduction <add>, %mul3A_99, %reduce_sum3A_100 [1] : vector<100x512xf32> to vector<100xf32>
    %broadcast_in_dim3A_102 = vector.shape_cast %reduce_sum3A_101 : vector<100xf32> to vector<100x1xf32>
    %sqrt3A_103 = math.sqrt %broadcast_in_dim3A_102 : vector<100x1xf32>
    %max3A_104 = arith.constant 9.99999996E-13 : f32
    %max3A_105 = vector.broadcast %max3A_104 : f32 to vector<100x1xf32>
    %max3A_106 = arith.maximumf %sqrt3A_103, %max3A_105 : vector<100x1xf32>
    %div3A_107 = vector.broadcast %max3A_106 : vector<100x1xf32> to vector<100x512xf32>
    %div3A_108 = arith.divf %convert_element_type3A_98, %div3A_107 : vector<100x512xf32>
    %dot_general3A_109 = arith.constant dense<0.000000e+00> : vector<100x100xf32>
    %dot_general3A_110 = tpu.matmul %div3A_108, %div3A_108, %dot_general3A_109 {dimension_numbers = #tpu.dot_dimension_numbers<[1], [1], [0], [0], [0, 0, 1, 0], [], []>, transpose_lhs_hint = false} : vector<100x512xf32>, vector<100x512xf32>, vector<100x100xf32> -> vector<100x100xf32>
    %concatenate3A_111 = tpu.concatenate %broadcast_in_dim3A_0, %dot_general3A_110, %broadcast_in_dim3A_0 in 1 : vector<100x50xf32>, vector<100x100xf32>, vector<100x50xf32> -> vector<100x200xf32>
    %slice3A_112 = vector.extract_strided_slice %concatenate3A_111 {offsets = [0, 1], sizes = [100, 199], strides = [1, 1]} : vector<100x200xf32> to vector<100x199xf32>
    %slice3A_113 = vector.extract_strided_slice %concatenate3A_111 {offsets = [0, 0], sizes = [100, 1], strides = [1, 1]} : vector<100x200xf32> to vector<100x1xf32>
    %concatenate3A_114 = tpu.concatenate %slice3A_112, %slice3A_113 in 1 : vector<100x199xf32>, vector<100x1xf32> -> vector<100x200xf32>
    %and3A_115 = arith.constant 1 : i32
    %and3A_116 = vector.broadcast %and3A_115 : i32 to vector<100x200xi32>
    %and3A_117 = arith.andi %iota3A, %and3A_116 : vector<100x200xi32>
    %ne3A_118 = arith.constant 0 : i32
    %ne3A_119 = vector.broadcast %ne3A_118 : i32 to vector<100x200xi32>
    %ne3A_120 = arith.cmpi ne, %and3A_117, %ne3A_119 : vector<100x200xi32>
    %select_n3A_121 = arith.select %ne3A_120, %concatenate3A_114, %concatenate3A_111 : vector<100x200xi1>, vector<100x200xf32>
    %slice3A_122 = vector.extract_strided_slice %select_n3A_121 {offsets = [0, 2], sizes = [100, 198], strides = [1, 1]} : vector<100x200xf32> to vector<100x198xf32>
    %slice3A_123 = vector.extract_strided_slice %select_n3A_121 {offsets = [0, 0], sizes = [100, 2], strides = [1, 1]} : vector<100x200xf32> to vector<100x2xf32>
    %concatenate3A_124 = tpu.concatenate %slice3A_122, %slice3A_123 in 1 : vector<100x198xf32>, vector<100x2xf32> -> vector<100x200xf32>
    %and3A_125 = arith.constant 2 : i32
    %and3A_126 = vector.broadcast %and3A_125 : i32 to vector<100x200xi32>
    %and3A_127 = arith.andi %iota3A, %and3A_126 : vector<100x200xi32>
    %ne3A_128 = arith.constant 0 : i32
    %ne3A_129 = vector.broadcast %ne3A_128 : i32 to vector<100x200xi32>
    %ne3A_130 = arith.cmpi ne, %and3A_127, %ne3A_129 : vector<100x200xi32>
    %select_n3A_131 = arith.select %ne3A_130, %concatenate3A_124, %select_n3A_121 : vector<100x200xi1>, vector<100x200xf32>
    %slice3A_132 = vector.extract_strided_slice %select_n3A_131 {offsets = [0, 4], sizes = [100, 196], strides = [1, 1]} : vector<100x200xf32> to vector<100x196xf32>
    %slice3A_133 = vector.extract_strided_slice %select_n3A_131 {offsets = [0, 0], sizes = [100, 4], strides = [1, 1]} : vector<100x200xf32> to vector<100x4xf32>
    %concatenate3A_134 = tpu.concatenate %slice3A_132, %slice3A_133 in 1 : vector<100x196xf32>, vector<100x4xf32> -> vector<100x200xf32>
    %and3A_135 = arith.constant 4 : i32
    %and3A_136 = vector.broadcast %and3A_135 : i32 to vector<100x200xi32>
    %and3A_137 = arith.andi %iota3A, %and3A_136 : vector<100x200xi32>
    %ne3A_138 = arith.constant 0 : i32
    %ne3A_139 = vector.broadcast %ne3A_138 : i32 to vector<100x200xi32>
    %ne3A_140 = arith.cmpi ne, %and3A_137, %ne3A_139 : vector<100x200xi32>
    %select_n3A_141 = arith.select %ne3A_140, %concatenate3A_134, %select_n3A_131 : vector<100x200xi1>, vector<100x200xf32>
    %slice3A_142 = vector.extract_strided_slice %select_n3A_141 {offsets = [0, 8], sizes = [100, 192], strides = [1, 1]} : vector<100x200xf32> to vector<100x192xf32>
    %slice3A_143 = vector.extract_strided_slice %select_n3A_141 {offsets = [0, 0], sizes = [100, 8], strides = [1, 1]} : vector<100x200xf32> to vector<100x8xf32>
    %concatenate3A_144 = tpu.concatenate %slice3A_142, %slice3A_143 in 1 : vector<100x192xf32>, vector<100x8xf32> -> vector<100x200xf32>
    %and3A_145 = arith.constant 8 : i32
    %and3A_146 = vector.broadcast %and3A_145 : i32 to vector<100x200xi32>
    %and3A_147 = arith.andi %iota3A, %and3A_146 : vector<100x200xi32>
    %ne3A_148 = arith.constant 0 : i32
    %ne3A_149 = vector.broadcast %ne3A_148 : i32 to vector<100x200xi32>
    %ne3A_150 = arith.cmpi ne, %and3A_147, %ne3A_149 : vector<100x200xi32>
    %select_n3A_151 = arith.select %ne3A_150, %concatenate3A_144, %select_n3A_141 : vector<100x200xi1>, vector<100x200xf32>
    %slice3A_152 = vector.extract_strided_slice %select_n3A_151 {offsets = [0, 16], sizes = [100, 184], strides = [1, 1]} : vector<100x200xf32> to vector<100x184xf32>
    %slice3A_153 = vector.extract_strided_slice %select_n3A_151 {offsets = [0, 0], sizes = [100, 16], strides = [1, 1]} : vector<100x200xf32> to vector<100x16xf32>
    %concatenate3A_154 = tpu.concatenate %slice3A_152, %slice3A_153 in 1 : vector<100x184xf32>, vector<100x16xf32> -> vector<100x200xf32>
    %and3A_155 = arith.constant 16 : i32
    %and3A_156 = vector.broadcast %and3A_155 : i32 to vector<100x200xi32>
    %and3A_157 = arith.andi %iota3A, %and3A_156 : vector<100x200xi32>
    %ne3A_158 = arith.constant 0 : i32
    %ne3A_159 = vector.broadcast %ne3A_158 : i32 to vector<100x200xi32>
    %ne3A_160 = arith.cmpi ne, %and3A_157, %ne3A_159 : vector<100x200xi32>
    %select_n3A_161 = arith.select %ne3A_160, %concatenate3A_154, %select_n3A_151 : vector<100x200xi1>, vector<100x200xf32>
    %slice3A_162 = vector.extract_strided_slice %select_n3A_161 {offsets = [0, 32], sizes = [100, 168], strides = [1, 1]} : vector<100x200xf32> to vector<100x168xf32>
    %slice3A_163 = vector.extract_strided_slice %select_n3A_161 {offsets = [0, 0], sizes = [100, 32], strides = [1, 1]} : vector<100x200xf32> to vector<100x32xf32>
    %concatenate3A_164 = tpu.concatenate %slice3A_162, %slice3A_163 in 1 : vector<100x168xf32>, vector<100x32xf32> -> vector<100x200xf32>
    %and3A_165 = arith.constant 32 : i32
    %and3A_166 = vector.broadcast %and3A_165 : i32 to vector<100x200xi32>
    %and3A_167 = arith.andi %iota3A, %and3A_166 : vector<100x200xi32>
    %ne3A_168 = arith.constant 0 : i32
    %ne3A_169 = vector.broadcast %ne3A_168 : i32 to vector<100x200xi32>
    %ne3A_170 = arith.cmpi ne, %and3A_167, %ne3A_169 : vector<100x200xi32>
    %select_n3A_171 = arith.select %ne3A_170, %concatenate3A_164, %select_n3A_161 : vector<100x200xi1>, vector<100x200xf32>
    %slice3A_172 = vector.extract_strided_slice %select_n3A_171 {offsets = [0, 64], sizes = [100, 136], strides = [1, 1]} : vector<100x200xf32> to vector<100x136xf32>
    %slice3A_173 = vector.extract_strided_slice %select_n3A_171 {offsets = [0, 0], sizes = [100, 64], strides = [1, 1]} : vector<100x200xf32> to vector<100x64xf32>
    %concatenate3A_174 = tpu.concatenate %slice3A_172, %slice3A_173 in 1 : vector<100x136xf32>, vector<100x64xf32> -> vector<100x200xf32>
    %and3A_175 = arith.constant 64 : i32
    %and3A_176 = vector.broadcast %and3A_175 : i32 to vector<100x200xi32>
    %and3A_177 = arith.andi %iota3A, %and3A_176 : vector<100x200xi32>
    %ne3A_178 = arith.constant 0 : i32
    %ne3A_179 = vector.broadcast %ne3A_178 : i32 to vector<100x200xi32>
    %ne3A_180 = arith.cmpi ne, %and3A_177, %ne3A_179 : vector<100x200xi32>
    %select_n3A_181 = arith.select %ne3A_180, %concatenate3A_174, %select_n3A_171 : vector<100x200xi1>, vector<100x200xf32>
    %slice3A_182 = vector.extract_strided_slice %select_n3A_181 {offsets = [0, 0], sizes = [100, 101], strides = [1, 1]} : vector<100x200xf32> to vector<100x101xf32>
    %dot_general3A_183 = arith.constant dense<0.000000e+00> : vector<100x128xf32>
    %dot_general3A_184 = tpu.matmul %slice3A_182, %get3A_2, %dot_general3A_183 {dimension_numbers = #tpu.dot_dimension_numbers<[1], [0], [0], [1], [0, 0, 1, 1], [], []>, transpose_lhs_hint = false} : vector<100x101xf32>, vector<101x128xf32>, vector<100x128xf32> -> vector<100x128xf32>
    %add3A_185 = vector.broadcast %broadcast_in_dim3A_7 : vector<1x128xf32> to vector<100x128xf32>
    %add3A_186 = arith.addf %dot_general3A_184, %add3A_185 : vector<100x128xf32>
    %max3A_187 = arith.constant 0.000000e+00 : f32
    %max3A_188 = vector.broadcast %max3A_187 : f32 to vector<100x128xf32>
    %max3A_189 = arith.maximumf %add3A_186, %max3A_188 : vector<100x128xf32>
    %swap3A_190 = arith.constant 0 : index
    %swap3A_191 = arith.constant 1 : index
    %swap3A_192 = arith.constant 0 : index
    %swap3A_193 = vector.load %arg4[%swap3A_190, %swap3A_191, %swap3A_192] : memref<100x16x128xf32, #tpu.memory_space<vmem>>, vector<100x1x128xf32>
    %swap3A_194 = vector.shape_cast %swap3A_193 : vector<100x1x128xf32> to vector<100x128xf32>
    %swap3A_195 = vector.shape_cast %max3A_189 : vector<100x128xf32> to vector<100x1x128xf32>
    tpu.vector_store %arg4[%swap3A_190, %swap3A_191, %swap3A_192], %swap3A_195 {strides = array<i32>} : memref<100x16x128xf32, #tpu.memory_space<vmem>>, vector<100x1x128xf32>,
    %get3A_196 = arith.constant 200 : index
    %get3A_197 = arith.constant 0 : index
    %get3A_198 = vector.load %arg1[%get3A_196, %get3A_197] : memref<1600x512xi32, #tpu.memory_space<vmem>>, vector<100x512xi32>
    %convert_element_type3A_199 = arith.sitofp %get3A_198 : vector<100x512xi32> to vector<100x512xf32>
    %mul3A_200 = arith.mulf %convert_element_type3A_199, %convert_element_type3A_199 : vector<100x512xf32>
    %reduce_sum3A_201 = arith.constant dense<0.000000e+00> : vector<100xf32>
    %reduce_sum3A_202 = vector.multi_reduction <add>, %mul3A_200, %reduce_sum3A_201 [1] : vector<100x512xf32> to vector<100xf32>
    %broadcast_in_dim3A_203 = vector.shape_cast %reduce_sum3A_202 : vector<100xf32> to vector<100x1xf32>
    %sqrt3A_204 = math.sqrt %broadcast_in_dim3A_203 : vector<100x1xf32>
    %max3A_205 = arith.constant 9.99999996E-13 : f32
    %max3A_206 = vector.broadcast %max3A_205 : f32 to vector<100x1xf32>
    %max3A_207 = arith.maximumf %sqrt3A_204, %max3A_206 : vector<100x1xf32>
    %div3A_208 = vector.broadcast %max3A_207 : vector<100x1xf32> to vector<100x512xf32>
    %div3A_209 = arith.divf %convert_element_type3A_199, %div3A_208 : vector<100x512xf32>
    %dot_general3A_210 = arith.constant dense<0.000000e+00> : vector<100x100xf32>
    %dot_general3A_211 = tpu.matmul %div3A_209, %div3A_209, %dot_general3A_210 {dimension_numbers = #tpu.dot_dimension_numbers<[1], [1], [0], [0], [0, 0, 1, 0], [], []>, transpose_lhs_hint = false} : vector<100x512xf32>, vector<100x512xf32>, vector<100x100xf32> -> vector<100x100xf32>
    %concatenate3A_212 = tpu.concatenate %broadcast_in_dim3A_0, %dot_general3A_211, %broadcast_in_dim3A_0 in 1 : vector<100x50xf32>, vector<100x100xf32>, vector<100x50xf32> -> vector<100x200xf32>
    %slice3A_213 = vector.extract_strided_slice %concatenate3A_212 {offsets = [0, 1], sizes = [100, 199], strides = [1, 1]} : vector<100x200xf32> to vector<100x199xf32>
    %slice3A_214 = vector.extract_strided_slice %concatenate3A_212 {offsets = [0, 0], sizes = [100, 1], strides = [1, 1]} : vector<100x200xf32> to vector<100x1xf32>
    %concatenate3A_215 = tpu.concatenate %slice3A_213, %slice3A_214 in 1 : vector<100x199xf32>, vector<100x1xf32> -> vector<100x200xf32>
    %and3A_216 = arith.constant 1 : i32
    %and3A_217 = vector.broadcast %and3A_216 : i32 to vector<100x200xi32>
    %and3A_218 = arith.andi %iota3A, %and3A_217 : vector<100x200xi32>
    %ne3A_219 = arith.constant 0 : i32
    %ne3A_220 = vector.broadcast %ne3A_219 : i32 to vector<100x200xi32>
    %ne3A_221 = arith.cmpi ne, %and3A_218, %ne3A_220 : vector<100x200xi32>
    %select_n3A_222 = arith.select %ne3A_221, %concatenate3A_215, %concatenate3A_212 : vector<100x200xi1>, vector<100x200xf32>
    %slice3A_223 = vector.extract_strided_slice %select_n3A_222 {offsets = [0, 2], sizes = [100, 198], strides = [1, 1]} : vector<100x200xf32> to vector<100x198xf32>
    %slice3A_224 = vector.extract_strided_slice %select_n3A_222 {offsets = [0, 0], sizes = [100, 2], strides = [1, 1]} : vector<100x200xf32> to vector<100x2xf32>
    %concatenate3A_225 = tpu.concatenate %slice3A_223, %slice3A_224 in 1 : vector<100x198xf32>, vector<100x2xf32> -> vector<100x200xf32>
    %and3A_226 = arith.constant 2 : i32
    %and3A_227 = vector.broadcast %and3A_226 : i32 to vector<100x200xi32>
    %and3A_228 = arith.andi %iota3A, %and3A_227 : vector<100x200xi32>
    %ne3A_229 = arith.constant 0 : i32
    %ne3A_230 = vector.broadcast %ne3A_229 : i32 to vector<100x200xi32>
    %ne3A_231 = arith.cmpi ne, %and3A_228, %ne3A_230 : vector<100x200xi32>
    %select_n3A_232 = arith.select %ne3A_231, %concatenate3A_225, %select_n3A_222 : vector<100x200xi1>, vector<100x200xf32>
    %slice3A_233 = vector.extract_strided_slice %select_n3A_232 {offsets = [0, 4], sizes = [100, 196], strides = [1, 1]} : vector<100x200xf32> to vector<100x196xf32>
    %slice3A_234 = vector.extract_strided_slice %select_n3A_232 {offsets = [0, 0], sizes = [100, 4], strides = [1, 1]} : vector<100x200xf32> to vector<100x4xf32>
    %concatenate3A_235 = tpu.concatenate %slice3A_233, %slice3A_234 in 1 : vector<100x196xf32>, vector<100x4xf32> -> vector<100x200xf32>
    %and3A_236 = arith.constant 4 : i32
    %and3A_237 = vector.broadcast %and3A_236 : i32 to vector<100x200xi32>
    %and3A_238 = arith.andi %iota3A, %and3A_237 : vector<100x200xi32>
    %ne3A_239 = arith.constant 0 : i32
    %ne3A_240 = vector.broadcast %ne3A_239 : i32 to vector<100x200xi32>
    %ne3A_241 = arith.cmpi ne, %and3A_238, %ne3A_240 : vector<100x200xi32>
    %select_n3A_242 = arith.select %ne3A_241, %concatenate3A_235, %select_n3A_232 : vector<100x200xi1>, vector<100x200xf32>
    %slice3A_243 = vector.extract_strided_slice %select_n3A_242 {offsets = [0, 8], sizes = [100, 192], strides = [1, 1]} : vector<100x200xf32> to vector<100x192xf32>
    %slice3A_244 = vector.extract_strided_slice %select_n3A_242 {offsets = [0, 0], sizes = [100, 8], strides = [1, 1]} : vector<100x200xf32> to vector<100x8xf32>
    %concatenate3A_245 = tpu.concatenate %slice3A_243, %slice3A_244 in 1 : vector<100x192xf32>, vector<100x8xf32> -> vector<100x200xf32>
    %and3A_246 = arith.constant 8 : i32
    %and3A_247 = vector.broadcast %and3A_246 : i32 to vector<100x200xi32>
    %and3A_248 = arith.andi %iota3A, %and3A_247 : vector<100x200xi32>
    %ne3A_249 = arith.constant 0 : i32
    %ne3A_250 = vector.broadcast %ne3A_249 : i32 to vector<100x200xi32>
    %ne3A_251 = arith.cmpi ne, %and3A_248, %ne3A_250 : vector<100x200xi32>
    %select_n3A_252 = arith.select %ne3A_251, %concatenate3A_245, %select_n3A_242 : vector<100x200xi1>, vector<100x200xf32>
    %slice3A_253 = vector.extract_strided_slice %select_n3A_252 {offsets = [0, 16], sizes = [100, 184], strides = [1, 1]} : vector<100x200xf32> to vector<100x184xf32>
    %slice3A_254 = vector.extract_strided_slice %select_n3A_252 {offsets = [0, 0], sizes = [100, 16], strides = [1, 1]} : vector<100x200xf32> to vector<100x16xf32>
    %concatenate3A_255 = tpu.concatenate %slice3A_253, %slice3A_254 in 1 : vector<100x184xf32>, vector<100x16xf32> -> vector<100x200xf32>
    %and3A_256 = arith.constant 16 : i32
    %and3A_257 = vector.broadcast %and3A_256 : i32 to vector<100x200xi32>
    %and3A_258 = arith.andi %iota3A, %and3A_257 : vector<100x200xi32>
    %ne3A_259 = arith.constant 0 : i32
    %ne3A_260 = vector.broadcast %ne3A_259 : i32 to vector<100x200xi32>
    %ne3A_261 = arith.cmpi ne, %and3A_258, %ne3A_260 : vector<100x200xi32>
    %select_n3A_262 = arith.select %ne3A_261, %concatenate3A_255, %select_n3A_252 : vector<100x200xi1>, vector<100x200xf32>
    %slice3A_263 = vector.extract_strided_slice %select_n3A_262 {offsets = [0, 32], sizes = [100, 168], strides = [1, 1]} : vector<100x200xf32> to vector<100x168xf32>
    %slice3A_264 = vector.extract_strided_slice %select_n3A_262 {offsets = [0, 0], sizes = [100, 32], strides = [1, 1]} : vector<100x200xf32> to vector<100x32xf32>
    %concatenate3A_265 = tpu.concatenate %slice3A_263, %slice3A_264 in 1 : vector<100x168xf32>, vector<100x32xf32> -> vector<100x200xf32>
    %and3A_266 = arith.constant 32 : i32
    %and3A_267 = vector.broadcast %and3A_266 : i32 to vector<100x200xi32>
    %and3A_268 = arith.andi %iota3A, %and3A_267 : vector<100x200xi32>
    %ne3A_269 = arith.constant 0 : i32
    %ne3A_270 = vector.broadcast %ne3A_269 : i32 to vector<100x200xi32>
    %ne3A_271 = arith.cmpi ne, %and3A_268, %ne3A_270 : vector<100x200xi32>
    %select_n3A_272 = arith.select %ne3A_271, %concatenate3A_265, %select_n3A_262 : vector<100x200xi1>, vector<100x200xf32>
    %slice3A_273 = vector.extract_strided_slice %select_n3A_272 {offsets = [0, 64], sizes = [100, 136], strides = [1, 1]} : vector<100x200xf32> to vector<100x136xf32>
    %slice3A_274 = vector.extract_strided_slice %select_n3A_272 {offsets = [0, 0], sizes = [100, 64], strides = [1, 1]} : vector<100x200xf32> to vector<100x64xf32>
    %concatenate3A_275 = tpu.concatenate %slice3A_273, %slice3A_274 in 1 : vector<100x136xf32>, vector<100x64xf32> -> vector<100x200xf32>
    %and3A_276 = arith.constant 64 : i32
    %and3A_277 = vector.broadcast %and3A_276 : i32 to vector<100x200xi32>
    %and3A_278 = arith.andi %iota3A, %and3A_277 : vector<100x200xi32>
    %ne3A_279 = arith.constant 0 : i32
    %ne3A_280 = vector.broadcast %ne3A_279 : i32 to vector<100x200xi32>
    %ne3A_281 = arith.cmpi ne, %and3A_278, %ne3A_280 : vector<100x200xi32>
    %select_n3A_282 = arith.select %ne3A_281, %concatenate3A_275, %select_n3A_272 : vector<100x200xi1>, vector<100x200xf32>
    %slice3A_283 = vector.extract_strided_slice %select_n3A_282 {offsets = [0, 0], sizes = [100, 101], strides = [1, 1]} : vector<100x200xf32> to vector<100x101xf32>
    %dot_general3A_284 = arith.constant dense<0.000000e+00> : vector<100x128xf32>
    %dot_general3A_285 = tpu.matmul %slice3A_283, %get3A_2, %dot_general3A_284 {dimension_numbers = #tpu.dot_dimension_numbers<[1], [0], [0], [1], [0, 0, 1, 1], [], []>, transpose_lhs_hint = false} : vector<100x101xf32>, vector<101x128xf32>, vector<100x128xf32> -> vector<100x128xf32>
    %add3A_286 = vector.broadcast %broadcast_in_dim3A_7 : vector<1x128xf32> to vector<100x128xf32>
    %add3A_287 = arith.addf %dot_general3A_285, %add3A_286 : vector<100x128xf32>
    %max3A_288 = arith.constant 0.000000e+00 : f32
    %max3A_289 = vector.broadcast %max3A_288 : f32 to vector<100x128xf32>
    %max3A_290 = arith.maximumf %add3A_287, %max3A_289 : vector<100x128xf32>
    %swap3A_291 = arith.constant 0 : index
    %swap3A_292 = arith.constant 2 : index
    %swap3A_293 = arith.constant 0 : index
    %swap3A_294 = vector.load %arg4[%swap3A_291, %swap3A_292, %swap3A_293] : memref<100x16x128xf32, #tpu.memory_space<vmem>>, vector<100x1x128xf32>
    %swap3A_295 = vector.shape_cast %swap3A_294 : vector<100x1x128xf32> to vector<100x128xf32>
    %swap3A_296 = vector.shape_cast %max3A_290 : vector<100x128xf32> to vector<100x1x128xf32>
    tpu.vector_store %arg4[%swap3A_291, %swap3A_292, %swap3A_293], %swap3A_296 {strides = array<i32>} : memref<100x16x128xf32, #tpu.memory_space<vmem>>, vector<100x1x128xf32>,
    %get3A_297 = arith.constant 300 : index
    %get3A_298 = arith.constant 0 : index
    %get3A_299 = vector.load %arg1[%get3A_297, %get3A_298] : memref<1600x512xi32, #tpu.memory_space<vmem>>, vector<100x512xi32>
    %convert_element_type3A_300 = arith.sitofp %get3A_299 : vector<100x512xi32> to vector<100x512xf32>
    %mul3A_301 = arith.mulf %convert_element_type3A_300, %convert_element_type3A_300 : vector<100x512xf32>
    %reduce_sum3A_302 = arith.constant dense<0.000000e+00> : vector<100xf32>
    %reduce_sum3A_303 = vector.multi_reduction <add>, %mul3A_301, %reduce_sum3A_302 [1] : vector<100x512xf32> to vector<100xf32>
    %broadcast_in_dim3A_304 = vector.shape_cast %reduce_sum3A_303 : vector<100xf32> to vector<100x1xf32>
    %sqrt3A_305 = math.sqrt %broadcast_in_dim3A_304 : vector<100x1xf32>
    %max3A_306 = arith.constant 9.99999996E-13 : f32
    %max3A_307 = vector.broadcast %max3A_306 : f32 to vector<100x1xf32>
    %max3A_308 = arith.maximumf %sqrt3A_305, %max3A_307 : vector<100x1xf32>
    %div3A_309 = vector.broadcast %max3A_308 : vector<100x1xf32> to vector<100x512xf32>
    %div3A_310 = arith.divf %convert_element_type3A_300, %div3A_309 : vector<100x512xf32>
    %dot_general3A_311 = arith.constant dense<0.000000e+00> : vector<100x100xf32>
    %dot_general3A_312 = tpu.matmul %div3A_310, %div3A_310, %dot_general3A_311 {dimension_numbers = #tpu.dot_dimension_numbers<[1], [1], [0], [0], [0, 0, 1, 0], [], []>, transpose_lhs_hint = false} : vector<100x512xf32>, vector<100x512xf32>, vector<100x100xf32> -> vector<100x100xf32>
    %concatenate3A_313 = tpu.concatenate %broadcast_in_dim3A_0, %dot_general3A_312, %broadcast_in_dim3A_0 in 1 : vector<100x50xf32>, vector<100x100xf32>, vector<100x50xf32> -> vector<100x200xf32>
    %slice3A_314 = vector.extract_strided_slice %concatenate3A_313 {offsets = [0, 1], sizes = [100, 199], strides = [1, 1]} : vector<100x200xf32> to vector<100x199xf32>
    %slice3A_315 = vector.extract_strided_slice %concatenate3A_313 {offsets = [0, 0], sizes = [100, 1], strides = [1, 1]} : vector<100x200xf32> to vector<100x1xf32>
    %concatenate3A_316 = tpu.concatenate %slice3A_314, %slice3A_315 in 1 : vector<100x199xf32>, vector<100x1xf32> -> vector<100x200xf32>
    %and3A_317 = arith.constant 1 : i32
    %and3A_318 = vector.broadcast %and3A_317 : i32 to vector<100x200xi32>
    %and3A_319 = arith.andi %iota3A, %and3A_318 : vector<100x200xi32>
    %ne3A_320 = arith.constant 0 : i32
    %ne3A_321 = vector.broadcast %ne3A_320 : i32 to vector<100x200xi32>
    %ne3A_322 = arith.cmpi ne, %and3A_319, %ne3A_321 : vector<100x200xi32>
    %select_n3A_323 = arith.select %ne3A_322, %concatenate3A_316, %concatenate3A_313 : vector<100x200xi1>, vector<100x200xf32>
    %slice3A_324 = vector.extract_strided_slice %select_n3A_323 {offsets = [0, 2], sizes = [100, 198], strides = [1, 1]} : vector<100x200xf32> to vector<100x198xf32>
    %slice3A_325 = vector.extract_strided_slice %select_n3A_323 {offsets = [0, 0], sizes = [100, 2], strides = [1, 1]} : vector<100x200xf32> to vector<100x2xf32>
    %concatenate3A_326 = tpu.concatenate %slice3A_324, %slice3A_325 in 1 : vector<100x198xf32>, vector<100x2xf32> -> vector<100x200xf32>
    %and3A_327 = arith.constant 2 : i32
    %and3A_328 = vector.broadcast %and3A_327 : i32 to vector<100x200xi32>
    %and3A_329 = arith.andi %iota3A, %and3A_328 : vector<100x200xi32>
    %ne3A_330 = arith.constant 0 : i32
    %ne3A_331 = vector.broadcast %ne3A_330 : i32 to vector<100x200xi32>
    %ne3A_332 = arith.cmpi ne, %and3A_329, %ne3A_331 : vector<100x200xi32>
    %select_n3A_333 = arith.select %ne3A_332, %concatenate3A_326, %select_n3A_323 : vector<100x200xi1>, vector<100x200xf32>
    %slice3A_334 = vector.extract_strided_slice %select_n3A_333 {offsets = [0, 4], sizes = [100, 196], strides = [1, 1]} : vector<100x200xf32> to vector<100x196xf32>
    %slice3A_335 = vector.extract_strided_slice %select_n3A_333 {offsets = [0, 0], sizes = [100, 4], strides = [1, 1]} : vector<100x200xf32> to vector<100x4xf32>
    %concatenate3A_336 = tpu.concatenate %slice3A_334, %slice3A_335 in 1 : vector<100x196xf32>, vector<100x4xf32> -> vector<100x200xf32>
    %and3A_337 = arith.constant 4 : i32
    %and3A_338 = vector.broadcast %and3A_337 : i32 to vector<100x200xi32>
    %and3A_339 = arith.andi %iota3A, %and3A_338 : vector<100x200xi32>
    %ne3A_340 = arith.constant 0 : i32
    %ne3A_341 = vector.broadcast %ne3A_340 : i32 to vector<100x200xi32>
    %ne3A_342 = arith.cmpi ne, %and3A_339, %ne3A_341 : vector<100x200xi32>
    %select_n3A_343 = arith.select %ne3A_342, %concatenate3A_336, %select_n3A_333 : vector<100x200xi1>, vector<100x200xf32>
    %slice3A_344 = vector.extract_strided_slice %select_n3A_343 {offsets = [0, 8], sizes = [100, 192], strides = [1, 1]} : vector<100x200xf32> to vector<100x192xf32>
    %slice3A_345 = vector.extract_strided_slice %select_n3A_343 {offsets = [0, 0], sizes = [100, 8], strides = [1, 1]} : vector<100x200xf32> to vector<100x8xf32>
    %concatenate3A_346 = tpu.concatenate %slice3A_344, %slice3A_345 in 1 : vector<100x192xf32>, vector<100x8xf32> -> vector<100x200xf32>
    %and3A_347 = arith.constant 8 : i32
    %and3A_348 = vector.broadcast %and3A_347 : i32 to vector<100x200xi32>
    %and3A_349 = arith.andi %iota3A, %and3A_348 : vector<100x200xi32>
    %ne3A_350 = arith.constant 0 : i32
    %ne3A_351 = vector.broadcast %ne3A_350 : i32 to vector<100x200xi32>
    %ne3A_352 = arith.cmpi ne, %and3A_349, %ne3A_351 : vector<100x200xi32>
    %select_n3A_353 = arith.select %ne3A_352, %concatenate3A_346, %select_n3A_343 : vector<100x200xi1>, vector<100x200xf32>
    %slice3A_354 = vector.extract_strided_slice %select_n3A_353 {offsets = [0, 16], sizes = [100, 184], strides = [1, 1]} : vector<100x200xf32> to vector<100x184xf32>
    %slice3A_355 = vector.extract_strided_slice %select_n3A_353 {offsets = [0, 0], sizes = [100, 16], strides = [1, 1]} : vector<100x200xf32> to vector<100x16xf32>
    %concatenate3A_356 = tpu.concatenate %slice3A_354, %slice3A_355 in 1 : vector<100x184xf32>, vector<100x16xf32> -> vector<100x200xf32>
    %and3A_357 = arith.constant 16 : i32
    %and3A_358 = vector.broadcast %and3A_357 : i32 to vector<100x200xi32>
    %and3A_359 = arith.andi %iota3A, %and3A_358 : vector<100x200xi32>
    %ne3A_360 = arith.constant 0 : i32
    %ne3A_361 = vector.broadcast %ne3A_360 : i32 to vector<100x200xi32>
    %ne3A_362 = arith.cmpi ne, %and3A_359, %ne3A_361 : vector<100x200xi32>
    %select_n3A_363 = arith.select %ne3A_362, %concatenate3A_356, %select_n3A_353 : vector<100x200xi1>, vector<100x200xf32>
    %slice3A_364 = vector.extract_strided_slice %select_n3A_363 {offsets = [0, 32], sizes = [100, 168], strides = [1, 1]} : vector<100x200xf32> to vector<100x168xf32>
    %slice3A_365 = vector.extract_strided_slice %select_n3A_363 {offsets = [0, 0], sizes = [100, 32], strides = [1, 1]} : vector<100x200xf32> to vector<100x32xf32>
    %concatenate3A_366 = tpu.concatenate %slice3A_364, %slice3A_365 in 1 : vector<100x168xf32>, vector<100x32xf32> -> vector<100x200xf32>
    %and3A_367 = arith.constant 32 : i32
    %and3A_368 = vector.broadcast %and3A_367 : i32 to vector<100x200xi32>
    %and3A_369 = arith.andi %iota3A, %and3A_368 : vector<100x200xi32>
    %ne3A_370 = arith.constant 0 : i32
    %ne3A_371 = vector.broadcast %ne3A_370 : i32 to vector<100x200xi32>
    %ne3A_372 = arith.cmpi ne, %and3A_369, %ne3A_371 : vector<100x200xi32>
    %select_n3A_373 = arith.select %ne3A_372, %concatenate3A_366, %select_n3A_363 : vector<100x200xi1>, vector<100x200xf32>
    %slice3A_374 = vector.extract_strided_slice %select_n3A_373 {offsets = [0, 64], sizes = [100, 136], strides = [1, 1]} : vector<100x200xf32> to vector<100x136xf32>
    %slice3A_375 = vector.extract_strided_slice %select_n3A_373 {offsets = [0, 0], sizes = [100, 64], strides = [1, 1]} : vector<100x200xf32> to vector<100x64xf32>
    %concatenate3A_376 = tpu.concatenate %slice3A_374, %slice3A_375 in 1 : vector<100x136xf32>, vector<100x64xf32> -> vector<100x200xf32>
    %and3A_377 = arith.constant 64 : i32
    %and3A_378 = vector.broadcast %and3A_377 : i32 to vector<100x200xi32>
    %and3A_379 = arith.andi %iota3A, %and3A_378 : vector<100x200xi32>
    %ne3A_380 = arith.constant 0 : i32
    %ne3A_381 = vector.broadcast %ne3A_380 : i32 to vector<100x200xi32>
    %ne3A_382 = arith.cmpi ne, %and3A_379, %ne3A_381 : vector<100x200xi32>
    %select_n3A_383 = arith.select %ne3A_382, %concatenate3A_376, %select_n3A_373 : vector<100x200xi1>, vector<100x200xf32>
    %slice3A_384 = vector.extract_strided_slice %select_n3A_383 {offsets = [0, 0], sizes = [100, 101], strides = [1, 1]} : vector<100x200xf32> to vector<100x101xf32>
    %dot_general3A_385 = arith.constant dense<0.000000e+00> : vector<100x128xf32>
    %dot_general3A_386 = tpu.matmul %slice3A_384, %get3A_2, %dot_general3A_385 {dimension_numbers = #tpu.dot_dimension_numbers<[1], [0], [0], [1], [0, 0, 1, 1], [], []>, transpose_lhs_hint = false} : vector<100x101xf32>, vector<101x128xf32>, vector<100x128xf32> -> vector<100x128xf32>
    %add3A_387 = vector.broadcast %broadcast_in_dim3A_7 : vector<1x128xf32> to vector<100x128xf32>
    %add3A_388 = arith.addf %dot_general3A_386, %add3A_387 : vector<100x128xf32>
    %max3A_389 = arith.constant 0.000000e+00 : f32
    %max3A_390 = vector.broadcast %max3A_389 : f32 to vector<100x128xf32>
    %max3A_391 = arith.maximumf %add3A_388, %max3A_390 : vector<100x128xf32>
    %swap3A_392 = arith.constant 0 : index
    %swap3A_393 = arith.constant 3 : index
    %swap3A_394 = arith.constant 0 : index
    %swap3A_395 = vector.load %arg4[%swap3A_392, %swap3A_393, %swap3A_394] : memref<100x16x128xf32, #tpu.memory_space<vmem>>, vector<100x1x128xf32>
    %swap3A_396 = vector.shape_cast %swap3A_395 : vector<100x1x128xf32> to vector<100x128xf32>
    %swap3A_397 = vector.shape_cast %max3A_391 : vector<100x128xf32> to vector<100x1x128xf32>
    tpu.vector_store %arg4[%swap3A_392, %swap3A_393, %swap3A_394], %swap3A_397 {strides = array<i32>} : memref<100x16x128xf32, #tpu.memory_space<vmem>>, vector<100x1x128xf32>,
    %get3A_398 = arith.constant 400 : index
    %get3A_399 = arith.constant 0 : index
    %get3A_400 = vector.load %arg1[%get3A_398, %get3A_399] : memref<1600x512xi32, #tpu.memory_space<vmem>>, vector<100x512xi32>
    %convert_element_type3A_401 = arith.sitofp %get3A_400 : vector<100x512xi32> to vector<100x512xf32>
    %mul3A_402 = arith.mulf %convert_element_type3A_401, %convert_element_type3A_401 : vector<100x512xf32>
    %reduce_sum3A_403 = arith.constant dense<0.000000e+00> : vector<100xf32>
    %reduce_sum3A_404 = vector.multi_reduction <add>, %mul3A_402, %reduce_sum3A_403 [1] : vector<100x512xf32> to vector<100xf32>
    %broadcast_in_dim3A_405 = vector.shape_cast %reduce_sum3A_404 : vector<100xf32> to vector<100x1xf32>
    %sqrt3A_406 = math.sqrt %broadcast_in_dim3A_405 : vector<100x1xf32>
    %max3A_407 = arith.constant 9.99999996E-13 : f32
    %max3A_408 = vector.broadcast %max3A_407 : f32 to vector<100x1xf32>
    %max3A_409 = arith.maximumf %sqrt3A_406, %max3A_408 : vector<100x1xf32>
    %div3A_410 = vector.broadcast %max3A_409 : vector<100x1xf32> to vector<100x512xf32>
    %div3A_411 = arith.divf %convert_element_type3A_401, %div3A_410 : vector<100x512xf32>
    %dot_general3A_412 = arith.constant dense<0.000000e+00> : vector<100x100xf32>
    %dot_general3A_413 = tpu.matmul %div3A_411, %div3A_411, %dot_general3A_412 {dimension_numbers = #tpu.dot_dimension_numbers<[1], [1], [0], [0], [0, 0, 1, 0], [], []>, transpose_lhs_hint = false} : vector<100x512xf32>, vector<100x512xf32>, vector<100x100xf32> -> vector<100x100xf32>
    %concatenate3A_414 = tpu.concatenate %broadcast_in_dim3A_0, %dot_general3A_413, %broadcast_in_dim3A_0 in 1 : vector<100x50xf32>, vector<100x100xf32>, vector<100x50xf32> -> vector<100x200xf32>
    %slice3A_415 = vector.extract_strided_slice %concatenate3A_414 {offsets = [0, 1], sizes = [100, 199], strides = [1, 1]} : vector<100x200xf32> to vector<100x199xf32>
    %slice3A_416 = vector.extract_strided_slice %concatenate3A_414 {offsets = [0, 0], sizes = [100, 1], strides = [1, 1]} : vector<100x200xf32> to vector<100x1xf32>
    %concatenate3A_417 = tpu.concatenate %slice3A_415, %slice3A_416 in 1 : vector<100x199xf32>, vector<100x1xf32> -> vector<100x200xf32>
    %and3A_418 = arith.constant 1 : i32
    %and3A_419 = vector.broadcast %and3A_418 : i32 to vector<100x200xi32>
    %and3A_420 = arith.andi %iota3A, %and3A_419 : vector<100x200xi32>
    %ne3A_421 = arith.constant 0 : i32
    %ne3A_422 = vector.broadcast %ne3A_421 : i32 to vector<100x200xi32>
    %ne3A_423 = arith.cmpi ne, %and3A_420, %ne3A_422 : vector<100x200xi32>
    %select_n3A_424 = arith.select %ne3A_423, %concatenate3A_417, %concatenate3A_414 : vector<100x200xi1>, vector<100x200xf32>
    %slice3A_425 = vector.extract_strided_slice %select_n3A_424 {offsets = [0, 2], sizes = [100, 198], strides = [1, 1]} : vector<100x200xf32> to vector<100x198xf32>
    %slice3A_426 = vector.extract_strided_slice %select_n3A_424 {offsets = [0, 0], sizes = [100, 2], strides = [1, 1]} : vector<100x200xf32> to vector<100x2xf32>
    %concatenate3A_427 = tpu.concatenate %slice3A_425, %slice3A_426 in 1 : vector<100x198xf32>, vector<100x2xf32> -> vector<100x200xf32>
    %and3A_428 = arith.constant 2 : i32
    %and3A_429 = vector.broadcast %and3A_428 : i32 to vector<100x200xi32>
    %and3A_430 = arith.andi %iota3A, %and3A_429 : vector<100x200xi32>
    %ne3A_431 = arith.constant 0 : i32
    %ne3A_432 = vector.broadcast %ne3A_431 : i32 to vector<100x200xi32>
    %ne3A_433 = arith.cmpi ne, %and3A_430, %ne3A_432 : vector<100x200xi32>
    %select_n3A_434 = arith.select %ne3A_433, %concatenate3A_427, %select_n3A_424 : vector<100x200xi1>, vector<100x200xf32>
    %slice3A_435 = vector.extract_strided_slice %select_n3A_434 {offsets = [0, 4], sizes = [100, 196], strides = [1, 1]} : vector<100x200xf32> to vector<100x196xf32>
    %slice3A_436 = vector.extract_strided_slice %select_n3A_434 {offsets = [0, 0], sizes = [100, 4], strides = [1, 1]} : vector<100x200xf32> to vector<100x4xf32>
    %concatenate3A_437 = tpu.concatenate %slice3A_435, %slice3A_436 in 1 : vector<100x196xf32>, vector<100x4xf32> -> vector<100x200xf32>
    %and3A_438 = arith.constant 4 : i32
    %and3A_439 = vector.broadcast %and3A_438 : i32 to vector<100x200xi32>
    %and3A_440 = arith.andi %iota3A, %and3A_439 : vector<100x200xi32>
    %ne3A_441 = arith.constant 0 : i32
    %ne3A_442 = vector.broadcast %ne3A_441 : i32 to vector<100x200xi32>
    %ne3A_443 = arith.cmpi ne, %and3A_440, %ne3A_442 : vector<100x200xi32>
    %select_n3A_444 = arith.select %ne3A_443, %concatenate3A_437, %select_n3A_434 : vector<100x200xi1>, vector<100x200xf32>
    %slice3A_445 = vector.extract_strided_slice %select_n3A_444 {offsets = [0, 8], sizes = [100, 192], strides = [1, 1]} : vector<100x200xf32> to vector<100x192xf32>
    %slice3A_446 = vector.extract_strided_slice %select_n3A_444 {offsets = [0, 0], sizes = [100, 8], strides = [1, 1]} : vector<100x200xf32> to vector<100x8xf32>
    %concatenate3A_447 = tpu.concatenate %slice3A_445, %slice3A_446 in 1 : vector<100x192xf32>, vector<100x8xf32> -> vector<100x200xf32>
    %and3A_448 = arith.constant 8 : i32
    %and3A_449 = vector.broadcast %and3A_448 : i32 to vector<100x200xi32>
    %and3A_450 = arith.andi %iota3A, %and3A_449 : vector<100x200xi32>
    %ne3A_451 = arith.constant 0 : i32
    %ne3A_452 = vector.broadcast %ne3A_451 : i32 to vector<100x200xi32>
    %ne3A_453 = arith.cmpi ne, %and3A_450, %ne3A_452 : vector<100x200xi32>
    %select_n3A_454 = arith.select %ne3A_453, %concatenate3A_447, %select_n3A_444 : vector<100x200xi1>, vector<100x200xf32>
    %slice3A_455 = vector.extract_strided_slice %select_n3A_454 {offsets = [0, 16], sizes = [100, 184], strides = [1, 1]} : vector<100x200xf32> to vector<100x184xf32>
    %slice3A_456 = vector.extract_strided_slice %select_n3A_454 {offsets = [0, 0], sizes = [100, 16], strides = [1, 1]} : vector<100x200xf32> to vector<100x16xf32>
    %concatenate3A_457 = tpu.concatenate %slice3A_455, %slice3A_456 in 1 : vector<100x184xf32>, vector<100x16xf32> -> vector<100x200xf32>
    %and3A_458 = arith.constant 16 : i32
    %and3A_459 = vector.broadcast %and3A_458 : i32 to vector<100x200xi32>
    %and3A_460 = arith.andi %iota3A, %and3A_459 : vector<100x200xi32>
    %ne3A_461 = arith.constant 0 : i32
    %ne3A_462 = vector.broadcast %ne3A_461 : i32 to vector<100x200xi32>
    %ne3A_463 = arith.cmpi ne, %and3A_460, %ne3A_462 : vector<100x200xi32>
    %select_n3A_464 = arith.select %ne3A_463, %concatenate3A_457, %select_n3A_454 : vector<100x200xi1>, vector<100x200xf32>
    %slice3A_465 = vector.extract_strided_slice %select_n3A_464 {offsets = [0, 32], sizes = [100, 168], strides = [1, 1]} : vector<100x200xf32> to vector<100x168xf32>
    %slice3A_466 = vector.extract_strided_slice %select_n3A_464 {offsets = [0, 0], sizes = [100, 32], strides = [1, 1]} : vector<100x200xf32> to vector<100x32xf32>
    %concatenate3A_467 = tpu.concatenate %slice3A_465, %slice3A_466 in 1 : vector<100x168xf32>, vector<100x32xf32> -> vector<100x200xf32>
    %and3A_468 = arith.constant 32 : i32
    %and3A_469 = vector.broadcast %and3A_468 : i32 to vector<100x200xi32>
    %and3A_470 = arith.andi %iota3A, %and3A_469 : vector<100x200xi32>
    %ne3A_471 = arith.constant 0 : i32
    %ne3A_472 = vector.broadcast %ne3A_471 : i32 to vector<100x200xi32>
    %ne3A_473 = arith.cmpi ne, %and3A_470, %ne3A_472 : vector<100x200xi32>
    %select_n3A_474 = arith.select %ne3A_473, %concatenate3A_467, %select_n3A_464 : vector<100x200xi1>, vector<100x200xf32>
    %slice3A_475 = vector.extract_strided_slice %select_n3A_474 {offsets = [0, 64], sizes = [100, 136], strides = [1, 1]} : vector<100x200xf32> to vector<100x136xf32>
    %slice3A_476 = vector.extract_strided_slice %select_n3A_474 {offsets = [0, 0], sizes = [100, 64], strides = [1, 1]} : vector<100x200xf32> to vector<100x64xf32>
    %concatenate3A_477 = tpu.concatenate %slice3A_475, %slice3A_476 in 1 : vector<100x136xf32>, vector<100x64xf32> -> vector<100x200xf32>
    %and3A_478 = arith.constant 64 : i32
    %and3A_479 = vector.broadcast %and3A_478 : i32 to vector<100x200xi32>
    %and3A_480 = arith.andi %iota3A, %and3A_479 : vector<100x200xi32>
    %ne3A_481 = arith.constant 0 : i32
    %ne3A_482 = vector.broadcast %ne3A_481 : i32 to vector<100x200xi32>
    %ne3A_483 = arith.cmpi ne, %and3A_480, %ne3A_482 : vector<100x200xi32>
    %select_n3A_484 = arith.select %ne3A_483, %concatenate3A_477, %select_n3A_474 : vector<100x200xi1>, vector<100x200xf32>
    %slice3A_485 = vector.extract_strided_slice %select_n3A_484 {offsets = [0, 0], sizes = [100, 101], strides = [1, 1]} : vector<100x200xf32> to vector<100x101xf32>
    %dot_general3A_486 = arith.constant dense<0.000000e+00> : vector<100x128xf32>
    %dot_general3A_487 = tpu.matmul %slice3A_485, %get3A_2, %dot_general3A_486 {dimension_numbers = #tpu.dot_dimension_numbers<[1], [0], [0], [1], [0, 0, 1, 1], [], []>, transpose_lhs_hint = false} : vector<100x101xf32>, vector<101x128xf32>, vector<100x128xf32> -> vector<100x128xf32>
    %add3A_488 = vector.broadcast %broadcast_in_dim3A_7 : vector<1x128xf32> to vector<100x128xf32>
    %add3A_489 = arith.addf %dot_general3A_487, %add3A_488 : vector<100x128xf32>
    %max3A_490 = arith.constant 0.000000e+00 : f32
    %max3A_491 = vector.broadcast %max3A_490 : f32 to vector<100x128xf32>
    %max3A_492 = arith.maximumf %add3A_489, %max3A_491 : vector<100x128xf32>
    %swap3A_493 = arith.constant 0 : index
    %swap3A_494 = arith.constant 4 : index
    %swap3A_495 = arith.constant 0 : index
    %swap3A_496 = vector.load %arg4[%swap3A_493, %swap3A_494, %swap3A_495] : memref<100x16x128xf32, #tpu.memory_space<vmem>>, vector<100x1x128xf32>
    %swap3A_497 = vector.shape_cast %swap3A_496 : vector<100x1x128xf32> to vector<100x128xf32>
    %swap3A_498 = vector.shape_cast %max3A_492 : vector<100x128xf32> to vector<100x1x128xf32>
    tpu.vector_store %arg4[%swap3A_493, %swap3A_494, %swap3A_495], %swap3A_498 {strides = array<i32>} : memref<100x16x128xf32, #tpu.memory_space<vmem>>, vector<100x1x128xf32>,
    %get3A_499 = arith.constant 500 : index
    %get3A_500 = arith.constant 0 : index
    %get3A_501 = vector.load %arg1[%get3A_499, %get3A_500] : memref<1600x512xi32, #tpu.memory_space<vmem>>, vector<100x512xi32>
    %convert_element_type3A_502 = arith.sitofp %get3A_501 : vector<100x512xi32> to vector<100x512xf32>
    %mul3A_503 = arith.mulf %convert_element_type3A_502, %convert_element_type3A_502 : vector<100x512xf32>
    %reduce_sum3A_504 = arith.constant dense<0.000000e+00> : vector<100xf32>
    %reduce_sum3A_505 = vector.multi_reduction <add>, %mul3A_503, %reduce_sum3A_504 [1] : vector<100x512xf32> to vector<100xf32>
    %broadcast_in_dim3A_506 = vector.shape_cast %reduce_sum3A_505 : vector<100xf32> to vector<100x1xf32>
    %sqrt3A_507 = math.sqrt %broadcast_in_dim3A_506 : vector<100x1xf32>
    %max3A_508 = arith.constant 9.99999996E-13 : f32
    %max3A_509 = vector.broadcast %max3A_508 : f32 to vector<100x1xf32>
    %max3A_510 = arith.maximumf %sqrt3A_507, %max3A_509 : vector<100x1xf32>
    %div3A_511 = vector.broadcast %max3A_510 : vector<100x1xf32> to vector<100x512xf32>
    %div3A_512 = arith.divf %convert_element_type3A_502, %div3A_511 : vector<100x512xf32>
    %dot_general3A_513 = arith.constant dense<0.000000e+00> : vector<100x100xf32>
    %dot_general3A_514 = tpu.matmul %div3A_512, %div3A_512, %dot_general3A_513 {dimension_numbers = #tpu.dot_dimension_numbers<[1], [1], [0], [0], [0, 0, 1, 0], [], []>, transpose_lhs_hint = false} : vector<100x512xf32>, vector<100x512xf32>, vector<100x100xf32> -> vector<100x100xf32>
    %concatenate3A_515 = tpu.concatenate %broadcast_in_dim3A_0, %dot_general3A_514, %broadcast_in_dim3A_0 in 1 : vector<100x50xf32>, vector<100x100xf32>, vector<100x50xf32> -> vector<100x200xf32>
    %slice3A_516 = vector.extract_strided_slice %concatenate3A_515 {offsets = [0, 1], sizes = [100, 199], strides = [1, 1]} : vector<100x200xf32> to vector<100x199xf32>
    %slice3A_517 = vector.extract_strided_slice %concatenate3A_515 {offsets = [0, 0], sizes = [100, 1], strides = [1, 1]} : vector<100x200xf32> to vector<100x1xf32>
    %concatenate3A_518 = tpu.concatenate %slice3A_516, %slice3A_517 in 1 : vector<100x199xf32>, vector<100x1xf32> -> vector<100x200xf32>
    %and3A_519 = arith.constant 1 : i32
    %and3A_520 = vector.broadcast %and3A_519 : i32 to vector<100x200xi32>
    %and3A_521 = arith.andi %iota3A, %and3A_520 : vector<100x200xi32>
    %ne3A_522 = arith.constant 0 : i32
    %ne3A_523 = vector.broadcast %ne3A_522 : i32 to vector<100x200xi32>
    %ne3A_524 = arith.cmpi ne, %and3A_521, %ne3A_523 : vector<100x200xi32>
    %select_n3A_525 = arith.select %ne3A_524, %concatenate3A_518, %concatenate3A_515 : vector<100x200xi1>, vector<100x200xf32>
    %slice3A_526 = vector.extract_strided_slice %select_n3A_525 {offsets = [0, 2], sizes = [100, 198], strides = [1, 1]} : vector<100x200xf32> to vector<100x198xf32>
    %slice3A_527 = vector.extract_strided_slice %select_n3A_525 {offsets = [0, 0], sizes = [100, 2], strides = [1, 1]} : vector<100x200xf32> to vector<100x2xf32>
    %concatenate3A_528 = tpu.concatenate %slice3A_526, %slice3A_527 in 1 : vector<100x198xf32>, vector<100x2xf32> -> vector<100x200xf32>
    %and3A_529 = arith.constant 2 : i32
    %and3A_530 = vector.broadcast %and3A_529 : i32 to vector<100x200xi32>
    %and3A_531 = arith.andi %iota3A, %and3A_530 : vector<100x200xi32>
    %ne3A_532 = arith.constant 0 : i32
    %ne3A_533 = vector.broadcast %ne3A_532 : i32 to vector<100x200xi32>
    %ne3A_534 = arith.cmpi ne, %and3A_531, %ne3A_533 : vector<100x200xi32>
    %select_n3A_535 = arith.select %ne3A_534, %concatenate3A_528, %select_n3A_525 : vector<100x200xi1>, vector<100x200xf32>
    %slice3A_536 = vector.extract_strided_slice %select_n3A_535 {offsets = [0, 4], sizes = [100, 196], strides = [1, 1]} : vector<100x200xf32> to vector<100x196xf32>
    %slice3A_537 = vector.extract_strided_slice %select_n3A_535 {offsets = [0, 0], sizes = [100, 4], strides = [1, 1]} : vector<100x200xf32> to vector<100x4xf32>
    %concatenate3A_538 = tpu.concatenate %slice3A_536, %slice3A_537 in 1 : vector<100x196xf32>, vector<100x4xf32> -> vector<100x200xf32>
    %and3A_539 = arith.constant 4 : i32
    %and3A_540 = vector.broadcast %and3A_539 : i32 to vector<100x200xi32>
    %and3A_541 = arith.andi %iota3A, %and3A_540 : vector<100x200xi32>
    %ne3A_542 = arith.constant 0 : i32
    %ne3A_543 = vector.broadcast %ne3A_542 : i32 to vector<100x200xi32>
    %ne3A_544 = arith.cmpi ne, %and3A_541, %ne3A_543 : vector<100x200xi32>
    %select_n3A_545 = arith.select %ne3A_544, %concatenate3A_538, %select_n3A_535 : vector<100x200xi1>, vector<100x200xf32>
    %slice3A_546 = vector.extract_strided_slice %select_n3A_545 {offsets = [0, 8], sizes = [100, 192], strides = [1, 1]} : vector<100x200xf32> to vector<100x192xf32>
    %slice3A_547 = vector.extract_strided_slice %select_n3A_545 {offsets = [0, 0], sizes = [100, 8], strides = [1, 1]} : vector<100x200xf32> to vector<100x8xf32>
    %concatenate3A_548 = tpu.concatenate %slice3A_546, %slice3A_547 in 1 : vector<100x192xf32>, vector<100x8xf32> -> vector<100x200xf32>
    %and3A_549 = arith.constant 8 : i32
    %and3A_550 = vector.broadcast %and3A_549 : i32 to vector<100x200xi32>
    %and3A_551 = arith.andi %iota3A, %and3A_550 : vector<100x200xi32>
    %ne3A_552 = arith.constant 0 : i32
    %ne3A_553 = vector.broadcast %ne3A_552 : i32 to vector<100x200xi32>
    %ne3A_554 = arith.cmpi ne, %and3A_551, %ne3A_553 : vector<100x200xi32>
    %select_n3A_555 = arith.select %ne3A_554, %concatenate3A_548, %select_n3A_545 : vector<100x200xi1>, vector<100x200xf32>
    %slice3A_556 = vector.extract_strided_slice %select_n3A_555 {offsets = [0, 16], sizes = [100, 184], strides = [1, 1]} : vector<100x200xf32> to vector<100x184xf32>
    %slice3A_557 = vector.extract_strided_slice %select_n3A_555 {offsets = [0, 0], sizes = [100, 16], strides = [1, 1]} : vector<100x200xf32> to vector<100x16xf32>
    %concatenate3A_558 = tpu.concatenate %slice3A_556, %slice3A_557 in 1 : vector<100x184xf32>, vector<100x16xf32> -> vector<100x200xf32>
    %and3A_559 = arith.constant 16 : i32
    %and3A_560 = vector.broadcast %and3A_559 : i32 to vector<100x200xi32>
    %and3A_561 = arith.andi %iota3A, %and3A_560 : vector<100x200xi32>
    %ne3A_562 = arith.constant 0 : i32
    %ne3A_563 = vector.broadcast %ne3A_562 : i32 to vector<100x200xi32>
    %ne3A_564 = arith.cmpi ne, %and3A_561, %ne3A_563 : vector<100x200xi32>
    %select_n3A_565 = arith.select %ne3A_564, %concatenate3A_558, %select_n3A_555 : vector<100x200xi1>, vector<100x200xf32>
    %slice3A_566 = vector.extract_strided_slice %select_n3A_565 {offsets = [0, 32], sizes = [100, 168], strides = [1, 1]} : vector<100x200xf32> to vector<100x168xf32>
    %slice3A_567 = vector.extract_strided_slice %select_n3A_565 {offsets = [0, 0], sizes = [100, 32], strides = [1, 1]} : vector<100x200xf32> to vector<100x32xf32>
    %concatenate3A_568 = tpu.concatenate %slice3A_566, %slice3A_567 in 1 : vector<100x168xf32>, vector<100x32xf32> -> vector<100x200xf32>
    %and3A_569 = arith.constant 32 : i32
    %and3A_570 = vector.broadcast %and3A_569 : i32 to vector<100x200xi32>
    %and3A_571 = arith.andi %iota3A, %and3A_570 : vector<100x200xi32>
    %ne3A_572 = arith.constant 0 : i32
    %ne3A_573 = vector.broadcast %ne3A_572 : i32 to vector<100x200xi32>
    %ne3A_574 = arith.cmpi ne, %and3A_571, %ne3A_573 : vector<100x200xi32>
    %select_n3A_575 = arith.select %ne3A_574, %concatenate3A_568, %select_n3A_565 : vector<100x200xi1>, vector<100x200xf32>
    %slice3A_576 = vector.extract_strided_slice %select_n3A_575 {offsets = [0, 64], sizes = [100, 136], strides = [1, 1]} : vector<100x200xf32> to vector<100x136xf32>
    %slice3A_577 = vector.extract_strided_slice %select_n3A_575 {offsets = [0, 0], sizes = [100, 64], strides = [1, 1]} : vector<100x200xf32> to vector<100x64xf32>
    %concatenate3A_578 = tpu.concatenate %slice3A_576, %slice3A_577 in 1 : vector<100x136xf32>, vector<100x64xf32> -> vector<100x200xf32>
    %and3A_579 = arith.constant 64 : i32
    %and3A_580 = vector.broadcast %and3A_579 : i32 to vector<100x200xi32>
    %and3A_581 = arith.andi %iota3A, %and3A_580 : vector<100x200xi32>
    %ne3A_582 = arith.constant 0 : i32
    %ne3A_583 = vector.broadcast %ne3A_582 : i32 to vector<100x200xi32>
    %ne3A_584 = arith.cmpi ne, %and3A_581, %ne3A_583 : vector<100x200xi32>
    %select_n3A_585 = arith.select %ne3A_584, %concatenate3A_578, %select_n3A_575 : vector<100x200xi1>, vector<100x200xf32>
    %slice3A_586 = vector.extract_strided_slice %select_n3A_585 {offsets = [0, 0], sizes = [100, 101], strides = [1, 1]} : vector<100x200xf32> to vector<100x101xf32>
    %dot_general3A_587 = arith.constant dense<0.000000e+00> : vector<100x128xf32>
    %dot_general3A_588 = tpu.matmul %slice3A_586, %get3A_2, %dot_general3A_587 {dimension_numbers = #tpu.dot_dimension_numbers<[1], [0], [0], [1], [0, 0, 1, 1], [], []>, transpose_lhs_hint = false} : vector<100x101xf32>, vector<101x128xf32>, vector<100x128xf32> -> vector<100x128xf32>
    %add3A_589 = vector.broadcast %broadcast_in_dim3A_7 : vector<1x128xf32> to vector<100x128xf32>
    %add3A_590 = arith.addf %dot_general3A_588, %add3A_589 : vector<100x128xf32>
    %max3A_591 = arith.constant 0.000000e+00 : f32
    %max3A_592 = vector.broadcast %max3A_591 : f32 to vector<100x128xf32>
    %max3A_593 = arith.maximumf %add3A_590, %max3A_592 : vector<100x128xf32>
    %swap3A_594 = arith.constant 0 : index
    %swap3A_595 = arith.constant 5 : index
    %swap3A_596 = arith.constant 0 : index
    %swap3A_597 = vector.load %arg4[%swap3A_594, %swap3A_595, %swap3A_596] : memref<100x16x128xf32, #tpu.memory_space<vmem>>, vector<100x1x128xf32>
    %swap3A_598 = vector.shape_cast %swap3A_597 : vector<100x1x128xf32> to vector<100x128xf32>
    %swap3A_599 = vector.shape_cast %max3A_593 : vector<100x128xf32> to vector<100x1x128xf32>
    tpu.vector_store %arg4[%swap3A_594, %swap3A_595, %swap3A_596], %swap3A_599 {strides = array<i32>} : memref<100x16x128xf32, #tpu.memory_space<vmem>>, vector<100x1x128xf32>,
    %get3A_600 = arith.constant 600 : index
    %get3A_601 = arith.constant 0 : index
    %get3A_602 = vector.load %arg1[%get3A_600, %get3A_601] : memref<1600x512xi32, #tpu.memory_space<vmem>>, vector<100x512xi32>
    %convert_element_type3A_603 = arith.sitofp %get3A_602 : vector<100x512xi32> to vector<100x512xf32>
    %mul3A_604 = arith.mulf %convert_element_type3A_603, %convert_element_type3A_603 : vector<100x512xf32>
    %reduce_sum3A_605 = arith.constant dense<0.000000e+00> : vector<100xf32>
    %reduce_sum3A_606 = vector.multi_reduction <add>, %mul3A_604, %reduce_sum3A_605 [1] : vector<100x512xf32> to vector<100xf32>
    %broadcast_in_dim3A_607 = vector.shape_cast %reduce_sum3A_606 : vector<100xf32> to vector<100x1xf32>
    %sqrt3A_608 = math.sqrt %broadcast_in_dim3A_607 : vector<100x1xf32>
    %max3A_609 = arith.constant 9.99999996E-13 : f32
    %max3A_610 = vector.broadcast %max3A_609 : f32 to vector<100x1xf32>
    %max3A_611 = arith.maximumf %sqrt3A_608, %max3A_610 : vector<100x1xf32>
    %div3A_612 = vector.broadcast %max3A_611 : vector<100x1xf32> to vector<100x512xf32>
    %div3A_613 = arith.divf %convert_element_type3A_603, %div3A_612 : vector<100x512xf32>
    %dot_general3A_614 = arith.constant dense<0.000000e+00> : vector<100x100xf32>
    %dot_general3A_615 = tpu.matmul %div3A_613, %div3A_613, %dot_general3A_614 {dimension_numbers = #tpu.dot_dimension_numbers<[1], [1], [0], [0], [0, 0, 1, 0], [], []>, transpose_lhs_hint = false} : vector<100x512xf32>, vector<100x512xf32>, vector<100x100xf32> -> vector<100x100xf32>
    %concatenate3A_616 = tpu.concatenate %broadcast_in_dim3A_0, %dot_general3A_615, %broadcast_in_dim3A_0 in 1 : vector<100x50xf32>, vector<100x100xf32>, vector<100x50xf32> -> vector<100x200xf32>
    %slice3A_617 = vector.extract_strided_slice %concatenate3A_616 {offsets = [0, 1], sizes = [100, 199], strides = [1, 1]} : vector<100x200xf32> to vector<100x199xf32>
    %slice3A_618 = vector.extract_strided_slice %concatenate3A_616 {offsets = [0, 0], sizes = [100, 1], strides = [1, 1]} : vector<100x200xf32> to vector<100x1xf32>
    %concatenate3A_619 = tpu.concatenate %slice3A_617, %slice3A_618 in 1 : vector<100x199xf32>, vector<100x1xf32> -> vector<100x200xf32>
    %and3A_620 = arith.constant 1 : i32
    %and3A_621 = vector.broadcast %and3A_620 : i32 to vector<100x200xi32>
    %and3A_622 = arith.andi %iota3A, %and3A_621 : vector<100x200xi32>
    %ne3A_623 = arith.constant 0 : i32
    %ne3A_624 = vector.broadcast %ne3A_623 : i32 to vector<100x200xi32>
    %ne3A_625 = arith.cmpi ne, %and3A_622, %ne3A_624 : vector<100x200xi32>
    %select_n3A_626 = arith.select %ne3A_625, %concatenate3A_619, %concatenate3A_616 : vector<100x200xi1>, vector<100x200xf32>
    %slice3A_627 = vector.extract_strided_slice %select_n3A_626 {offsets = [0, 2], sizes = [100, 198], strides = [1, 1]} : vector<100x200xf32> to vector<100x198xf32>
    %slice3A_628 = vector.extract_strided_slice %select_n3A_626 {offsets = [0, 0], sizes = [100, 2], strides = [1, 1]} : vector<100x200xf32> to vector<100x2xf32>
    %concatenate3A_629 = tpu.concatenate %slice3A_627, %slice3A_628 in 1 : vector<100x198xf32>, vector<100x2xf32> -> vector<100x200xf32>
    %and3A_630 = arith.constant 2 : i32
    %and3A_631 = vector.broadcast %and3A_630 : i32 to vector<100x200xi32>
    %and3A_632 = arith.andi %iota3A, %and3A_631 : vector<100x200xi32>
    %ne3A_633 = arith.constant 0 : i32
    %ne3A_634 = vector.broadcast %ne3A_633 : i32 to vector<100x200xi32>
    %ne3A_635 = arith.cmpi ne, %and3A_632, %ne3A_634 : vector<100x200xi32>
    %select_n3A_636 = arith.select %ne3A_635, %concatenate3A_629, %select_n3A_626 : vector<100x200xi1>, vector<100x200xf32>
    %slice3A_637 = vector.extract_strided_slice %select_n3A_636 {offsets = [0, 4], sizes = [100, 196], strides = [1, 1]} : vector<100x200xf32> to vector<100x196xf32>
    %slice3A_638 = vector.extract_strided_slice %select_n3A_636 {offsets = [0, 0], sizes = [100, 4], strides = [1, 1]} : vector<100x200xf32> to vector<100x4xf32>
    %concatenate3A_639 = tpu.concatenate %slice3A_637, %slice3A_638 in 1 : vector<100x196xf32>, vector<100x4xf32> -> vector<100x200xf32>
    %and3A_640 = arith.constant 4 : i32
    %and3A_641 = vector.broadcast %and3A_640 : i32 to vector<100x200xi32>
    %and3A_642 = arith.andi %iota3A, %and3A_641 : vector<100x200xi32>
    %ne3A_643 = arith.constant 0 : i32
    %ne3A_644 = vector.broadcast %ne3A_643 : i32 to vector<100x200xi32>
    %ne3A_645 = arith.cmpi ne, %and3A_642, %ne3A_644 : vector<100x200xi32>
    %select_n3A_646 = arith.select %ne3A_645, %concatenate3A_639, %select_n3A_636 : vector<100x200xi1>, vector<100x200xf32>
    %slice3A_647 = vector.extract_strided_slice %select_n3A_646 {offsets = [0, 8], sizes = [100, 192], strides = [1, 1]} : vector<100x200xf32> to vector<100x192xf32>
    %slice3A_648 = vector.extract_strided_slice %select_n3A_646 {offsets = [0, 0], sizes = [100, 8], strides = [1, 1]} : vector<100x200xf32> to vector<100x8xf32>
    %concatenate3A_649 = tpu.concatenate %slice3A_647, %slice3A_648 in 1 : vector<100x192xf32>, vector<100x8xf32> -> vector<100x200xf32>
    %and3A_650 = arith.constant 8 : i32
    %and3A_651 = vector.broadcast %and3A_650 : i32 to vector<100x200xi32>
    %and3A_652 = arith.andi %iota3A, %and3A_651 : vector<100x200xi32>
    %ne3A_653 = arith.constant 0 : i32
    %ne3A_654 = vector.broadcast %ne3A_653 : i32 to vector<100x200xi32>
    %ne3A_655 = arith.cmpi ne, %and3A_652, %ne3A_654 : vector<100x200xi32>
    %select_n3A_656 = arith.select %ne3A_655, %concatenate3A_649, %select_n3A_646 : vector<100x200xi1>, vector<100x200xf32>
    %slice3A_657 = vector.extract_strided_slice %select_n3A_656 {offsets = [0, 16], sizes = [100, 184], strides = [1, 1]} : vector<100x200xf32> to vector<100x184xf32>
    %slice3A_658 = vector.extract_strided_slice %select_n3A_656 {offsets = [0, 0], sizes = [100, 16], strides = [1, 1]} : vector<100x200xf32> to vector<100x16xf32>
    %concatenate3A_659 = tpu.concatenate %slice3A_657, %slice3A_658 in 1 : vector<100x184xf32>, vector<100x16xf32> -> vector<100x200xf32>
    %and3A_660 = arith.constant 16 : i32
    %and3A_661 = vector.broadcast %and3A_660 : i32 to vector<100x200xi32>
    %and3A_662 = arith.andi %iota3A, %and3A_661 : vector<100x200xi32>
    %ne3A_663 = arith.constant 0 : i32
    %ne3A_664 = vector.broadcast %ne3A_663 : i32 to vector<100x200xi32>
    %ne3A_665 = arith.cmpi ne, %and3A_662, %ne3A_664 : vector<100x200xi32>
    %select_n3A_666 = arith.select %ne3A_665, %concatenate3A_659, %select_n3A_656 : vector<100x200xi1>, vector<100x200xf32>
    %slice3A_667 = vector.extract_strided_slice %select_n3A_666 {offsets = [0, 32], sizes = [100, 168], strides = [1, 1]} : vector<100x200xf32> to vector<100x168xf32>
    %slice3A_668 = vector.extract_strided_slice %select_n3A_666 {offsets = [0, 0], sizes = [100, 32], strides = [1, 1]} : vector<100x200xf32> to vector<100x32xf32>
    %concatenate3A_669 = tpu.concatenate %slice3A_667, %slice3A_668 in 1 : vector<100x168xf32>, vector<100x32xf32> -> vector<100x200xf32>
    %and3A_670 = arith.constant 32 : i32
    %and3A_671 = vector.broadcast %and3A_670 : i32 to vector<100x200xi32>
    %and3A_672 = arith.andi %iota3A, %and3A_671 : vector<100x200xi32>
    %ne3A_673 = arith.constant 0 : i32
    %ne3A_674 = vector.broadcast %ne3A_673 : i32 to vector<100x200xi32>
    %ne3A_675 = arith.cmpi ne, %and3A_672, %ne3A_674 : vector<100x200xi32>
    %select_n3A_676 = arith.select %ne3A_675, %concatenate3A_669, %select_n3A_666 : vector<100x200xi1>, vector<100x200xf32>
    %slice3A_677 = vector.extract_strided_slice %select_n3A_676 {offsets = [0, 64], sizes = [100, 136], strides = [1, 1]} : vector<100x200xf32> to vector<100x136xf32>
    %slice3A_678 = vector.extract_strided_slice %select_n3A_676 {offsets = [0, 0], sizes = [100, 64], strides = [1, 1]} : vector<100x200xf32> to vector<100x64xf32>
    %concatenate3A_679 = tpu.concatenate %slice3A_677, %slice3A_678 in 1 : vector<100x136xf32>, vector<100x64xf32> -> vector<100x200xf32>
    %and3A_680 = arith.constant 64 : i32
    %and3A_681 = vector.broadcast %and3A_680 : i32 to vector<100x200xi32>
    %and3A_682 = arith.andi %iota3A, %and3A_681 : vector<100x200xi32>
    %ne3A_683 = arith.constant 0 : i32
    %ne3A_684 = vector.broadcast %ne3A_683 : i32 to vector<100x200xi32>
    %ne3A_685 = arith.cmpi ne, %and3A_682, %ne3A_684 : vector<100x200xi32>
    %select_n3A_686 = arith.select %ne3A_685, %concatenate3A_679, %select_n3A_676 : vector<100x200xi1>, vector<100x200xf32>
    %slice3A_687 = vector.extract_strided_slice %select_n3A_686 {offsets = [0, 0], sizes = [100, 101], strides = [1, 1]} : vector<100x200xf32> to vector<100x101xf32>
    %dot_general3A_688 = arith.constant dense<0.000000e+00> : vector<100x128xf32>
    %dot_general3A_689 = tpu.matmul %slice3A_687, %get3A_2, %dot_general3A_688 {dimension_numbers = #tpu.dot_dimension_numbers<[1], [0], [0], [1], [0, 0, 1, 1], [], []>, transpose_lhs_hint = false} : vector<100x101xf32>, vector<101x128xf32>, vector<100x128xf32> -> vector<100x128xf32>
    %add3A_690 = vector.broadcast %broadcast_in_dim3A_7 : vector<1x128xf32> to vector<100x128xf32>
    %add3A_691 = arith.addf %dot_general3A_689, %add3A_690 : vector<100x128xf32>
    %max3A_692 = arith.constant 0.000000e+00 : f32
    %max3A_693 = vector.broadcast %max3A_692 : f32 to vector<100x128xf32>
    %max3A_694 = arith.maximumf %add3A_691, %max3A_693 : vector<100x128xf32>
    %swap3A_695 = arith.constant 0 : index
    %swap3A_696 = arith.constant 6 : index
    %swap3A_697 = arith.constant 0 : index
    %swap3A_698 = vector.load %arg4[%swap3A_695, %swap3A_696, %swap3A_697] : memref<100x16x128xf32, #tpu.memory_space<vmem>>, vector<100x1x128xf32>
    %swap3A_699 = vector.shape_cast %swap3A_698 : vector<100x1x128xf32> to vector<100x128xf32>
    %swap3A_700 = vector.shape_cast %max3A_694 : vector<100x128xf32> to vector<100x1x128xf32>
    tpu.vector_store %arg4[%swap3A_695, %swap3A_696, %swap3A_697], %swap3A_700 {strides = array<i32>} : memref<100x16x128xf32, #tpu.memory_space<vmem>>, vector<100x1x128xf32>,
    %get3A_701 = arith.constant 700 : index
    %get3A_702 = arith.constant 0 : index
    %get3A_703 = vector.load %arg1[%get3A_701, %get3A_702] : memref<1600x512xi32, #tpu.memory_space<vmem>>, vector<100x512xi32>
    %convert_element_type3A_704 = arith.sitofp %get3A_703 : vector<100x512xi32> to vector<100x512xf32>
    %mul3A_705 = arith.mulf %convert_element_type3A_704, %convert_element_type3A_704 : vector<100x512xf32>
    %reduce_sum3A_706 = arith.constant dense<0.000000e+00> : vector<100xf32>
    %reduce_sum3A_707 = vector.multi_reduction <add>, %mul3A_705, %reduce_sum3A_706 [1] : vector<100x512xf32> to vector<100xf32>
    %broadcast_in_dim3A_708 = vector.shape_cast %reduce_sum3A_707 : vector<100xf32> to vector<100x1xf32>
    %sqrt3A_709 = math.sqrt %broadcast_in_dim3A_708 : vector<100x1xf32>
    %max3A_710 = arith.constant 9.99999996E-13 : f32
    %max3A_711 = vector.broadcast %max3A_710 : f32 to vector<100x1xf32>
    %max3A_712 = arith.maximumf %sqrt3A_709, %max3A_711 : vector<100x1xf32>
    %div3A_713 = vector.broadcast %max3A_712 : vector<100x1xf32> to vector<100x512xf32>
    %div3A_714 = arith.divf %convert_element_type3A_704, %div3A_713 : vector<100x512xf32>
    %dot_general3A_715 = arith.constant dense<0.000000e+00> : vector<100x100xf32>
    %dot_general3A_716 = tpu.matmul %div3A_714, %div3A_714, %dot_general3A_715 {dimension_numbers = #tpu.dot_dimension_numbers<[1], [1], [0], [0], [0, 0, 1, 0], [], []>, transpose_lhs_hint = false} : vector<100x512xf32>, vector<100x512xf32>, vector<100x100xf32> -> vector<100x100xf32>
    %concatenate3A_717 = tpu.concatenate %broadcast_in_dim3A_0, %dot_general3A_716, %broadcast_in_dim3A_0 in 1 : vector<100x50xf32>, vector<100x100xf32>, vector<100x50xf32> -> vector<100x200xf32>
    %slice3A_718 = vector.extract_strided_slice %concatenate3A_717 {offsets = [0, 1], sizes = [100, 199], strides = [1, 1]} : vector<100x200xf32> to vector<100x199xf32>
    %slice3A_719 = vector.extract_strided_slice %concatenate3A_717 {offsets = [0, 0], sizes = [100, 1], strides = [1, 1]} : vector<100x200xf32> to vector<100x1xf32>
    %concatenate3A_720 = tpu.concatenate %slice3A_718, %slice3A_719 in 1 : vector<100x199xf32>, vector<100x1xf32> -> vector<100x200xf32>
    %and3A_721 = arith.constant 1 : i32
    %and3A_722 = vector.broadcast %and3A_721 : i32 to vector<100x200xi32>
    %and3A_723 = arith.andi %iota3A, %and3A_722 : vector<100x200xi32>
    %ne3A_724 = arith.constant 0 : i32
    %ne3A_725 = vector.broadcast %ne3A_724 : i32 to vector<100x200xi32>
    %ne3A_726 = arith.cmpi ne, %and3A_723, %ne3A_725 : vector<100x200xi32>
    %select_n3A_727 = arith.select %ne3A_726, %concatenate3A_720, %concatenate3A_717 : vector<100x200xi1>, vector<100x200xf32>
    %slice3A_728 = vector.extract_strided_slice %select_n3A_727 {offsets = [0, 2], sizes = [100, 198], strides = [1, 1]} : vector<100x200xf32> to vector<100x198xf32>
    %slice3A_729 = vector.extract_strided_slice %select_n3A_727 {offsets = [0, 0], sizes = [100, 2], strides = [1, 1]} : vector<100x200xf32> to vector<100x2xf32>
    %concatenate3A_730 = tpu.concatenate %slice3A_728, %slice3A_729 in 1 : vector<100x198xf32>, vector<100x2xf32> -> vector<100x200xf32>
    %and3A_731 = arith.constant 2 : i32
    %and3A_732 = vector.broadcast %and3A_731 : i32 to vector<100x200xi32>
    %and3A_733 = arith.andi %iota3A, %and3A_732 : vector<100x200xi32>
    %ne3A_734 = arith.constant 0 : i32
    %ne3A_735 = vector.broadcast %ne3A_734 : i32 to vector<100x200xi32>
    %ne3A_736 = arith.cmpi ne, %and3A_733, %ne3A_735 : vector<100x200xi32>
    %select_n3A_737 = arith.select %ne3A_736, %concatenate3A_730, %select_n3A_727 : vector<100x200xi1>, vector<100x200xf32>
    %slice3A_738 = vector.extract_strided_slice %select_n3A_737 {offsets = [0, 4], sizes = [100, 196], strides = [1, 1]} : vector<100x200xf32> to vector<100x196xf32>
    %slice3A_739 = vector.extract_strided_slice %select_n3A_737 {offsets = [0, 0], sizes = [100, 4], strides = [1, 1]} : vector<100x200xf32> to vector<100x4xf32>
    %concatenate3A_740 = tpu.concatenate %slice3A_738, %slice3A_739 in 1 : vector<100x196xf32>, vector<100x4xf32> -> vector<100x200xf32>
    %and3A_741 = arith.constant 4 : i32
    %and3A_742 = vector.broadcast %and3A_741 : i32 to vector<100x200xi32>
    %and3A_743 = arith.andi %iota3A, %and3A_742 : vector<100x200xi32>
    %ne3A_744 = arith.constant 0 : i32
    %ne3A_745 = vector.broadcast %ne3A_744 : i32 to vector<100x200xi32>
    %ne3A_746 = arith.cmpi ne, %and3A_743, %ne3A_745 : vector<100x200xi32>
    %select_n3A_747 = arith.select %ne3A_746, %concatenate3A_740, %select_n3A_737 : vector<100x200xi1>, vector<100x200xf32>
    %slice3A_748 = vector.extract_strided_slice %select_n3A_747 {offsets = [0, 8], sizes = [100, 192], strides = [1, 1]} : vector<100x200xf32> to vector<100x192xf32>
    %slice3A_749 = vector.extract_strided_slice %select_n3A_747 {offsets = [0, 0], sizes = [100, 8], strides = [1, 1]} : vector<100x200xf32> to vector<100x8xf32>
    %concatenate3A_750 = tpu.concatenate %slice3A_748, %slice3A_749 in 1 : vector<100x192xf32>, vector<100x8xf32> -> vector<100x200xf32>
    %and3A_751 = arith.constant 8 : i32
    %and3A_752 = vector.broadcast %and3A_751 : i32 to vector<100x200xi32>
    %and3A_753 = arith.andi %iota3A, %and3A_752 : vector<100x200xi32>
    %ne3A_754 = arith.constant 0 : i32
    %ne3A_755 = vector.broadcast %ne3A_754 : i32 to vector<100x200xi32>
    %ne3A_756 = arith.cmpi ne, %and3A_753, %ne3A_755 : vector<100x200xi32>
    %select_n3A_757 = arith.select %ne3A_756, %concatenate3A_750, %select_n3A_747 : vector<100x200xi1>, vector<100x200xf32>
    %slice3A_758 = vector.extract_strided_slice %select_n3A_757 {offsets = [0, 16], sizes = [100, 184], strides = [1, 1]} : vector<100x200xf32> to vector<100x184xf32>
    %slice3A_759 = vector.extract_strided_slice %select_n3A_757 {offsets = [0, 0], sizes = [100, 16], strides = [1, 1]} : vector<100x200xf32> to vector<100x16xf32>
    %concatenate3A_760 = tpu.concatenate %slice3A_758, %slice3A_759 in 1 : vector<100x184xf32>, vector<100x16xf32> -> vector<100x200xf32>
    %and3A_761 = arith.constant 16 : i32
    %and3A_762 = vector.broadcast %and3A_761 : i32 to vector<100x200xi32>
    %and3A_763 = arith.andi %iota3A, %and3A_762 : vector<100x200xi32>
    %ne3A_764 = arith.constant 0 : i32
    %ne3A_765 = vector.broadcast %ne3A_764 : i32 to vector<100x200xi32>
    %ne3A_766 = arith.cmpi ne, %and3A_763, %ne3A_765 : vector<100x200xi32>
    %select_n3A_767 = arith.select %ne3A_766, %concatenate3A_760, %select_n3A_757 : vector<100x200xi1>, vector<100x200xf32>
    %slice3A_768 = vector.extract_strided_slice %select_n3A_767 {offsets = [0, 32], sizes = [100, 168], strides = [1, 1]} : vector<100x200xf32> to vector<100x168xf32>
    %slice3A_769 = vector.extract_strided_slice %select_n3A_767 {offsets = [0, 0], sizes = [100, 32], strides = [1, 1]} : vector<100x200xf32> to vector<100x32xf32>
    %concatenate3A_770 = tpu.concatenate %slice3A_768, %slice3A_769 in 1 : vector<100x168xf32>, vector<100x32xf32> -> vector<100x200xf32>
    %and3A_771 = arith.constant 32 : i32
    %and3A_772 = vector.broadcast %and3A_771 : i32 to vector<100x200xi32>
    %and3A_773 = arith.andi %iota3A, %and3A_772 : vector<100x200xi32>
    %ne3A_774 = arith.constant 0 : i32
    %ne3A_775 = vector.broadcast %ne3A_774 : i32 to vector<100x200xi32>
    %ne3A_776 = arith.cmpi ne, %and3A_773, %ne3A_775 : vector<100x200xi32>
    %select_n3A_777 = arith.select %ne3A_776, %concatenate3A_770, %select_n3A_767 : vector<100x200xi1>, vector<100x200xf32>
    %slice3A_778 = vector.extract_strided_slice %select_n3A_777 {offsets = [0, 64], sizes = [100, 136], strides = [1, 1]} : vector<100x200xf32> to vector<100x136xf32>
    %slice3A_779 = vector.extract_strided_slice %select_n3A_777 {offsets = [0, 0], sizes = [100, 64], strides = [1, 1]} : vector<100x200xf32> to vector<100x64xf32>
    %concatenate3A_780 = tpu.concatenate %slice3A_778, %slice3A_779 in 1 : vector<100x136xf32>, vector<100x64xf32> -> vector<100x200xf32>
    %and3A_781 = arith.constant 64 : i32
    %and3A_782 = vector.broadcast %and3A_781 : i32 to vector<100x200xi32>
    %and3A_783 = arith.andi %iota3A, %and3A_782 : vector<100x200xi32>
    %ne3A_784 = arith.constant 0 : i32
    %ne3A_785 = vector.broadcast %ne3A_784 : i32 to vector<100x200xi32>
    %ne3A_786 = arith.cmpi ne, %and3A_783, %ne3A_785 : vector<100x200xi32>
    %select_n3A_787 = arith.select %ne3A_786, %concatenate3A_780, %select_n3A_777 : vector<100x200xi1>, vector<100x200xf32>
    %slice3A_788 = vector.extract_strided_slice %select_n3A_787 {offsets = [0, 0], sizes = [100, 101], strides = [1, 1]} : vector<100x200xf32> to vector<100x101xf32>
    %dot_general3A_789 = arith.constant dense<0.000000e+00> : vector<100x128xf32>
    %dot_general3A_790 = tpu.matmul %slice3A_788, %get3A_2, %dot_general3A_789 {dimension_numbers = #tpu.dot_dimension_numbers<[1], [0], [0], [1], [0, 0, 1, 1], [], []>, transpose_lhs_hint = false} : vector<100x101xf32>, vector<101x128xf32>, vector<100x128xf32> -> vector<100x128xf32>
    %add3A_791 = vector.broadcast %broadcast_in_dim3A_7 : vector<1x128xf32> to vector<100x128xf32>
    %add3A_792 = arith.addf %dot_general3A_790, %add3A_791 : vector<100x128xf32>
    %max3A_793 = arith.constant 0.000000e+00 : f32
    %max3A_794 = vector.broadcast %max3A_793 : f32 to vector<100x128xf32>
    %max3A_795 = arith.maximumf %add3A_792, %max3A_794 : vector<100x128xf32>
    %swap3A_796 = arith.constant 0 : index
    %swap3A_797 = arith.constant 7 : index
    %swap3A_798 = arith.constant 0 : index
    %swap3A_799 = vector.load %arg4[%swap3A_796, %swap3A_797, %swap3A_798] : memref<100x16x128xf32, #tpu.memory_space<vmem>>, vector<100x1x128xf32>
    %swap3A_800 = vector.shape_cast %swap3A_799 : vector<100x1x128xf32> to vector<100x128xf32>
    %swap3A_801 = vector.shape_cast %max3A_795 : vector<100x128xf32> to vector<100x1x128xf32>
    tpu.vector_store %arg4[%swap3A_796, %swap3A_797, %swap3A_798], %swap3A_801 {strides = array<i32>} : memref<100x16x128xf32, #tpu.memory_space<vmem>>, vector<100x1x128xf32>,
    %get3A_802 = arith.constant 800 : index
    %get3A_803 = arith.constant 0 : index
    %get3A_804 = vector.load %arg1[%get3A_802, %get3A_803] : memref<1600x512xi32, #tpu.memory_space<vmem>>, vector<100x512xi32>
    %convert_element_type3A_805 = arith.sitofp %get3A_804 : vector<100x512xi32> to vector<100x512xf32>
    %mul3A_806 = arith.mulf %convert_element_type3A_805, %convert_element_type3A_805 : vector<100x512xf32>
    %reduce_sum3A_807 = arith.constant dense<0.000000e+00> : vector<100xf32>
    %reduce_sum3A_808 = vector.multi_reduction <add>, %mul3A_806, %reduce_sum3A_807 [1] : vector<100x512xf32> to vector<100xf32>
    %broadcast_in_dim3A_809 = vector.shape_cast %reduce_sum3A_808 : vector<100xf32> to vector<100x1xf32>
    %sqrt3A_810 = math.sqrt %broadcast_in_dim3A_809 : vector<100x1xf32>
    %max3A_811 = arith.constant 9.99999996E-13 : f32
    %max3A_812 = vector.broadcast %max3A_811 : f32 to vector<100x1xf32>
    %max3A_813 = arith.maximumf %sqrt3A_810, %max3A_812 : vector<100x1xf32>
    %div3A_814 = vector.broadcast %max3A_813 : vector<100x1xf32> to vector<100x512xf32>
    %div3A_815 = arith.divf %convert_element_type3A_805, %div3A_814 : vector<100x512xf32>
    %dot_general3A_816 = arith.constant dense<0.000000e+00> : vector<100x100xf32>
    %dot_general3A_817 = tpu.matmul %div3A_815, %div3A_815, %dot_general3A_816 {dimension_numbers = #tpu.dot_dimension_numbers<[1], [1], [0], [0], [0, 0, 1, 0], [], []>, transpose_lhs_hint = false} : vector<100x512xf32>, vector<100x512xf32>, vector<100x100xf32> -> vector<100x100xf32>
    %concatenate3A_818 = tpu.concatenate %broadcast_in_dim3A_0, %dot_general3A_817, %broadcast_in_dim3A_0 in 1 : vector<100x50xf32>, vector<100x100xf32>, vector<100x50xf32> -> vector<100x200xf32>
    %slice3A_819 = vector.extract_strided_slice %concatenate3A_818 {offsets = [0, 1], sizes = [100, 199], strides = [1, 1]} : vector<100x200xf32> to vector<100x199xf32>
    %slice3A_820 = vector.extract_strided_slice %concatenate3A_818 {offsets = [0, 0], sizes = [100, 1], strides = [1, 1]} : vector<100x200xf32> to vector<100x1xf32>
    %concatenate3A_821 = tpu.concatenate %slice3A_819, %slice3A_820 in 1 : vector<100x199xf32>, vector<100x1xf32> -> vector<100x200xf32>
    %and3A_822 = arith.constant 1 : i32
    %and3A_823 = vector.broadcast %and3A_822 : i32 to vector<100x200xi32>
    %and3A_824 = arith.andi %iota3A, %and3A_823 : vector<100x200xi32>
    %ne3A_825 = arith.constant 0 : i32
    %ne3A_826 = vector.broadcast %ne3A_825 : i32 to vector<100x200xi32>
    %ne3A_827 = arith.cmpi ne, %and3A_824, %ne3A_826 : vector<100x200xi32>
    %select_n3A_828 = arith.select %ne3A_827, %concatenate3A_821, %concatenate3A_818 : vector<100x200xi1>, vector<100x200xf32>
    %slice3A_829 = vector.extract_strided_slice %select_n3A_828 {offsets = [0, 2], sizes = [100, 198], strides = [1, 1]} : vector<100x200xf32> to vector<100x198xf32>
    %slice3A_830 = vector.extract_strided_slice %select_n3A_828 {offsets = [0, 0], sizes = [100, 2], strides = [1, 1]} : vector<100x200xf32> to vector<100x2xf32>
    %concatenate3A_831 = tpu.concatenate %slice3A_829, %slice3A_830 in 1 : vector<100x198xf32>, vector<100x2xf32> -> vector<100x200xf32>
    %and3A_832 = arith.constant 2 : i32
    %and3A_833 = vector.broadcast %and3A_832 : i32 to vector<100x200xi32>
    %and3A_834 = arith.andi %iota3A, %and3A_833 : vector<100x200xi32>
    %ne3A_835 = arith.constant 0 : i32
    %ne3A_836 = vector.broadcast %ne3A_835 : i32 to vector<100x200xi32>
    %ne3A_837 = arith.cmpi ne, %and3A_834, %ne3A_836 : vector<100x200xi32>
    %select_n3A_838 = arith.select %ne3A_837, %concatenate3A_831, %select_n3A_828 : vector<100x200xi1>, vector<100x200xf32>
    %slice3A_839 = vector.extract_strided_slice %select_n3A_838 {offsets = [0, 4], sizes = [100, 196], strides = [1, 1]} : vector<100x200xf32> to vector<100x196xf32>
    %slice3A_840 = vector.extract_strided_slice %select_n3A_838 {offsets = [0, 0], sizes = [100, 4], strides = [1, 1]} : vector<100x200xf32> to vector<100x4xf32>
    %concatenate3A_841 = tpu.concatenate %slice3A_839, %slice3A_840 in 1 : vector<100x196xf32>, vector<100x4xf32> -> vector<100x200xf32>
    %and3A_842 = arith.constant 4 : i32
    %and3A_843 = vector.broadcast %and3A_842 : i32 to vector<100x200xi32>
    %and3A_844 = arith.andi %iota3A, %and3A_843 : vector<100x200xi32>
    %ne3A_845 = arith.constant 0 : i32
    %ne3A_846 = vector.broadcast %ne3A_845 : i32 to vector<100x200xi32>
    %ne3A_847 = arith.cmpi ne, %and3A_844, %ne3A_846 : vector<100x200xi32>
    %select_n3A_848 = arith.select %ne3A_847, %concatenate3A_841, %select_n3A_838 : vector<100x200xi1>, vector<100x200xf32>
    %slice3A_849 = vector.extract_strided_slice %select_n3A_848 {offsets = [0, 8], sizes = [100, 192], strides = [1, 1]} : vector<100x200xf32> to vector<100x192xf32>
    %slice3A_850 = vector.extract_strided_slice %select_n3A_848 {offsets = [0, 0], sizes = [100, 8], strides = [1, 1]} : vector<100x200xf32> to vector<100x8xf32>
    %concatenate3A_851 = tpu.concatenate %slice3A_849, %slice3A_850 in 1 : vector<100x192xf32>, vector<100x8xf32> -> vector<100x200xf32>
    %and3A_852 = arith.constant 8 : i32
    %and3A_853 = vector.broadcast %and3A_852 : i32 to vector<100x200xi32>
    %and3A_854 = arith.andi %iota3A, %and3A_853 : vector<100x200xi32>
    %ne3A_855 = arith.constant 0 : i32
    %ne3A_856 = vector.broadcast %ne3A_855 : i32 to vector<100x200xi32>
    %ne3A_857 = arith.cmpi ne, %and3A_854, %ne3A_856 : vector<100x200xi32>
    %select_n3A_858 = arith.select %ne3A_857, %concatenate3A_851, %select_n3A_848 : vector<100x200xi1>, vector<100x200xf32>
    %slice3A_859 = vector.extract_strided_slice %select_n3A_858 {offsets = [0, 16], sizes = [100, 184], strides = [1, 1]} : vector<100x200xf32> to vector<100x184xf32>
    %slice3A_860 = vector.extract_strided_slice %select_n3A_858 {offsets = [0, 0], sizes = [100, 16], strides = [1, 1]} : vector<100x200xf32> to vector<100x16xf32>
    %concatenate3A_861 = tpu.concatenate %slice3A_859, %slice3A_860 in 1 : vector<100x184xf32>, vector<100x16xf32> -> vector<100x200xf32>
    %and3A_862 = arith.constant 16 : i32
    %and3A_863 = vector.broadcast %and3A_862 : i32 to vector<100x200xi32>
    %and3A_864 = arith.andi %iota3A, %and3A_863 : vector<100x200xi32>
    %ne3A_865 = arith.constant 0 : i32
    %ne3A_866 = vector.broadcast %ne3A_865 : i32 to vector<100x200xi32>
    %ne3A_867 = arith.cmpi ne, %and3A_864, %ne3A_866 : vector<100x200xi32>
    %select_n3A_868 = arith.select %ne3A_867, %concatenate3A_861, %select_n3A_858 : vector<100x200xi1>, vector<100x200xf32>
    %slice3A_869 = vector.extract_strided_slice %select_n3A_868 {offsets = [0, 32], sizes = [100, 168], strides = [1, 1]} : vector<100x200xf32> to vector<100x168xf32>
    %slice3A_870 = vector.extract_strided_slice %select_n3A_868 {offsets = [0, 0], sizes = [100, 32], strides = [1, 1]} : vector<100x200xf32> to vector<100x32xf32>
    %concatenate3A_871 = tpu.concatenate %slice3A_869, %slice3A_870 in 1 : vector<100x168xf32>, vector<100x32xf32> -> vector<100x200xf32>
    %and3A_872 = arith.constant 32 : i32
    %and3A_873 = vector.broadcast %and3A_872 : i32 to vector<100x200xi32>
    %and3A_874 = arith.andi %iota3A, %and3A_873 : vector<100x200xi32>
    %ne3A_875 = arith.constant 0 : i32
    %ne3A_876 = vector.broadcast %ne3A_875 : i32 to vector<100x200xi32>
    %ne3A_877 = arith.cmpi ne, %and3A_874, %ne3A_876 : vector<100x200xi32>
    %select_n3A_878 = arith.select %ne3A_877, %concatenate3A_871, %select_n3A_868 : vector<100x200xi1>, vector<100x200xf32>
    %slice3A_879 = vector.extract_strided_slice %select_n3A_878 {offsets = [0, 64], sizes = [100, 136], strides = [1, 1]} : vector<100x200xf32> to vector<100x136xf32>
    %slice3A_880 = vector.extract_strided_slice %select_n3A_878 {offsets = [0, 0], sizes = [100, 64], strides = [1, 1]} : vector<100x200xf32> to vector<100x64xf32>
    %concatenate3A_881 = tpu.concatenate %slice3A_879, %slice3A_880 in 1 : vector<100x136xf32>, vector<100x64xf32> -> vector<100x200xf32>
    %and3A_882 = arith.constant 64 : i32
    %and3A_883 = vector.broadcast %and3A_882 : i32 to vector<100x200xi32>
    %and3A_884 = arith.andi %iota3A, %and3A_883 : vector<100x200xi32>
    %ne3A_885 = arith.constant 0 : i32
    %ne3A_886 = vector.broadcast %ne3A_885 : i32 to vector<100x200xi32>
    %ne3A_887 = arith.cmpi ne, %and3A_884, %ne3A_886 : vector<100x200xi32>
    %select_n3A_888 = arith.select %ne3A_887, %concatenate3A_881, %select_n3A_878 : vector<100x200xi1>, vector<100x200xf32>
    %slice3A_889 = vector.extract_strided_slice %select_n3A_888 {offsets = [0, 0], sizes = [100, 101], strides = [1, 1]} : vector<100x200xf32> to vector<100x101xf32>
    %dot_general3A_890 = arith.constant dense<0.000000e+00> : vector<100x128xf32>
    %dot_general3A_891 = tpu.matmul %slice3A_889, %get3A_2, %dot_general3A_890 {dimension_numbers = #tpu.dot_dimension_numbers<[1], [0], [0], [1], [0, 0, 1, 1], [], []>, transpose_lhs_hint = false} : vector<100x101xf32>, vector<101x128xf32>, vector<100x128xf32> -> vector<100x128xf32>
    %add3A_892 = vector.broadcast %broadcast_in_dim3A_7 : vector<1x128xf32> to vector<100x128xf32>
    %add3A_893 = arith.addf %dot_general3A_891, %add3A_892 : vector<100x128xf32>
    %max3A_894 = arith.constant 0.000000e+00 : f32
    %max3A_895 = vector.broadcast %max3A_894 : f32 to vector<100x128xf32>
    %max3A_896 = arith.maximumf %add3A_893, %max3A_895 : vector<100x128xf32>
    %swap3A_897 = arith.constant 0 : index
    %swap3A_898 = arith.constant 8 : index
    %swap3A_899 = arith.constant 0 : index
    %swap3A_900 = vector.load %arg4[%swap3A_897, %swap3A_898, %swap3A_899] : memref<100x16x128xf32, #tpu.memory_space<vmem>>, vector<100x1x128xf32>
    %swap3A_901 = vector.shape_cast %swap3A_900 : vector<100x1x128xf32> to vector<100x128xf32>
    %swap3A_902 = vector.shape_cast %max3A_896 : vector<100x128xf32> to vector<100x1x128xf32>
    tpu.vector_store %arg4[%swap3A_897, %swap3A_898, %swap3A_899], %swap3A_902 {strides = array<i32>} : memref<100x16x128xf32, #tpu.memory_space<vmem>>, vector<100x1x128xf32>,
    %get3A_903 = arith.constant 900 : index
    %get3A_904 = arith.constant 0 : index
    %get3A_905 = vector.load %arg1[%get3A_903, %get3A_904] : memref<1600x512xi32, #tpu.memory_space<vmem>>, vector<100x512xi32>
    %convert_element_type3A_906 = arith.sitofp %get3A_905 : vector<100x512xi32> to vector<100x512xf32>
    %mul3A_907 = arith.mulf %convert_element_type3A_906, %convert_element_type3A_906 : vector<100x512xf32>
    %reduce_sum3A_908 = arith.constant dense<0.000000e+00> : vector<100xf32>
    %reduce_sum3A_909 = vector.multi_reduction <add>, %mul3A_907, %reduce_sum3A_908 [1] : vector<100x512xf32> to vector<100xf32>
    %broadcast_in_dim3A_910 = vector.shape_cast %reduce_sum3A_909 : vector<100xf32> to vector<100x1xf32>
    %sqrt3A_911 = math.sqrt %broadcast_in_dim3A_910 : vector<100x1xf32>
    %max3A_912 = arith.constant 9.99999996E-13 : f32
    %max3A_913 = vector.broadcast %max3A_912 : f32 to vector<100x1xf32>
    %max3A_914 = arith.maximumf %sqrt3A_911, %max3A_913 : vector<100x1xf32>
    %div3A_915 = vector.broadcast %max3A_914 : vector<100x1xf32> to vector<100x512xf32>
    %div3A_916 = arith.divf %convert_element_type3A_906, %div3A_915 : vector<100x512xf32>
    %dot_general3A_917 = arith.constant dense<0.000000e+00> : vector<100x100xf32>
    %dot_general3A_918 = tpu.matmul %div3A_916, %div3A_916, %dot_general3A_917 {dimension_numbers = #tpu.dot_dimension_numbers<[1], [1], [0], [0], [0, 0, 1, 0], [], []>, transpose_lhs_hint = false} : vector<100x512xf32>, vector<100x512xf32>, vector<100x100xf32> -> vector<100x100xf32>
    %concatenate3A_919 = tpu.concatenate %broadcast_in_dim3A_0, %dot_general3A_918, %broadcast_in_dim3A_0 in 1 : vector<100x50xf32>, vector<100x100xf32>, vector<100x50xf32> -> vector<100x200xf32>
    %slice3A_920 = vector.extract_strided_slice %concatenate3A_919 {offsets = [0, 1], sizes = [100, 199], strides = [1, 1]} : vector<100x200xf32> to vector<100x199xf32>
    %slice3A_921 = vector.extract_strided_slice %concatenate3A_919 {offsets = [0, 0], sizes = [100, 1], strides = [1, 1]} : vector<100x200xf32> to vector<100x1xf32>
    %concatenate3A_922 = tpu.concatenate %slice3A_920, %slice3A_921 in 1 : vector<100x199xf32>, vector<100x1xf32> -> vector<100x200xf32>
    %and3A_923 = arith.constant 1 : i32
    %and3A_924 = vector.broadcast %and3A_923 : i32 to vector<100x200xi32>
    %and3A_925 = arith.andi %iota3A, %and3A_924 : vector<100x200xi32>
    %ne3A_926 = arith.constant 0 : i32
    %ne3A_927 = vector.broadcast %ne3A_926 : i32 to vector<100x200xi32>
    %ne3A_928 = arith.cmpi ne, %and3A_925, %ne3A_927 : vector<100x200xi32>
    %select_n3A_929 = arith.select %ne3A_928, %concatenate3A_922, %concatenate3A_919 : vector<100x200xi1>, vector<100x200xf32>
    %slice3A_930 = vector.extract_strided_slice %select_n3A_929 {offsets = [0, 2], sizes = [100, 198], strides = [1, 1]} : vector<100x200xf32> to vector<100x198xf32>
    %slice3A_931 = vector.extract_strided_slice %select_n3A_929 {offsets = [0, 0], sizes = [100, 2], strides = [1, 1]} : vector<100x200xf32> to vector<100x2xf32>
    %concatenate3A_932 = tpu.concatenate %slice3A_930, %slice3A_931 in 1 : vector<100x198xf32>, vector<100x2xf32> -> vector<100x200xf32>
    %and3A_933 = arith.constant 2 : i32
    %and3A_934 = vector.broadcast %and3A_933 : i32 to vector<100x200xi32>
    %and3A_935 = arith.andi %iota3A, %and3A_934 : vector<100x200xi32>
    %ne3A_936 = arith.constant 0 : i32
    %ne3A_937 = vector.broadcast %ne3A_936 : i32 to vector<100x200xi32>
    %ne3A_938 = arith.cmpi ne, %and3A_935, %ne3A_937 : vector<100x200xi32>
    %select_n3A_939 = arith.select %ne3A_938, %concatenate3A_932, %select_n3A_929 : vector<100x200xi1>, vector<100x200xf32>
    %slice3A_940 = vector.extract_strided_slice %select_n3A_939 {offsets = [0, 4], sizes = [100, 196], strides = [1, 1]} : vector<100x200xf32> to vector<100x196xf32>
    %slice3A_941 = vector.extract_strided_slice %select_n3A_939 {offsets = [0, 0], sizes = [100, 4], strides = [1, 1]} : vector<100x200xf32> to vector<100x4xf32>
    %concatenate3A_942 = tpu.concatenate %slice3A_940, %slice3A_941 in 1 : vector<100x196xf32>, vector<100x4xf32> -> vector<100x200xf32>
    %and3A_943 = arith.constant 4 : i32
    %and3A_944 = vector.broadcast %and3A_943 : i32 to vector<100x200xi32>
    %and3A_945 = arith.andi %iota3A, %and3A_944 : vector<100x200xi32>
    %ne3A_946 = arith.constant 0 : i32
    %ne3A_947 = vector.broadcast %ne3A_946 : i32 to vector<100x200xi32>
    %ne3A_948 = arith.cmpi ne, %and3A_945, %ne3A_947 : vector<100x200xi32>
    %select_n3A_949 = arith.select %ne3A_948, %concatenate3A_942, %select_n3A_939 : vector<100x200xi1>, vector<100x200xf32>
    %slice3A_950 = vector.extract_strided_slice %select_n3A_949 {offsets = [0, 8], sizes = [100, 192], strides = [1, 1]} : vector<100x200xf32> to vector<100x192xf32>
    %slice3A_951 = vector.extract_strided_slice %select_n3A_949 {offsets = [0, 0], sizes = [100, 8], strides = [1, 1]} : vector<100x200xf32> to vector<100x8xf32>
    %concatenate3A_952 = tpu.concatenate %slice3A_950, %slice3A_951 in 1 : vector<100x192xf32>, vector<100x8xf32> -> vector<100x200xf32>
    %and3A_953 = arith.constant 8 : i32
    %and3A_954 = vector.broadcast %and3A_953 : i32 to vector<100x200xi32>
    %and3A_955 = arith.andi %iota3A, %and3A_954 : vector<100x200xi32>
    %ne3A_956 = arith.constant 0 : i32
    %ne3A_957 = vector.broadcast %ne3A_956 : i32 to vector<100x200xi32>
    %ne3A_958 = arith.cmpi ne, %and3A_955, %ne3A_957 : vector<100x200xi32>
    %select_n3A_959 = arith.select %ne3A_958, %concatenate3A_952, %select_n3A_949 : vector<100x200xi1>, vector<100x200xf32>
    %slice3A_960 = vector.extract_strided_slice %select_n3A_959 {offsets = [0, 16], sizes = [100, 184], strides = [1, 1]} : vector<100x200xf32> to vector<100x184xf32>
    %slice3A_961 = vector.extract_strided_slice %select_n3A_959 {offsets = [0, 0], sizes = [100, 16], strides = [1, 1]} : vector<100x200xf32> to vector<100x16xf32>
    %concatenate3A_962 = tpu.concatenate %slice3A_960, %slice3A_961 in 1 : vector<100x184xf32>, vector<100x16xf32> -> vector<100x200xf32>
    %and3A_963 = arith.constant 16 : i32
    %and3A_964 = vector.broadcast %and3A_963 : i32 to vector<100x200xi32>
    %and3A_965 = arith.andi %iota3A, %and3A_964 : vector<100x200xi32>
    %ne3A_966 = arith.constant 0 : i32
    %ne3A_967 = vector.broadcast %ne3A_966 : i32 to vector<100x200xi32>
    %ne3A_968 = arith.cmpi ne, %and3A_965, %ne3A_967 : vector<100x200xi32>
    %select_n3A_969 = arith.select %ne3A_968, %concatenate3A_962, %select_n3A_959 : vector<100x200xi1>, vector<100x200xf32>
    %slice3A_970 = vector.extract_strided_slice %select_n3A_969 {offsets = [0, 32], sizes = [100, 168], strides = [1, 1]} : vector<100x200xf32> to vector<100x168xf32>
    %slice3A_971 = vector.extract_strided_slice %select_n3A_969 {offsets = [0, 0], sizes = [100, 32], strides = [1, 1]} : vector<100x200xf32> to vector<100x32xf32>
    %concatenate3A_972 = tpu.concatenate %slice3A_970, %slice3A_971 in 1 : vector<100x168xf32>, vector<100x32xf32> -> vector<100x200xf32>
    %and3A_973 = arith.constant 32 : i32
    %and3A_974 = vector.broadcast %and3A_973 : i32 to vector<100x200xi32>
    %and3A_975 = arith.andi %iota3A, %and3A_974 : vector<100x200xi32>
    %ne3A_976 = arith.constant 0 : i32
    %ne3A_977 = vector.broadcast %ne3A_976 : i32 to vector<100x200xi32>
    %ne3A_978 = arith.cmpi ne, %and3A_975, %ne3A_977 : vector<100x200xi32>
    %select_n3A_979 = arith.select %ne3A_978, %concatenate3A_972, %select_n3A_969 : vector<100x200xi1>, vector<100x200xf32>
    %slice3A_980 = vector.extract_strided_slice %select_n3A_979 {offsets = [0, 64], sizes = [100, 136], strides = [1, 1]} : vector<100x200xf32> to vector<100x136xf32>
    %slice3A_981 = vector.extract_strided_slice %select_n3A_979 {offsets = [0, 0], sizes = [100, 64], strides = [1, 1]} : vector<100x200xf32> to vector<100x64xf32>
    %concatenate3A_982 = tpu.concatenate %slice3A_980, %slice3A_981 in 1 : vector<100x136xf32>, vector<100x64xf32> -> vector<100x200xf32>
    %and3A_983 = arith.constant 64 : i32
    %and3A_984 = vector.broadcast %and3A_983 : i32 to vector<100x200xi32>
    %and3A_985 = arith.andi %iota3A, %and3A_984 : vector<100x200xi32>
    %ne3A_986 = arith.constant 0 : i32
    %ne3A_987 = vector.broadcast %ne3A_986 : i32 to vector<100x200xi32>
    %ne3A_988 = arith.cmpi ne, %and3A_985, %ne3A_987 : vector<100x200xi32>
    %select_n3A_989 = arith.select %ne3A_988, %concatenate3A_982, %select_n3A_979 : vector<100x200xi1>, vector<100x200xf32>
    %slice3A_990 = vector.extract_strided_slice %select_n3A_989 {offsets = [0, 0], sizes = [100, 101], strides = [1, 1]} : vector<100x200xf32> to vector<100x101xf32>
    %dot_general3A_991 = arith.constant dense<0.000000e+00> : vector<100x128xf32>
    %dot_general3A_992 = tpu.matmul %slice3A_990, %get3A_2, %dot_general3A_991 {dimension_numbers = #tpu.dot_dimension_numbers<[1], [0], [0], [1], [0, 0, 1, 1], [], []>, transpose_lhs_hint = false} : vector<100x101xf32>, vector<101x128xf32>, vector<100x128xf32> -> vector<100x128xf32>
    %add3A_993 = vector.broadcast %broadcast_in_dim3A_7 : vector<1x128xf32> to vector<100x128xf32>
    %add3A_994 = arith.addf %dot_general3A_992, %add3A_993 : vector<100x128xf32>
    %max3A_995 = arith.constant 0.000000e+00 : f32
    %max3A_996 = vector.broadcast %max3A_995 : f32 to vector<100x128xf32>
    %max3A_997 = arith.maximumf %add3A_994, %max3A_996 : vector<100x128xf32>
    %swap3A_998 = arith.constant 0 : index
    %swap3A_999 = arith.constant 9 : index
    %swap3A_1000 = arith.constant 0 : index
    %swap3A_1001 = vector.load %arg4[%swap3A_998, %swap3A_999, %swap3A_1000] : memref<100x16x128xf32, #tpu.memory_space<vmem>>, vector<100x1x128xf32>
    %swap3A_1002 = vector.shape_cast %swap3A_1001 : vector<100x1x128xf32> to vector<100x128xf32>
    %swap3A_1003 = vector.shape_cast %max3A_997 : vector<100x128xf32> to vector<100x1x128xf32>
    tpu.vector_store %arg4[%swap3A_998, %swap3A_999, %swap3A_1000], %swap3A_1003 {strides = array<i32>} : memref<100x16x128xf32, #tpu.memory_space<vmem>>, vector<100x1x128xf32>,
    %get3A_1004 = arith.constant 1000 : index
    %get3A_1005 = arith.constant 0 : index
    %get3A_1006 = vector.load %arg1[%get3A_1004, %get3A_1005] : memref<1600x512xi32, #tpu.memory_space<vmem>>, vector<100x512xi32>
    %convert_element_type3A_1007 = arith.sitofp %get3A_1006 : vector<100x512xi32> to vector<100x512xf32>
    %mul3A_1008 = arith.mulf %convert_element_type3A_1007, %convert_element_type3A_1007 : vector<100x512xf32>
    %reduce_sum3A_1009 = arith.constant dense<0.000000e+00> : vector<100xf32>
    %reduce_sum3A_1010 = vector.multi_reduction <add>, %mul3A_1008, %reduce_sum3A_1009 [1] : vector<100x512xf32> to vector<100xf32>
    %broadcast_in_dim3A_1011 = vector.shape_cast %reduce_sum3A_1010 : vector<100xf32> to vector<100x1xf32>
    %sqrt3A_1012 = math.sqrt %broadcast_in_dim3A_1011 : vector<100x1xf32>
    %max3A_1013 = arith.constant 9.99999996E-13 : f32
    %max3A_1014 = vector.broadcast %max3A_1013 : f32 to vector<100x1xf32>
    %max3A_1015 = arith.maximumf %sqrt3A_1012, %max3A_1014 : vector<100x1xf32>
    %div3A_1016 = vector.broadcast %max3A_1015 : vector<100x1xf32> to vector<100x512xf32>
    %div3A_1017 = arith.divf %convert_element_type3A_1007, %div3A_1016 : vector<100x512xf32>
    %dot_general3A_1018 = arith.constant dense<0.000000e+00> : vector<100x100xf32>
    %dot_general3A_1019 = tpu.matmul %div3A_1017, %div3A_1017, %dot_general3A_1018 {dimension_numbers = #tpu.dot_dimension_numbers<[1], [1], [0], [0], [0, 0, 1, 0], [], []>, transpose_lhs_hint = false} : vector<100x512xf32>, vector<100x512xf32>, vector<100x100xf32> -> vector<100x100xf32>
    %concatenate3A_1020 = tpu.concatenate %broadcast_in_dim3A_0, %dot_general3A_1019, %broadcast_in_dim3A_0 in 1 : vector<100x50xf32>, vector<100x100xf32>, vector<100x50xf32> -> vector<100x200xf32>
    %slice3A_1021 = vector.extract_strided_slice %concatenate3A_1020 {offsets = [0, 1], sizes = [100, 199], strides = [1, 1]} : vector<100x200xf32> to vector<100x199xf32>
    %slice3A_1022 = vector.extract_strided_slice %concatenate3A_1020 {offsets = [0, 0], sizes = [100, 1], strides = [1, 1]} : vector<100x200xf32> to vector<100x1xf32>
    %concatenate3A_1023 = tpu.concatenate %slice3A_1021, %slice3A_1022 in 1 : vector<100x199xf32>, vector<100x1xf32> -> vector<100x200xf32>
    %and3A_1024 = arith.constant 1 : i32
    %and3A_1025 = vector.broadcast %and3A_1024 : i32 to vector<100x200xi32>
    %and3A_1026 = arith.andi %iota3A, %and3A_1025 : vector<100x200xi32>
    %ne3A_1027 = arith.constant 0 : i32
    %ne3A_1028 = vector.broadcast %ne3A_1027 : i32 to vector<100x200xi32>
    %ne3A_1029 = arith.cmpi ne, %and3A_1026, %ne3A_1028 : vector<100x200xi32>
    %select_n3A_1030 = arith.select %ne3A_1029, %concatenate3A_1023, %concatenate3A_1020 : vector<100x200xi1>, vector<100x200xf32>
    %slice3A_1031 = vector.extract_strided_slice %select_n3A_1030 {offsets = [0, 2], sizes = [100, 198], strides = [1, 1]} : vector<100x200xf32> to vector<100x198xf32>
    %slice3A_1032 = vector.extract_strided_slice %select_n3A_1030 {offsets = [0, 0], sizes = [100, 2], strides = [1, 1]} : vector<100x200xf32> to vector<100x2xf32>
    %concatenate3A_1033 = tpu.concatenate %slice3A_1031, %slice3A_1032 in 1 : vector<100x198xf32>, vector<100x2xf32> -> vector<100x200xf32>
    %and3A_1034 = arith.constant 2 : i32
    %and3A_1035 = vector.broadcast %and3A_1034 : i32 to vector<100x200xi32>
    %and3A_1036 = arith.andi %iota3A, %and3A_1035 : vector<100x200xi32>
    %ne3A_1037 = arith.constant 0 : i32
    %ne3A_1038 = vector.broadcast %ne3A_1037 : i32 to vector<100x200xi32>
    %ne3A_1039 = arith.cmpi ne, %and3A_1036, %ne3A_1038 : vector<100x200xi32>
    %select_n3A_1040 = arith.select %ne3A_1039, %concatenate3A_1033, %select_n3A_1030 : vector<100x200xi1>, vector<100x200xf32>
    %slice3A_1041 = vector.extract_strided_slice %select_n3A_1040 {offsets = [0, 4], sizes = [100, 196], strides = [1, 1]} : vector<100x200xf32> to vector<100x196xf32>
    %slice3A_1042 = vector.extract_strided_slice %select_n3A_1040 {offsets = [0, 0], sizes = [100, 4], strides = [1, 1]} : vector<100x200xf32> to vector<100x4xf32>
    %concatenate3A_1043 = tpu.concatenate %slice3A_1041, %slice3A_1042 in 1 : vector<100x196xf32>, vector<100x4xf32> -> vector<100x200xf32>
    %and3A_1044 = arith.constant 4 : i32
    %and3A_1045 = vector.broadcast %and3A_1044 : i32 to vector<100x200xi32>
    %and3A_1046 = arith.andi %iota3A, %and3A_1045 : vector<100x200xi32>
    %ne3A_1047 = arith.constant 0 : i32
    %ne3A_1048 = vector.broadcast %ne3A_1047 : i32 to vector<100x200xi32>
    %ne3A_1049 = arith.cmpi ne, %and3A_1046, %ne3A_1048 : vector<100x200xi32>
    %select_n3A_1050 = arith.select %ne3A_1049, %concatenate3A_1043, %select_n3A_1040 : vector<100x200xi1>, vector<100x200xf32>
    %slice3A_1051 = vector.extract_strided_slice %select_n3A_1050 {offsets = [0, 8], sizes = [100, 192], strides = [1, 1]} : vector<100x200xf32> to vector<100x192xf32>
    %slice3A_1052 = vector.extract_strided_slice %select_n3A_1050 {offsets = [0, 0], sizes = [100, 8], strides = [1, 1]} : vector<100x200xf32> to vector<100x8xf32>
    %concatenate3A_1053 = tpu.concatenate %slice3A_1051, %slice3A_1052 in 1 : vector<100x192xf32>, vector<100x8xf32> -> vector<100x200xf32>
    %and3A_1054 = arith.constant 8 : i32
    %and3A_1055 = vector.broadcast %and3A_1054 : i32 to vector<100x200xi32>
    %and3A_1056 = arith.andi %iota3A, %and3A_1055 : vector<100x200xi32>
    %ne3A_1057 = arith.constant 0 : i32
    %ne3A_1058 = vector.broadcast %ne3A_1057 : i32 to vector<100x200xi32>
    %ne3A_1059 = arith.cmpi ne, %and3A_1056, %ne3A_1058 : vector<100x200xi32>
    %select_n3A_1060 = arith.select %ne3A_1059, %concatenate3A_1053, %select_n3A_1050 : vector<100x200xi1>, vector<100x200xf32>
    %slice3A_1061 = vector.extract_strided_slice %select_n3A_1060 {offsets = [0, 16], sizes = [100, 184], strides = [1, 1]} : vector<100x200xf32> to vector<100x184xf32>
    %slice3A_1062 = vector.extract_strided_slice %select_n3A_1060 {offsets = [0, 0], sizes = [100, 16], strides = [1, 1]} : vector<100x200xf32> to vector<100x16xf32>
    %concatenate3A_1063 = tpu.concatenate %slice3A_1061, %slice3A_1062 in 1 : vector<100x184xf32>, vector<100x16xf32> -> vector<100x200xf32>
    %and3A_1064 = arith.constant 16 : i32
    %and3A_1065 = vector.broadcast %and3A_1064 : i32 to vector<100x200xi32>
    %and3A_1066 = arith.andi %iota3A, %and3A_1065 : vector<100x200xi32>
    %ne3A_1067 = arith.constant 0 : i32
    %ne3A_1068 = vector.broadcast %ne3A_1067 : i32 to vector<100x200xi32>
    %ne3A_1069 = arith.cmpi ne, %and3A_1066, %ne3A_1068 : vector<100x200xi32>
    %select_n3A_1070 = arith.select %ne3A_1069, %concatenate3A_1063, %select_n3A_1060 : vector<100x200xi1>, vector<100x200xf32>
    %slice3A_1071 = vector.extract_strided_slice %select_n3A_1070 {offsets = [0, 32], sizes = [100, 168], strides = [1, 1]} : vector<100x200xf32> to vector<100x168xf32>
    %slice3A_1072 = vector.extract_strided_slice %select_n3A_1070 {offsets = [0, 0], sizes = [100, 32], strides = [1, 1]} : vector<100x200xf32> to vector<100x32xf32>
    %concatenate3A_1073 = tpu.concatenate %slice3A_1071, %slice3A_1072 in 1 : vector<100x168xf32>, vector<100x32xf32> -> vector<100x200xf32>
    %and3A_1074 = arith.constant 32 : i32
    %and3A_1075 = vector.broadcast %and3A_1074 : i32 to vector<100x200xi32>
    %and3A_1076 = arith.andi %iota3A, %and3A_1075 : vector<100x200xi32>
    %ne3A_1077 = arith.constant 0 : i32
    %ne3A_1078 = vector.broadcast %ne3A_1077 : i32 to vector<100x200xi32>
    %ne3A_1079 = arith.cmpi ne, %and3A_1076, %ne3A_1078 : vector<100x200xi32>
    %select_n3A_1080 = arith.select %ne3A_1079, %concatenate3A_1073, %select_n3A_1070 : vector<100x200xi1>, vector<100x200xf32>
    %slice3A_1081 = vector.extract_strided_slice %select_n3A_1080 {offsets = [0, 64], sizes = [100, 136], strides = [1, 1]} : vector<100x200xf32> to vector<100x136xf32>
    %slice3A_1082 = vector.extract_strided_slice %select_n3A_1080 {offsets = [0, 0], sizes = [100, 64], strides = [1, 1]} : vector<100x200xf32> to vector<100x64xf32>
    %concatenate3A_1083 = tpu.concatenate %slice3A_1081, %slice3A_1082 in 1 : vector<100x136xf32>, vector<100x64xf32> -> vector<100x200xf32>
    %and3A_1084 = arith.constant 64 : i32
    %and3A_1085 = vector.broadcast %and3A_1084 : i32 to vector<100x200xi32>
    %and3A_1086 = arith.andi %iota3A, %and3A_1085 : vector<100x200xi32>
    %ne3A_1087 = arith.constant 0 : i32
    %ne3A_1088 = vector.broadcast %ne3A_1087 : i32 to vector<100x200xi32>
    %ne3A_1089 = arith.cmpi ne, %and3A_1086, %ne3A_1088 : vector<100x200xi32>
    %select_n3A_1090 = arith.select %ne3A_1089, %concatenate3A_1083, %select_n3A_1080 : vector<100x200xi1>, vector<100x200xf32>
    %slice3A_1091 = vector.extract_strided_slice %select_n3A_1090 {offsets = [0, 0], sizes = [100, 101], strides = [1, 1]} : vector<100x200xf32> to vector<100x101xf32>
    %dot_general3A_1092 = arith.constant dense<0.000000e+00> : vector<100x128xf32>
    %dot_general3A_1093 = tpu.matmul %slice3A_1091, %get3A_2, %dot_general3A_1092 {dimension_numbers = #tpu.dot_dimension_numbers<[1], [0], [0], [1], [0, 0, 1, 1], [], []>, transpose_lhs_hint = false} : vector<100x101xf32>, vector<101x128xf32>, vector<100x128xf32> -> vector<100x128xf32>
    %add3A_1094 = vector.broadcast %broadcast_in_dim3A_7 : vector<1x128xf32> to vector<100x128xf32>
    %add3A_1095 = arith.addf %dot_general3A_1093, %add3A_1094 : vector<100x128xf32>
    %max3A_1096 = arith.constant 0.000000e+00 : f32
    %max3A_1097 = vector.broadcast %max3A_1096 : f32 to vector<100x128xf32>
    %max3A_1098 = arith.maximumf %add3A_1095, %max3A_1097 : vector<100x128xf32>
    %swap3A_1099 = arith.constant 0 : index
    %swap3A_1100 = arith.constant 10 : index
    %swap3A_1101 = arith.constant 0 : index
    %swap3A_1102 = vector.load %arg4[%swap3A_1099, %swap3A_1100, %swap3A_1101] : memref<100x16x128xf32, #tpu.memory_space<vmem>>, vector<100x1x128xf32>
    %swap3A_1103 = vector.shape_cast %swap3A_1102 : vector<100x1x128xf32> to vector<100x128xf32>
    %swap3A_1104 = vector.shape_cast %max3A_1098 : vector<100x128xf32> to vector<100x1x128xf32>
    tpu.vector_store %arg4[%swap3A_1099, %swap3A_1100, %swap3A_1101], %swap3A_1104 {strides = array<i32>} : memref<100x16x128xf32, #tpu.memory_space<vmem>>, vector<100x1x128xf32>,
    %get3A_1105 = arith.constant 1100 : index
    %get3A_1106 = arith.constant 0 : index
    %get3A_1107 = vector.load %arg1[%get3A_1105, %get3A_1106] : memref<1600x512xi32, #tpu.memory_space<vmem>>, vector<100x512xi32>
    %convert_element_type3A_1108 = arith.sitofp %get3A_1107 : vector<100x512xi32> to vector<100x512xf32>
    %mul3A_1109 = arith.mulf %convert_element_type3A_1108, %convert_element_type3A_1108 : vector<100x512xf32>
    %reduce_sum3A_1110 = arith.constant dense<0.000000e+00> : vector<100xf32>
    %reduce_sum3A_1111 = vector.multi_reduction <add>, %mul3A_1109, %reduce_sum3A_1110 [1] : vector<100x512xf32> to vector<100xf32>
    %broadcast_in_dim3A_1112 = vector.shape_cast %reduce_sum3A_1111 : vector<100xf32> to vector<100x1xf32>
    %sqrt3A_1113 = math.sqrt %broadcast_in_dim3A_1112 : vector<100x1xf32>
    %max3A_1114 = arith.constant 9.99999996E-13 : f32
    %max3A_1115 = vector.broadcast %max3A_1114 : f32 to vector<100x1xf32>
    %max3A_1116 = arith.maximumf %sqrt3A_1113, %max3A_1115 : vector<100x1xf32>
    %div3A_1117 = vector.broadcast %max3A_1116 : vector<100x1xf32> to vector<100x512xf32>
    %div3A_1118 = arith.divf %convert_element_type3A_1108, %div3A_1117 : vector<100x512xf32>
    %dot_general3A_1119 = arith.constant dense<0.000000e+00> : vector<100x100xf32>
    %dot_general3A_1120 = tpu.matmul %div3A_1118, %div3A_1118, %dot_general3A_1119 {dimension_numbers = #tpu.dot_dimension_numbers<[1], [1], [0], [0], [0, 0, 1, 0], [], []>, transpose_lhs_hint = false} : vector<100x512xf32>, vector<100x512xf32>, vector<100x100xf32> -> vector<100x100xf32>
    %concatenate3A_1121 = tpu.concatenate %broadcast_in_dim3A_0, %dot_general3A_1120, %broadcast_in_dim3A_0 in 1 : vector<100x50xf32>, vector<100x100xf32>, vector<100x50xf32> -> vector<100x200xf32>
    %slice3A_1122 = vector.extract_strided_slice %concatenate3A_1121 {offsets = [0, 1], sizes = [100, 199], strides = [1, 1]} : vector<100x200xf32> to vector<100x199xf32>
    %slice3A_1123 = vector.extract_strided_slice %concatenate3A_1121 {offsets = [0, 0], sizes = [100, 1], strides = [1, 1]} : vector<100x200xf32> to vector<100x1xf32>
    %concatenate3A_1124 = tpu.concatenate %slice3A_1122, %slice3A_1123 in 1 : vector<100x199xf32>, vector<100x1xf32> -> vector<100x200xf32>
    %and3A_1125 = arith.constant 1 : i32
    %and3A_1126 = vector.broadcast %and3A_1125 : i32 to vector<100x200xi32>
    %and3A_1127 = arith.andi %iota3A, %and3A_1126 : vector<100x200xi32>
    %ne3A_1128 = arith.constant 0 : i32
    %ne3A_1129 = vector.broadcast %ne3A_1128 : i32 to vector<100x200xi32>
    %ne3A_1130 = arith.cmpi ne, %and3A_1127, %ne3A_1129 : vector<100x200xi32>
    %select_n3A_1131 = arith.select %ne3A_1130, %concatenate3A_1124, %concatenate3A_1121 : vector<100x200xi1>, vector<100x200xf32>
    %slice3A_1132 = vector.extract_strided_slice %select_n3A_1131 {offsets = [0, 2], sizes = [100, 198], strides = [1, 1]} : vector<100x200xf32> to vector<100x198xf32>
    %slice3A_1133 = vector.extract_strided_slice %select_n3A_1131 {offsets = [0, 0], sizes = [100, 2], strides = [1, 1]} : vector<100x200xf32> to vector<100x2xf32>
    %concatenate3A_1134 = tpu.concatenate %slice3A_1132, %slice3A_1133 in 1 : vector<100x198xf32>, vector<100x2xf32> -> vector<100x200xf32>
    %and3A_1135 = arith.constant 2 : i32
    %and3A_1136 = vector.broadcast %and3A_1135 : i32 to vector<100x200xi32>
    %and3A_1137 = arith.andi %iota3A, %and3A_1136 : vector<100x200xi32>
    %ne3A_1138 = arith.constant 0 : i32
    %ne3A_1139 = vector.broadcast %ne3A_1138 : i32 to vector<100x200xi32>
    %ne3A_1140 = arith.cmpi ne, %and3A_1137, %ne3A_1139 : vector<100x200xi32>
    %select_n3A_1141 = arith.select %ne3A_1140, %concatenate3A_1134, %select_n3A_1131 : vector<100x200xi1>, vector<100x200xf32>
    %slice3A_1142 = vector.extract_strided_slice %select_n3A_1141 {offsets = [0, 4], sizes = [100, 196], strides = [1, 1]} : vector<100x200xf32> to vector<100x196xf32>
    %slice3A_1143 = vector.extract_strided_slice %select_n3A_1141 {offsets = [0, 0], sizes = [100, 4], strides = [1, 1]} : vector<100x200xf32> to vector<100x4xf32>
    %concatenate3A_1144 = tpu.concatenate %slice3A_1142, %slice3A_1143 in 1 : vector<100x196xf32>, vector<100x4xf32> -> vector<100x200xf32>
    %and3A_1145 = arith.constant 4 : i32
    %and3A_1146 = vector.broadcast %and3A_1145 : i32 to vector<100x200xi32>
    %and3A_1147 = arith.andi %iota3A, %and3A_1146 : vector<100x200xi32>
    %ne3A_1148 = arith.constant 0 : i32
    %ne3A_1149 = vector.broadcast %ne3A_1148 : i32 to vector<100x200xi32>
    %ne3A_1150 = arith.cmpi ne, %and3A_1147, %ne3A_1149 : vector<100x200xi32>
    %select_n3A_1151 = arith.select %ne3A_1150, %concatenate3A_1144, %select_n3A_1141 : vector<100x200xi1>, vector<100x200xf32>
    %slice3A_1152 = vector.extract_strided_slice %select_n3A_1151 {offsets = [0, 8], sizes = [100, 192], strides = [1, 1]} : vector<100x200xf32> to vector<100x192xf32>
    %slice3A_1153 = vector.extract_strided_slice %select_n3A_1151 {offsets = [0, 0], sizes = [100, 8], strides = [1, 1]} : vector<100x200xf32> to vector<100x8xf32>
    %concatenate3A_1154 = tpu.concatenate %slice3A_1152, %slice3A_1153 in 1 : vector<100x192xf32>, vector<100x8xf32> -> vector<100x200xf32>
    %and3A_1155 = arith.constant 8 : i32
    %and3A_1156 = vector.broadcast %and3A_1155 : i32 to vector<100x200xi32>
    %and3A_1157 = arith.andi %iota3A, %and3A_1156 : vector<100x200xi32>
    %ne3A_1158 = arith.constant 0 : i32
    %ne3A_1159 = vector.broadcast %ne3A_1158 : i32 to vector<100x200xi32>
    %ne3A_1160 = arith.cmpi ne, %and3A_1157, %ne3A_1159 : vector<100x200xi32>
    %select_n3A_1161 = arith.select %ne3A_1160, %concatenate3A_1154, %select_n3A_1151 : vector<100x200xi1>, vector<100x200xf32>
    %slice3A_1162 = vector.extract_strided_slice %select_n3A_1161 {offsets = [0, 16], sizes = [100, 184], strides = [1, 1]} : vector<100x200xf32> to vector<100x184xf32>
    %slice3A_1163 = vector.extract_strided_slice %select_n3A_1161 {offsets = [0, 0], sizes = [100, 16], strides = [1, 1]} : vector<100x200xf32> to vector<100x16xf32>
    %concatenate3A_1164 = tpu.concatenate %slice3A_1162, %slice3A_1163 in 1 : vector<100x184xf32>, vector<100x16xf32> -> vector<100x200xf32>
    %and3A_1165 = arith.constant 16 : i32
    %and3A_1166 = vector.broadcast %and3A_1165 : i32 to vector<100x200xi32>
    %and3A_1167 = arith.andi %iota3A, %and3A_1166 : vector<100x200xi32>
    %ne3A_1168 = arith.constant 0 : i32
    %ne3A_1169 = vector.broadcast %ne3A_1168 : i32 to vector<100x200xi32>
    %ne3A_1170 = arith.cmpi ne, %and3A_1167, %ne3A_1169 : vector<100x200xi32>
    %select_n3A_1171 = arith.select %ne3A_1170, %concatenate3A_1164, %select_n3A_1161 : vector<100x200xi1>, vector<100x200xf32>
    %slice3A_1172 = vector.extract_strided_slice %select_n3A_1171 {offsets = [0, 32], sizes = [100, 168], strides = [1, 1]} : vector<100x200xf32> to vector<100x168xf32>
    %slice3A_1173 = vector.extract_strided_slice %select_n3A_1171 {offsets = [0, 0], sizes = [100, 32], strides = [1, 1]} : vector<100x200xf32> to vector<100x32xf32>
    %concatenate3A_1174 = tpu.concatenate %slice3A_1172, %slice3A_1173 in 1 : vector<100x168xf32>, vector<100x32xf32> -> vector<100x200xf32>
    %and3A_1175 = arith.constant 32 : i32
    %and3A_1176 = vector.broadcast %and3A_1175 : i32 to vector<100x200xi32>
    %and3A_1177 = arith.andi %iota3A, %and3A_1176 : vector<100x200xi32>
    %ne3A_1178 = arith.constant 0 : i32
    %ne3A_1179 = vector.broadcast %ne3A_1178 : i32 to vector<100x200xi32>
    %ne3A_1180 = arith.cmpi ne, %and3A_1177, %ne3A_1179 : vector<100x200xi32>
    %select_n3A_1181 = arith.select %ne3A_1180, %concatenate3A_1174, %select_n3A_1171 : vector<100x200xi1>, vector<100x200xf32>
    %slice3A_1182 = vector.extract_strided_slice %select_n3A_1181 {offsets = [0, 64], sizes = [100, 136], strides = [1, 1]} : vector<100x200xf32> to vector<100x136xf32>
    %slice3A_1183 = vector.extract_strided_slice %select_n3A_1181 {offsets = [0, 0], sizes = [100, 64], strides = [1, 1]} : vector<100x200xf32> to vector<100x64xf32>
    %concatenate3A_1184 = tpu.concatenate %slice3A_1182, %slice3A_1183 in 1 : vector<100x136xf32>, vector<100x64xf32> -> vector<100x200xf32>
    %and3A_1185 = arith.constant 64 : i32
    %and3A_1186 = vector.broadcast %and3A_1185 : i32 to vector<100x200xi32>
    %and3A_1187 = arith.andi %iota3A, %and3A_1186 : vector<100x200xi32>
    %ne3A_1188 = arith.constant 0 : i32
    %ne3A_1189 = vector.broadcast %ne3A_1188 : i32 to vector<100x200xi32>
    %ne3A_1190 = arith.cmpi ne, %and3A_1187, %ne3A_1189 : vector<100x200xi32>
    %select_n3A_1191 = arith.select %ne3A_1190, %concatenate3A_1184, %select_n3A_1181 : vector<100x200xi1>, vector<100x200xf32>
    %slice3A_1192 = vector.extract_strided_slice %select_n3A_1191 {offsets = [0, 0], sizes = [100, 101], strides = [1, 1]} : vector<100x200xf32> to vector<100x101xf32>
    %dot_general3A_1193 = arith.constant dense<0.000000e+00> : vector<100x128xf32>
    %dot_general3A_1194 = tpu.matmul %slice3A_1192, %get3A_2, %dot_general3A_1193 {dimension_numbers = #tpu.dot_dimension_numbers<[1], [0], [0], [1], [0, 0, 1, 1], [], []>, transpose_lhs_hint = false} : vector<100x101xf32>, vector<101x128xf32>, vector<100x128xf32> -> vector<100x128xf32>
    %add3A_1195 = vector.broadcast %broadcast_in_dim3A_7 : vector<1x128xf32> to vector<100x128xf32>
    %add3A_1196 = arith.addf %dot_general3A_1194, %add3A_1195 : vector<100x128xf32>
    %max3A_1197 = arith.constant 0.000000e+00 : f32
    %max3A_1198 = vector.broadcast %max3A_1197 : f32 to vector<100x128xf32>
    %max3A_1199 = arith.maximumf %add3A_1196, %max3A_1198 : vector<100x128xf32>
    %swap3A_1200 = arith.constant 0 : index
    %swap3A_1201 = arith.constant 11 : index
    %swap3A_1202 = arith.constant 0 : index
    %swap3A_1203 = vector.load %arg4[%swap3A_1200, %swap3A_1201, %swap3A_1202] : memref<100x16x128xf32, #tpu.memory_space<vmem>>, vector<100x1x128xf32>
    %swap3A_1204 = vector.shape_cast %swap3A_1203 : vector<100x1x128xf32> to vector<100x128xf32>
    %swap3A_1205 = vector.shape_cast %max3A_1199 : vector<100x128xf32> to vector<100x1x128xf32>
    tpu.vector_store %arg4[%swap3A_1200, %swap3A_1201, %swap3A_1202], %swap3A_1205 {strides = array<i32>} : memref<100x16x128xf32, #tpu.memory_space<vmem>>, vector<100x1x128xf32>,
    %get3A_1206 = arith.constant 1200 : index
    %get3A_1207 = arith.constant 0 : index
    %get3A_1208 = vector.load %arg1[%get3A_1206, %get3A_1207] : memref<1600x512xi32, #tpu.memory_space<vmem>>, vector<100x512xi32>
    %convert_element_type3A_1209 = arith.sitofp %get3A_1208 : vector<100x512xi32> to vector<100x512xf32>
    %mul3A_1210 = arith.mulf %convert_element_type3A_1209, %convert_element_type3A_1209 : vector<100x512xf32>
    %reduce_sum3A_1211 = arith.constant dense<0.000000e+00> : vector<100xf32>
    %reduce_sum3A_1212 = vector.multi_reduction <add>, %mul3A_1210, %reduce_sum3A_1211 [1] : vector<100x512xf32> to vector<100xf32>
    %broadcast_in_dim3A_1213 = vector.shape_cast %reduce_sum3A_1212 : vector<100xf32> to vector<100x1xf32>
    %sqrt3A_1214 = math.sqrt %broadcast_in_dim3A_1213 : vector<100x1xf32>
    %max3A_1215 = arith.constant 9.99999996E-13 : f32
    %max3A_1216 = vector.broadcast %max3A_1215 : f32 to vector<100x1xf32>
    %max3A_1217 = arith.maximumf %sqrt3A_1214, %max3A_1216 : vector<100x1xf32>
    %div3A_1218 = vector.broadcast %max3A_1217 : vector<100x1xf32> to vector<100x512xf32>
    %div3A_1219 = arith.divf %convert_element_type3A_1209, %div3A_1218 : vector<100x512xf32>
    %dot_general3A_1220 = arith.constant dense<0.000000e+00> : vector<100x100xf32>
    %dot_general3A_1221 = tpu.matmul %div3A_1219, %div3A_1219, %dot_general3A_1220 {dimension_numbers = #tpu.dot_dimension_numbers<[1], [1], [0], [0], [0, 0, 1, 0], [], []>, transpose_lhs_hint = false} : vector<100x512xf32>, vector<100x512xf32>, vector<100x100xf32> -> vector<100x100xf32>
    %concatenate3A_1222 = tpu.concatenate %broadcast_in_dim3A_0, %dot_general3A_1221, %broadcast_in_dim3A_0 in 1 : vector<100x50xf32>, vector<100x100xf32>, vector<100x50xf32> -> vector<100x200xf32>
    %slice3A_1223 = vector.extract_strided_slice %concatenate3A_1222 {offsets = [0, 1], sizes = [100, 199], strides = [1, 1]} : vector<100x200xf32> to vector<100x199xf32>
    %slice3A_1224 = vector.extract_strided_slice %concatenate3A_1222 {offsets = [0, 0], sizes = [100, 1], strides = [1, 1]} : vector<100x200xf32> to vector<100x1xf32>
    %concatenate3A_1225 = tpu.concatenate %slice3A_1223, %slice3A_1224 in 1 : vector<100x199xf32>, vector<100x1xf32> -> vector<100x200xf32>
    %and3A_1226 = arith.constant 1 : i32
    %and3A_1227 = vector.broadcast %and3A_1226 : i32 to vector<100x200xi32>
    %and3A_1228 = arith.andi %iota3A, %and3A_1227 : vector<100x200xi32>
    %ne3A_1229 = arith.constant 0 : i32
    %ne3A_1230 = vector.broadcast %ne3A_1229 : i32 to vector<100x200xi32>
    %ne3A_1231 = arith.cmpi ne, %and3A_1228, %ne3A_1230 : vector<100x200xi32>
    %select_n3A_1232 = arith.select %ne3A_1231, %concatenate3A_1225, %concatenate3A_1222 : vector<100x200xi1>, vector<100x200xf32>
    %slice3A_1233 = vector.extract_strided_slice %select_n3A_1232 {offsets = [0, 2], sizes = [100, 198], strides = [1, 1]} : vector<100x200xf32> to vector<100x198xf32>
    %slice3A_1234 = vector.extract_strided_slice %select_n3A_1232 {offsets = [0, 0], sizes = [100, 2], strides = [1, 1]} : vector<100x200xf32> to vector<100x2xf32>
    %concatenate3A_1235 = tpu.concatenate %slice3A_1233, %slice3A_1234 in 1 : vector<100x198xf32>, vector<100x2xf32> -> vector<100x200xf32>
    %and3A_1236 = arith.constant 2 : i32
    %and3A_1237 = vector.broadcast %and3A_1236 : i32 to vector<100x200xi32>
    %and3A_1238 = arith.andi %iota3A, %and3A_1237 : vector<100x200xi32>
    %ne3A_1239 = arith.constant 0 : i32
    %ne3A_1240 = vector.broadcast %ne3A_1239 : i32 to vector<100x200xi32>
    %ne3A_1241 = arith.cmpi ne, %and3A_1238, %ne3A_1240 : vector<100x200xi32>
    %select_n3A_1242 = arith.select %ne3A_1241, %concatenate3A_1235, %select_n3A_1232 : vector<100x200xi1>, vector<100x200xf32>
    %slice3A_1243 = vector.extract_strided_slice %select_n3A_1242 {offsets = [0, 4], sizes = [100, 196], strides = [1, 1]} : vector<100x200xf32> to vector<100x196xf32>
    %slice3A_1244 = vector.extract_strided_slice %select_n3A_1242 {offsets = [0, 0], sizes = [100, 4], strides = [1, 1]} : vector<100x200xf32> to vector<100x4xf32>
    %concatenate3A_1245 = tpu.concatenate %slice3A_1243, %slice3A_1244 in 1 : vector<100x196xf32>, vector<100x4xf32> -> vector<100x200xf32>
    %and3A_1246 = arith.constant 4 : i32
    %and3A_1247 = vector.broadcast %and3A_1246 : i32 to vector<100x200xi32>
    %and3A_1248 = arith.andi %iota3A, %and3A_1247 : vector<100x200xi32>
    %ne3A_1249 = arith.constant 0 : i32
    %ne3A_1250 = vector.broadcast %ne3A_1249 : i32 to vector<100x200xi32>
    %ne3A_1251 = arith.cmpi ne, %and3A_1248, %ne3A_1250 : vector<100x200xi32>
    %select_n3A_1252 = arith.select %ne3A_1251, %concatenate3A_1245, %select_n3A_1242 : vector<100x200xi1>, vector<100x200xf32>
    %slice3A_1253 = vector.extract_strided_slice %select_n3A_1252 {offsets = [0, 8], sizes = [100, 192], strides = [1, 1]} : vector<100x200xf32> to vector<100x192xf32>
    %slice3A_1254 = vector.extract_strided_slice %select_n3A_1252 {offsets = [0, 0], sizes = [100, 8], strides = [1, 1]} : vector<100x200xf32> to vector<100x8xf32>
    %concatenate3A_1255 = tpu.concatenate %slice3A_1253, %slice3A_1254 in 1 : vector<100x192xf32>, vector<100x8xf32> -> vector<100x200xf32>
    %and3A_1256 = arith.constant 8 : i32
    %and3A_1257 = vector.broadcast %and3A_1256 : i32 to vector<100x200xi32>
    %and3A_1258 = arith.andi %iota3A, %and3A_1257 : vector<100x200xi32>
    %ne3A_1259 = arith.constant 0 : i32
    %ne3A_1260 = vector.broadcast %ne3A_1259 : i32 to vector<100x200xi32>
    %ne3A_1261 = arith.cmpi ne, %and3A_1258, %ne3A_1260 : vector<100x200xi32>
    %select_n3A_1262 = arith.select %ne3A_1261, %concatenate3A_1255, %select_n3A_1252 : vector<100x200xi1>, vector<100x200xf32>
    %slice3A_1263 = vector.extract_strided_slice %select_n3A_1262 {offsets = [0, 16], sizes = [100, 184], strides = [1, 1]} : vector<100x200xf32> to vector<100x184xf32>
    %slice3A_1264 = vector.extract_strided_slice %select_n3A_1262 {offsets = [0, 0], sizes = [100, 16], strides = [1, 1]} : vector<100x200xf32> to vector<100x16xf32>
    %concatenate3A_1265 = tpu.concatenate %slice3A_1263, %slice3A_1264 in 1 : vector<100x184xf32>, vector<100x16xf32> -> vector<100x200xf32>
    %and3A_1266 = arith.constant 16 : i32
    %and3A_1267 = vector.broadcast %and3A_1266 : i32 to vector<100x200xi32>
    %and3A_1268 = arith.andi %iota3A, %and3A_1267 : vector<100x200xi32>
    %ne3A_1269 = arith.constant 0 : i32
    %ne3A_1270 = vector.broadcast %ne3A_1269 : i32 to vector<100x200xi32>
    %ne3A_1271 = arith.cmpi ne, %and3A_1268, %ne3A_1270 : vector<100x200xi32>
    %select_n3A_1272 = arith.select %ne3A_1271, %concatenate3A_1265, %select_n3A_1262 : vector<100x200xi1>, vector<100x200xf32>
    %slice3A_1273 = vector.extract_strided_slice %select_n3A_1272 {offsets = [0, 32], sizes = [100, 168], strides = [1, 1]} : vector<100x200xf32> to vector<100x168xf32>
    %slice3A_1274 = vector.extract_strided_slice %select_n3A_1272 {offsets = [0, 0], sizes = [100, 32], strides = [1, 1]} : vector<100x200xf32> to vector<100x32xf32>
    %concatenate3A_1275 = tpu.concatenate %slice3A_1273, %slice3A_1274 in 1 : vector<100x168xf32>, vector<100x32xf32> -> vector<100x200xf32>
    %and3A_1276 = arith.constant 32 : i32
    %and3A_1277 = vector.broadcast %and3A_1276 : i32 to vector<100x200xi32>
    %and3A_1278 = arith.andi %iota3A, %and3A_1277 : vector<100x200xi32>
    %ne3A_1279 = arith.constant 0 : i32
    %ne3A_1280 = vector.broadcast %ne3A_1279 : i32 to vector<100x200xi32>
    %ne3A_1281 = arith.cmpi ne, %and3A_1278, %ne3A_1280 : vector<100x200xi32>
    %select_n3A_1282 = arith.select %ne3A_1281, %concatenate3A_1275, %select_n3A_1272 : vector<100x200xi1>, vector<100x200xf32>
    %slice3A_1283 = vector.extract_strided_slice %select_n3A_1282 {offsets = [0, 64], sizes = [100, 136], strides = [1, 1]} : vector<100x200xf32> to vector<100x136xf32>
    %slice3A_1284 = vector.extract_strided_slice %select_n3A_1282 {offsets = [0, 0], sizes = [100, 64], strides = [1, 1]} : vector<100x200xf32> to vector<100x64xf32>
    %concatenate3A_1285 = tpu.concatenate %slice3A_1283, %slice3A_1284 in 1 : vector<100x136xf32>, vector<100x64xf32> -> vector<100x200xf32>
    %and3A_1286 = arith.constant 64 : i32
    %and3A_1287 = vector.broadcast %and3A_1286 : i32 to vector<100x200xi32>
    %and3A_1288 = arith.andi %iota3A, %and3A_1287 : vector<100x200xi32>
    %ne3A_1289 = arith.constant 0 : i32
    %ne3A_1290 = vector.broadcast %ne3A_1289 : i32 to vector<100x200xi32>
    %ne3A_1291 = arith.cmpi ne, %and3A_1288, %ne3A_1290 : vector<100x200xi32>
    %select_n3A_1292 = arith.select %ne3A_1291, %concatenate3A_1285, %select_n3A_1282 : vector<100x200xi1>, vector<100x200xf32>
    %slice3A_1293 = vector.extract_strided_slice %select_n3A_1292 {offsets = [0, 0], sizes = [100, 101], strides = [1, 1]} : vector<100x200xf32> to vector<100x101xf32>
    %dot_general3A_1294 = arith.constant dense<0.000000e+00> : vector<100x128xf32>
    %dot_general3A_1295 = tpu.matmul %slice3A_1293, %get3A_2, %dot_general3A_1294 {dimension_numbers = #tpu.dot_dimension_numbers<[1], [0], [0], [1], [0, 0, 1, 1], [], []>, transpose_lhs_hint = false} : vector<100x101xf32>, vector<101x128xf32>, vector<100x128xf32> -> vector<100x128xf32>
    %add3A_1296 = vector.broadcast %broadcast_in_dim3A_7 : vector<1x128xf32> to vector<100x128xf32>
    %add3A_1297 = arith.addf %dot_general3A_1295, %add3A_1296 : vector<100x128xf32>
    %max3A_1298 = arith.constant 0.000000e+00 : f32
    %max3A_1299 = vector.broadcast %max3A_1298 : f32 to vector<100x128xf32>
    %max3A_1300 = arith.maximumf %add3A_1297, %max3A_1299 : vector<100x128xf32>
    %swap3A_1301 = arith.constant 0 : index
    %swap3A_1302 = arith.constant 12 : index
    %swap3A_1303 = arith.constant 0 : index
    %swap3A_1304 = vector.load %arg4[%swap3A_1301, %swap3A_1302, %swap3A_1303] : memref<100x16x128xf32, #tpu.memory_space<vmem>>, vector<100x1x128xf32>
    %swap3A_1305 = vector.shape_cast %swap3A_1304 : vector<100x1x128xf32> to vector<100x128xf32>
    %swap3A_1306 = vector.shape_cast %max3A_1300 : vector<100x128xf32> to vector<100x1x128xf32>
    tpu.vector_store %arg4[%swap3A_1301, %swap3A_1302, %swap3A_1303], %swap3A_1306 {strides = array<i32>} : memref<100x16x128xf32, #tpu.memory_space<vmem>>, vector<100x1x128xf32>,
    %get3A_1307 = arith.constant 1300 : index
    %get3A_1308 = arith.constant 0 : index
    %get3A_1309 = vector.load %arg1[%get3A_1307, %get3A_1308] : memref<1600x512xi32, #tpu.memory_space<vmem>>, vector<100x512xi32>
    %convert_element_type3A_1310 = arith.sitofp %get3A_1309 : vector<100x512xi32> to vector<100x512xf32>
    %mul3A_1311 = arith.mulf %convert_element_type3A_1310, %convert_element_type3A_1310 : vector<100x512xf32>
    %reduce_sum3A_1312 = arith.constant dense<0.000000e+00> : vector<100xf32>
    %reduce_sum3A_1313 = vector.multi_reduction <add>, %mul3A_1311, %reduce_sum3A_1312 [1] : vector<100x512xf32> to vector<100xf32>
    %broadcast_in_dim3A_1314 = vector.shape_cast %reduce_sum3A_1313 : vector<100xf32> to vector<100x1xf32>
    %sqrt3A_1315 = math.sqrt %broadcast_in_dim3A_1314 : vector<100x1xf32>
    %max3A_1316 = arith.constant 9.99999996E-13 : f32
    %max3A_1317 = vector.broadcast %max3A_1316 : f32 to vector<100x1xf32>
    %max3A_1318 = arith.maximumf %sqrt3A_1315, %max3A_1317 : vector<100x1xf32>
    %div3A_1319 = vector.broadcast %max3A_1318 : vector<100x1xf32> to vector<100x512xf32>
    %div3A_1320 = arith.divf %convert_element_type3A_1310, %div3A_1319 : vector<100x512xf32>
    %dot_general3A_1321 = arith.constant dense<0.000000e+00> : vector<100x100xf32>
    %dot_general3A_1322 = tpu.matmul %div3A_1320, %div3A_1320, %dot_general3A_1321 {dimension_numbers = #tpu.dot_dimension_numbers<[1], [1], [0], [0], [0, 0, 1, 0], [], []>, transpose_lhs_hint = false} : vector<100x512xf32>, vector<100x512xf32>, vector<100x100xf32> -> vector<100x100xf32>
    %concatenate3A_1323 = tpu.concatenate %broadcast_in_dim3A_0, %dot_general3A_1322, %broadcast_in_dim3A_0 in 1 : vector<100x50xf32>, vector<100x100xf32>, vector<100x50xf32> -> vector<100x200xf32>
    %slice3A_1324 = vector.extract_strided_slice %concatenate3A_1323 {offsets = [0, 1], sizes = [100, 199], strides = [1, 1]} : vector<100x200xf32> to vector<100x199xf32>
    %slice3A_1325 = vector.extract_strided_slice %concatenate3A_1323 {offsets = [0, 0], sizes = [100, 1], strides = [1, 1]} : vector<100x200xf32> to vector<100x1xf32>
    %concatenate3A_1326 = tpu.concatenate %slice3A_1324, %slice3A_1325 in 1 : vector<100x199xf32>, vector<100x1xf32> -> vector<100x200xf32>
    %and3A_1327 = arith.constant 1 : i32
    %and3A_1328 = vector.broadcast %and3A_1327 : i32 to vector<100x200xi32>
    %and3A_1329 = arith.andi %iota3A, %and3A_1328 : vector<100x200xi32>
    %ne3A_1330 = arith.constant 0 : i32
    %ne3A_1331 = vector.broadcast %ne3A_1330 : i32 to vector<100x200xi32>
    %ne3A_1332 = arith.cmpi ne, %and3A_1329, %ne3A_1331 : vector<100x200xi32>
    %select_n3A_1333 = arith.select %ne3A_1332, %concatenate3A_1326, %concatenate3A_1323 : vector<100x200xi1>, vector<100x200xf32>
    %slice3A_1334 = vector.extract_strided_slice %select_n3A_1333 {offsets = [0, 2], sizes = [100, 198], strides = [1, 1]} : vector<100x200xf32> to vector<100x198xf32>
    %slice3A_1335 = vector.extract_strided_slice %select_n3A_1333 {offsets = [0, 0], sizes = [100, 2], strides = [1, 1]} : vector<100x200xf32> to vector<100x2xf32>
    %concatenate3A_1336 = tpu.concatenate %slice3A_1334, %slice3A_1335 in 1 : vector<100x198xf32>, vector<100x2xf32> -> vector<100x200xf32>
    %and3A_1337 = arith.constant 2 : i32
    %and3A_1338 = vector.broadcast %and3A_1337 : i32 to vector<100x200xi32>
    %and3A_1339 = arith.andi %iota3A, %and3A_1338 : vector<100x200xi32>
    %ne3A_1340 = arith.constant 0 : i32
    %ne3A_1341 = vector.broadcast %ne3A_1340 : i32 to vector<100x200xi32>
    %ne3A_1342 = arith.cmpi ne, %and3A_1339, %ne3A_1341 : vector<100x200xi32>
    %select_n3A_1343 = arith.select %ne3A_1342, %concatenate3A_1336, %select_n3A_1333 : vector<100x200xi1>, vector<100x200xf32>
    %slice3A_1344 = vector.extract_strided_slice %select_n3A_1343 {offsets = [0, 4], sizes = [100, 196], strides = [1, 1]} : vector<100x200xf32> to vector<100x196xf32>
    %slice3A_1345 = vector.extract_strided_slice %select_n3A_1343 {offsets = [0, 0], sizes = [100, 4], strides = [1, 1]} : vector<100x200xf32> to vector<100x4xf32>
    %concatenate3A_1346 = tpu.concatenate %slice3A_1344, %slice3A_1345 in 1 : vector<100x196xf32>, vector<100x4xf32> -> vector<100x200xf32>
    %and3A_1347 = arith.constant 4 : i32
    %and3A_1348 = vector.broadcast %and3A_1347 : i32 to vector<100x200xi32>
    %and3A_1349 = arith.andi %iota3A, %and3A_1348 : vector<100x200xi32>
    %ne3A_1350 = arith.constant 0 : i32
    %ne3A_1351 = vector.broadcast %ne3A_1350 : i32 to vector<100x200xi32>
    %ne3A_1352 = arith.cmpi ne, %and3A_1349, %ne3A_1351 : vector<100x200xi32>
    %select_n3A_1353 = arith.select %ne3A_1352, %concatenate3A_1346, %select_n3A_1343 : vector<100x200xi1>, vector<100x200xf32>
    %slice3A_1354 = vector.extract_strided_slice %select_n3A_1353 {offsets = [0, 8], sizes = [100, 192], strides = [1, 1]} : vector<100x200xf32> to vector<100x192xf32>
    %slice3A_1355 = vector.extract_strided_slice %select_n3A_1353 {offsets = [0, 0], sizes = [100, 8], strides = [1, 1]} : vector<100x200xf32> to vector<100x8xf32>
    %concatenate3A_1356 = tpu.concatenate %slice3A_1354, %slice3A_1355 in 1 : vector<100x192xf32>, vector<100x8xf32> -> vector<100x200xf32>
    %and3A_1357 = arith.constant 8 : i32
    %and3A_1358 = vector.broadcast %and3A_1357 : i32 to vector<100x200xi32>
    %and3A_1359 = arith.andi %iota3A, %and3A_1358 : vector<100x200xi32>
    %ne3A_1360 = arith.constant 0 : i32
    %ne3A_1361 = vector.broadcast %ne3A_1360 : i32 to vector<100x200xi32>
    %ne3A_1362 = arith.cmpi ne, %and3A_1359, %ne3A_1361 : vector<100x200xi32>
    %select_n3A_1363 = arith.select %ne3A_1362, %concatenate3A_1356, %select_n3A_1353 : vector<100x200xi1>, vector<100x200xf32>
    %slice3A_1364 = vector.extract_strided_slice %select_n3A_1363 {offsets = [0, 16], sizes = [100, 184], strides = [1, 1]} : vector<100x200xf32> to vector<100x184xf32>
    %slice3A_1365 = vector.extract_strided_slice %select_n3A_1363 {offsets = [0, 0], sizes = [100, 16], strides = [1, 1]} : vector<100x200xf32> to vector<100x16xf32>
    %concatenate3A_1366 = tpu.concatenate %slice3A_1364, %slice3A_1365 in 1 : vector<100x184xf32>, vector<100x16xf32> -> vector<100x200xf32>
    %and3A_1367 = arith.constant 16 : i32
    %and3A_1368 = vector.broadcast %and3A_1367 : i32 to vector<100x200xi32>
    %and3A_1369 = arith.andi %iota3A, %and3A_1368 : vector<100x200xi32>
    %ne3A_1370 = arith.constant 0 : i32
    %ne3A_1371 = vector.broadcast %ne3A_1370 : i32 to vector<100x200xi32>
    %ne3A_1372 = arith.cmpi ne, %and3A_1369, %ne3A_1371 : vector<100x200xi32>
    %select_n3A_1373 = arith.select %ne3A_1372, %concatenate3A_1366, %select_n3A_1363 : vector<100x200xi1>, vector<100x200xf32>
    %slice3A_1374 = vector.extract_strided_slice %select_n3A_1373 {offsets = [0, 32], sizes = [100, 168], strides = [1, 1]} : vector<100x200xf32> to vector<100x168xf32>
    %slice3A_1375 = vector.extract_strided_slice %select_n3A_1373 {offsets = [0, 0], sizes = [100, 32], strides = [1, 1]} : vector<100x200xf32> to vector<100x32xf32>
    %concatenate3A_1376 = tpu.concatenate %slice3A_1374, %slice3A_1375 in 1 : vector<100x168xf32>, vector<100x32xf32> -> vector<100x200xf32>
    %and3A_1377 = arith.constant 32 : i32
    %and3A_1378 = vector.broadcast %and3A_1377 : i32 to vector<100x200xi32>
    %and3A_1379 = arith.andi %iota3A, %and3A_1378 : vector<100x200xi32>
    %ne3A_1380 = arith.constant 0 : i32
    %ne3A_1381 = vector.broadcast %ne3A_1380 : i32 to vector<100x200xi32>
    %ne3A_1382 = arith.cmpi ne, %and3A_1379, %ne3A_1381 : vector<100x200xi32>
    %select_n3A_1383 = arith.select %ne3A_1382, %concatenate3A_1376, %select_n3A_1373 : vector<100x200xi1>, vector<100x200xf32>
    %slice3A_1384 = vector.extract_strided_slice %select_n3A_1383 {offsets = [0, 64], sizes = [100, 136], strides = [1, 1]} : vector<100x200xf32> to vector<100x136xf32>
    %slice3A_1385 = vector.extract_strided_slice %select_n3A_1383 {offsets = [0, 0], sizes = [100, 64], strides = [1, 1]} : vector<100x200xf32> to vector<100x64xf32>
    %concatenate3A_1386 = tpu.concatenate %slice3A_1384, %slice3A_1385 in 1 : vector<100x136xf32>, vector<100x64xf32> -> vector<100x200xf32>
    %and3A_1387 = arith.constant 64 : i32
    %and3A_1388 = vector.broadcast %and3A_1387 : i32 to vector<100x200xi32>
    %and3A_1389 = arith.andi %iota3A, %and3A_1388 : vector<100x200xi32>
    %ne3A_1390 = arith.constant 0 : i32
    %ne3A_1391 = vector.broadcast %ne3A_1390 : i32 to vector<100x200xi32>
    %ne3A_1392 = arith.cmpi ne, %and3A_1389, %ne3A_1391 : vector<100x200xi32>
    %select_n3A_1393 = arith.select %ne3A_1392, %concatenate3A_1386, %select_n3A_1383 : vector<100x200xi1>, vector<100x200xf32>
    %slice3A_1394 = vector.extract_strided_slice %select_n3A_1393 {offsets = [0, 0], sizes = [100, 101], strides = [1, 1]} : vector<100x200xf32> to vector<100x101xf32>
    %dot_general3A_1395 = arith.constant dense<0.000000e+00> : vector<100x128xf32>
    %dot_general3A_1396 = tpu.matmul %slice3A_1394, %get3A_2, %dot_general3A_1395 {dimension_numbers = #tpu.dot_dimension_numbers<[1], [0], [0], [1], [0, 0, 1, 1], [], []>, transpose_lhs_hint = false} : vector<100x101xf32>, vector<101x128xf32>, vector<100x128xf32> -> vector<100x128xf32>
    %add3A_1397 = vector.broadcast %broadcast_in_dim3A_7 : vector<1x128xf32> to vector<100x128xf32>
    %add3A_1398 = arith.addf %dot_general3A_1396, %add3A_1397 : vector<100x128xf32>
    %max3A_1399 = arith.constant 0.000000e+00 : f32
    %max3A_1400 = vector.broadcast %max3A_1399 : f32 to vector<100x128xf32>
    %max3A_1401 = arith.maximumf %add3A_1398, %max3A_1400 : vector<100x128xf32>
    %swap3A_1402 = arith.constant 0 : index
    %swap3A_1403 = arith.constant 13 : index
    %swap3A_1404 = arith.constant 0 : index
    %swap3A_1405 = vector.load %arg4[%swap3A_1402, %swap3A_1403, %swap3A_1404] : memref<100x16x128xf32, #tpu.memory_space<vmem>>, vector<100x1x128xf32>
    %swap3A_1406 = vector.shape_cast %swap3A_1405 : vector<100x1x128xf32> to vector<100x128xf32>
    %swap3A_1407 = vector.shape_cast %max3A_1401 : vector<100x128xf32> to vector<100x1x128xf32>
    tpu.vector_store %arg4[%swap3A_1402, %swap3A_1403, %swap3A_1404], %swap3A_1407 {strides = array<i32>} : memref<100x16x128xf32, #tpu.memory_space<vmem>>, vector<100x1x128xf32>,
    %get3A_1408 = arith.constant 1400 : index
    %get3A_1409 = arith.constant 0 : index
    %get3A_1410 = vector.load %arg1[%get3A_1408, %get3A_1409] : memref<1600x512xi32, #tpu.memory_space<vmem>>, vector<100x512xi32>
    %convert_element_type3A_1411 = arith.sitofp %get3A_1410 : vector<100x512xi32> to vector<100x512xf32>
    %mul3A_1412 = arith.mulf %convert_element_type3A_1411, %convert_element_type3A_1411 : vector<100x512xf32>
    %reduce_sum3A_1413 = arith.constant dense<0.000000e+00> : vector<100xf32>
    %reduce_sum3A_1414 = vector.multi_reduction <add>, %mul3A_1412, %reduce_sum3A_1413 [1] : vector<100x512xf32> to vector<100xf32>
    %broadcast_in_dim3A_1415 = vector.shape_cast %reduce_sum3A_1414 : vector<100xf32> to vector<100x1xf32>
    %sqrt3A_1416 = math.sqrt %broadcast_in_dim3A_1415 : vector<100x1xf32>
    %max3A_1417 = arith.constant 9.99999996E-13 : f32
    %max3A_1418 = vector.broadcast %max3A_1417 : f32 to vector<100x1xf32>
    %max3A_1419 = arith.maximumf %sqrt3A_1416, %max3A_1418 : vector<100x1xf32>
    %div3A_1420 = vector.broadcast %max3A_1419 : vector<100x1xf32> to vector<100x512xf32>
    %div3A_1421 = arith.divf %convert_element_type3A_1411, %div3A_1420 : vector<100x512xf32>
    %dot_general3A_1422 = arith.constant dense<0.000000e+00> : vector<100x100xf32>
    %dot_general3A_1423 = tpu.matmul %div3A_1421, %div3A_1421, %dot_general3A_1422 {dimension_numbers = #tpu.dot_dimension_numbers<[1], [1], [0], [0], [0, 0, 1, 0], [], []>, transpose_lhs_hint = false} : vector<100x512xf32>, vector<100x512xf32>, vector<100x100xf32> -> vector<100x100xf32>
    %concatenate3A_1424 = tpu.concatenate %broadcast_in_dim3A_0, %dot_general3A_1423, %broadcast_in_dim3A_0 in 1 : vector<100x50xf32>, vector<100x100xf32>, vector<100x50xf32> -> vector<100x200xf32>
    %slice3A_1425 = vector.extract_strided_slice %concatenate3A_1424 {offsets = [0, 1], sizes = [100, 199], strides = [1, 1]} : vector<100x200xf32> to vector<100x199xf32>
    %slice3A_1426 = vector.extract_strided_slice %concatenate3A_1424 {offsets = [0, 0], sizes = [100, 1], strides = [1, 1]} : vector<100x200xf32> to vector<100x1xf32>
    %concatenate3A_1427 = tpu.concatenate %slice3A_1425, %slice3A_1426 in 1 : vector<100x199xf32>, vector<100x1xf32> -> vector<100x200xf32>
    %and3A_1428 = arith.constant 1 : i32
    %and3A_1429 = vector.broadcast %and3A_1428 : i32 to vector<100x200xi32>
    %and3A_1430 = arith.andi %iota3A, %and3A_1429 : vector<100x200xi32>
    %ne3A_1431 = arith.constant 0 : i32
    %ne3A_1432 = vector.broadcast %ne3A_1431 : i32 to vector<100x200xi32>
    %ne3A_1433 = arith.cmpi ne, %and3A_1430, %ne3A_1432 : vector<100x200xi32>
    %select_n3A_1434 = arith.select %ne3A_1433, %concatenate3A_1427, %concatenate3A_1424 : vector<100x200xi1>, vector<100x200xf32>
    %slice3A_1435 = vector.extract_strided_slice %select_n3A_1434 {offsets = [0, 2], sizes = [100, 198], strides = [1, 1]} : vector<100x200xf32> to vector<100x198xf32>
    %slice3A_1436 = vector.extract_strided_slice %select_n3A_1434 {offsets = [0, 0], sizes = [100, 2], strides = [1, 1]} : vector<100x200xf32> to vector<100x2xf32>
    %concatenate3A_1437 = tpu.concatenate %slice3A_1435, %slice3A_1436 in 1 : vector<100x198xf32>, vector<100x2xf32> -> vector<100x200xf32>
    %and3A_1438 = arith.constant 2 : i32
    %and3A_1439 = vector.broadcast %and3A_1438 : i32 to vector<100x200xi32>
    %and3A_1440 = arith.andi %iota3A, %and3A_1439 : vector<100x200xi32>
    %ne3A_1441 = arith.constant 0 : i32
    %ne3A_1442 = vector.broadcast %ne3A_1441 : i32 to vector<100x200xi32>
    %ne3A_1443 = arith.cmpi ne, %and3A_1440, %ne3A_1442 : vector<100x200xi32>
    %select_n3A_1444 = arith.select %ne3A_1443, %concatenate3A_1437, %select_n3A_1434 : vector<100x200xi1>, vector<100x200xf32>
    %slice3A_1445 = vector.extract_strided_slice %select_n3A_1444 {offsets = [0, 4], sizes = [100, 196], strides = [1, 1]} : vector<100x200xf32> to vector<100x196xf32>
    %slice3A_1446 = vector.extract_strided_slice %select_n3A_1444 {offsets = [0, 0], sizes = [100, 4], strides = [1, 1]} : vector<100x200xf32> to vector<100x4xf32>
    %concatenate3A_1447 = tpu.concatenate %slice3A_1445, %slice3A_1446 in 1 : vector<100x196xf32>, vector<100x4xf32> -> vector<100x200xf32>
    %and3A_1448 = arith.constant 4 : i32
    %and3A_1449 = vector.broadcast %and3A_1448 : i32 to vector<100x200xi32>
    %and3A_1450 = arith.andi %iota3A, %and3A_1449 : vector<100x200xi32>
    %ne3A_1451 = arith.constant 0 : i32
    %ne3A_1452 = vector.broadcast %ne3A_1451 : i32 to vector<100x200xi32>
    %ne3A_1453 = arith.cmpi ne, %and3A_1450, %ne3A_1452 : vector<100x200xi32>
    %select_n3A_1454 = arith.select %ne3A_1453, %concatenate3A_1447, %select_n3A_1444 : vector<100x200xi1>, vector<100x200xf32>
    %slice3A_1455 = vector.extract_strided_slice %select_n3A_1454 {offsets = [0, 8], sizes = [100, 192], strides = [1, 1]} : vector<100x200xf32> to vector<100x192xf32>
    %slice3A_1456 = vector.extract_strided_slice %select_n3A_1454 {offsets = [0, 0], sizes = [100, 8], strides = [1, 1]} : vector<100x200xf32> to vector<100x8xf32>
    %concatenate3A_1457 = tpu.concatenate %slice3A_1455, %slice3A_1456 in 1 : vector<100x192xf32>, vector<100x8xf32> -> vector<100x200xf32>
    %and3A_1458 = arith.constant 8 : i32
    %and3A_1459 = vector.broadcast %and3A_1458 : i32 to vector<100x200xi32>
    %and3A_1460 = arith.andi %iota3A, %and3A_1459 : vector<100x200xi32>
    %ne3A_1461 = arith.constant 0 : i32
    %ne3A_1462 = vector.broadcast %ne3A_1461 : i32 to vector<100x200xi32>
    %ne3A_1463 = arith.cmpi ne, %and3A_1460, %ne3A_1462 : vector<100x200xi32>
    %select_n3A_1464 = arith.select %ne3A_1463, %concatenate3A_1457, %select_n3A_1454 : vector<100x200xi1>, vector<100x200xf32>
    %slice3A_1465 = vector.extract_strided_slice %select_n3A_1464 {offsets = [0, 16], sizes = [100, 184], strides = [1, 1]} : vector<100x200xf32> to vector<100x184xf32>
    %slice3A_1466 = vector.extract_strided_slice %select_n3A_1464 {offsets = [0, 0], sizes = [100, 16], strides = [1, 1]} : vector<100x200xf32> to vector<100x16xf32>
    %concatenate3A_1467 = tpu.concatenate %slice3A_1465, %slice3A_1466 in 1 : vector<100x184xf32>, vector<100x16xf32> -> vector<100x200xf32>
    %and3A_1468 = arith.constant 16 : i32
    %and3A_1469 = vector.broadcast %and3A_1468 : i32 to vector<100x200xi32>
    %and3A_1470 = arith.andi %iota3A, %and3A_1469 : vector<100x200xi32>
    %ne3A_1471 = arith.constant 0 : i32
    %ne3A_1472 = vector.broadcast %ne3A_1471 : i32 to vector<100x200xi32>
    %ne3A_1473 = arith.cmpi ne, %and3A_1470, %ne3A_1472 : vector<100x200xi32>
    %select_n3A_1474 = arith.select %ne3A_1473, %concatenate3A_1467, %select_n3A_1464 : vector<100x200xi1>, vector<100x200xf32>
    %slice3A_1475 = vector.extract_strided_slice %select_n3A_1474 {offsets = [0, 32], sizes = [100, 168], strides = [1, 1]} : vector<100x200xf32> to vector<100x168xf32>
    %slice3A_1476 = vector.extract_strided_slice %select_n3A_1474 {offsets = [0, 0], sizes = [100, 32], strides = [1, 1]} : vector<100x200xf32> to vector<100x32xf32>
    %concatenate3A_1477 = tpu.concatenate %slice3A_1475, %slice3A_1476 in 1 : vector<100x168xf32>, vector<100x32xf32> -> vector<100x200xf32>
    %and3A_1478 = arith.constant 32 : i32
    %and3A_1479 = vector.broadcast %and3A_1478 : i32 to vector<100x200xi32>
    %and3A_1480 = arith.andi %iota3A, %and3A_1479 : vector<100x200xi32>
    %ne3A_1481 = arith.constant 0 : i32
    %ne3A_1482 = vector.broadcast %ne3A_1481 : i32 to vector<100x200xi32>
    %ne3A_1483 = arith.cmpi ne, %and3A_1480, %ne3A_1482 : vector<100x200xi32>
    %select_n3A_1484 = arith.select %ne3A_1483, %concatenate3A_1477, %select_n3A_1474 : vector<100x200xi1>, vector<100x200xf32>
    %slice3A_1485 = vector.extract_strided_slice %select_n3A_1484 {offsets = [0, 64], sizes = [100, 136], strides = [1, 1]} : vector<100x200xf32> to vector<100x136xf32>
    %slice3A_1486 = vector.extract_strided_slice %select_n3A_1484 {offsets = [0, 0], sizes = [100, 64], strides = [1, 1]} : vector<100x200xf32> to vector<100x64xf32>
    %concatenate3A_1487 = tpu.concatenate %slice3A_1485, %slice3A_1486 in 1 : vector<100x136xf32>, vector<100x64xf32> -> vector<100x200xf32>
    %and3A_1488 = arith.constant 64 : i32
    %and3A_1489 = vector.broadcast %and3A_1488 : i32 to vector<100x200xi32>
    %and3A_1490 = arith.andi %iota3A, %and3A_1489 : vector<100x200xi32>
    %ne3A_1491 = arith.constant 0 : i32
    %ne3A_1492 = vector.broadcast %ne3A_1491 : i32 to vector<100x200xi32>
    %ne3A_1493 = arith.cmpi ne, %and3A_1490, %ne3A_1492 : vector<100x200xi32>
    %select_n3A_1494 = arith.select %ne3A_1493, %concatenate3A_1487, %select_n3A_1484 : vector<100x200xi1>, vector<100x200xf32>
    %slice3A_1495 = vector.extract_strided_slice %select_n3A_1494 {offsets = [0, 0], sizes = [100, 101], strides = [1, 1]} : vector<100x200xf32> to vector<100x101xf32>
    %dot_general3A_1496 = arith.constant dense<0.000000e+00> : vector<100x128xf32>
    %dot_general3A_1497 = tpu.matmul %slice3A_1495, %get3A_2, %dot_general3A_1496 {dimension_numbers = #tpu.dot_dimension_numbers<[1], [0], [0], [1], [0, 0, 1, 1], [], []>, transpose_lhs_hint = false} : vector<100x101xf32>, vector<101x128xf32>, vector<100x128xf32> -> vector<100x128xf32>
    %add3A_1498 = vector.broadcast %broadcast_in_dim3A_7 : vector<1x128xf32> to vector<100x128xf32>
    %add3A_1499 = arith.addf %dot_general3A_1497, %add3A_1498 : vector<100x128xf32>
    %max3A_1500 = arith.constant 0.000000e+00 : f32
    %max3A_1501 = vector.broadcast %max3A_1500 : f32 to vector<100x128xf32>
    %max3A_1502 = arith.maximumf %add3A_1499, %max3A_1501 : vector<100x128xf32>
    %swap3A_1503 = arith.constant 0 : index
    %swap3A_1504 = arith.constant 14 : index
    %swap3A_1505 = arith.constant 0 : index
    %swap3A_1506 = vector.load %arg4[%swap3A_1503, %swap3A_1504, %swap3A_1505] : memref<100x16x128xf32, #tpu.memory_space<vmem>>, vector<100x1x128xf32>
    %swap3A_1507 = vector.shape_cast %swap3A_1506 : vector<100x1x128xf32> to vector<100x128xf32>
    %swap3A_1508 = vector.shape_cast %max3A_1502 : vector<100x128xf32> to vector<100x1x128xf32>
    tpu.vector_store %arg4[%swap3A_1503, %swap3A_1504, %swap3A_1505], %swap3A_1508 {strides = array<i32>} : memref<100x16x128xf32, #tpu.memory_space<vmem>>, vector<100x1x128xf32>,
    %get3A_1509 = arith.constant 1500 : index
    %get3A_1510 = arith.constant 0 : index
    %get3A_1511 = vector.load %arg1[%get3A_1509, %get3A_1510] : memref<1600x512xi32, #tpu.memory_space<vmem>>, vector<100x512xi32>
    %convert_element_type3A_1512 = arith.sitofp %get3A_1511 : vector<100x512xi32> to vector<100x512xf32>
    %mul3A_1513 = arith.mulf %convert_element_type3A_1512, %convert_element_type3A_1512 : vector<100x512xf32>
    %reduce_sum3A_1514 = arith.constant dense<0.000000e+00> : vector<100xf32>
    %reduce_sum3A_1515 = vector.multi_reduction <add>, %mul3A_1513, %reduce_sum3A_1514 [1] : vector<100x512xf32> to vector<100xf32>
    %broadcast_in_dim3A_1516 = vector.shape_cast %reduce_sum3A_1515 : vector<100xf32> to vector<100x1xf32>
    %sqrt3A_1517 = math.sqrt %broadcast_in_dim3A_1516 : vector<100x1xf32>
    %max3A_1518 = arith.constant 9.99999996E-13 : f32
    %max3A_1519 = vector.broadcast %max3A_1518 : f32 to vector<100x1xf32>
    %max3A_1520 = arith.maximumf %sqrt3A_1517, %max3A_1519 : vector<100x1xf32>
    %div3A_1521 = vector.broadcast %max3A_1520 : vector<100x1xf32> to vector<100x512xf32>
    %div3A_1522 = arith.divf %convert_element_type3A_1512, %div3A_1521 : vector<100x512xf32>
    %dot_general3A_1523 = arith.constant dense<0.000000e+00> : vector<100x100xf32>
    %dot_general3A_1524 = tpu.matmul %div3A_1522, %div3A_1522, %dot_general3A_1523 {dimension_numbers = #tpu.dot_dimension_numbers<[1], [1], [0], [0], [0, 0, 1, 0], [], []>, transpose_lhs_hint = false} : vector<100x512xf32>, vector<100x512xf32>, vector<100x100xf32> -> vector<100x100xf32>
    %concatenate3A_1525 = tpu.concatenate %broadcast_in_dim3A_0, %dot_general3A_1524, %broadcast_in_dim3A_0 in 1 : vector<100x50xf32>, vector<100x100xf32>, vector<100x50xf32> -> vector<100x200xf32>
    %slice3A_1526 = vector.extract_strided_slice %concatenate3A_1525 {offsets = [0, 1], sizes = [100, 199], strides = [1, 1]} : vector<100x200xf32> to vector<100x199xf32>
    %slice3A_1527 = vector.extract_strided_slice %concatenate3A_1525 {offsets = [0, 0], sizes = [100, 1], strides = [1, 1]} : vector<100x200xf32> to vector<100x1xf32>
    %concatenate3A_1528 = tpu.concatenate %slice3A_1526, %slice3A_1527 in 1 : vector<100x199xf32>, vector<100x1xf32> -> vector<100x200xf32>
    %and3A_1529 = arith.constant 1 : i32
    %and3A_1530 = vector.broadcast %and3A_1529 : i32 to vector<100x200xi32>
    %and3A_1531 = arith.andi %iota3A, %and3A_1530 : vector<100x200xi32>
    %ne3A_1532 = arith.constant 0 : i32
    %ne3A_1533 = vector.broadcast %ne3A_1532 : i32 to vector<100x200xi32>
    %ne3A_1534 = arith.cmpi ne, %and3A_1531, %ne3A_1533 : vector<100x200xi32>
    %select_n3A_1535 = arith.select %ne3A_1534, %concatenate3A_1528, %concatenate3A_1525 : vector<100x200xi1>, vector<100x200xf32>
    %slice3A_1536 = vector.extract_strided_slice %select_n3A_1535 {offsets = [0, 2], sizes = [100, 198], strides = [1, 1]} : vector<100x200xf32> to vector<100x198xf32>
    %slice3A_1537 = vector.extract_strided_slice %select_n3A_1535 {offsets = [0, 0], sizes = [100, 2], strides = [1, 1]} : vector<100x200xf32> to vector<100x2xf32>
    %concatenate3A_1538 = tpu.concatenate %slice3A_1536, %slice3A_1537 in 1 : vector<100x198xf32>, vector<100x2xf32> -> vector<100x200xf32>
    %and3A_1539 = arith.constant 2 : i32
    %and3A_1540 = vector.broadcast %and3A_1539 : i32 to vector<100x200xi32>
    %and3A_1541 = arith.andi %iota3A, %and3A_1540 : vector<100x200xi32>
    %ne3A_1542 = arith.constant 0 : i32
    %ne3A_1543 = vector.broadcast %ne3A_1542 : i32 to vector<100x200xi32>
    %ne3A_1544 = arith.cmpi ne, %and3A_1541, %ne3A_1543 : vector<100x200xi32>
    %select_n3A_1545 = arith.select %ne3A_1544, %concatenate3A_1538, %select_n3A_1535 : vector<100x200xi1>, vector<100x200xf32>
    %slice3A_1546 = vector.extract_strided_slice %select_n3A_1545 {offsets = [0, 4], sizes = [100, 196], strides = [1, 1]} : vector<100x200xf32> to vector<100x196xf32>
    %slice3A_1547 = vector.extract_strided_slice %select_n3A_1545 {offsets = [0, 0], sizes = [100, 4], strides = [1, 1]} : vector<100x200xf32> to vector<100x4xf32>
    %concatenate3A_1548 = tpu.concatenate %slice3A_1546, %slice3A_1547 in 1 : vector<100x196xf32>, vector<100x4xf32> -> vector<100x200xf32>
    %and3A_1549 = arith.constant 4 : i32
    %and3A_1550 = vector.broadcast %and3A_1549 : i32 to vector<100x200xi32>
    %and3A_1551 = arith.andi %iota3A, %and3A_1550 : vector<100x200xi32>
    %ne3A_1552 = arith.constant 0 : i32
    %ne3A_1553 = vector.broadcast %ne3A_1552 : i32 to vector<100x200xi32>
    %ne3A_1554 = arith.cmpi ne, %and3A_1551, %ne3A_1553 : vector<100x200xi32>
    %select_n3A_1555 = arith.select %ne3A_1554, %concatenate3A_1548, %select_n3A_1545 : vector<100x200xi1>, vector<100x200xf32>
    %slice3A_1556 = vector.extract_strided_slice %select_n3A_1555 {offsets = [0, 8], sizes = [100, 192], strides = [1, 1]} : vector<100x200xf32> to vector<100x192xf32>
    %slice3A_1557 = vector.extract_strided_slice %select_n3A_1555 {offsets = [0, 0], sizes = [100, 8], strides = [1, 1]} : vector<100x200xf32> to vector<100x8xf32>
    %concatenate3A_1558 = tpu.concatenate %slice3A_1556, %slice3A_1557 in 1 : vector<100x192xf32>, vector<100x8xf32> -> vector<100x200xf32>
    %and3A_1559 = arith.constant 8 : i32
    %and3A_1560 = vector.broadcast %and3A_1559 : i32 to vector<100x200xi32>
    %and3A_1561 = arith.andi %iota3A, %and3A_1560 : vector<100x200xi32>
    %ne3A_1562 = arith.constant 0 : i32
    %ne3A_1563 = vector.broadcast %ne3A_1562 : i32 to vector<100x200xi32>
    %ne3A_1564 = arith.cmpi ne, %and3A_1561, %ne3A_1563 : vector<100x200xi32>
    %select_n3A_1565 = arith.select %ne3A_1564, %concatenate3A_1558, %select_n3A_1555 : vector<100x200xi1>, vector<100x200xf32>
    %slice3A_1566 = vector.extract_strided_slice %select_n3A_1565 {offsets = [0, 16], sizes = [100, 184], strides = [1, 1]} : vector<100x200xf32> to vector<100x184xf32>
    %slice3A_1567 = vector.extract_strided_slice %select_n3A_1565 {offsets = [0, 0], sizes = [100, 16], strides = [1, 1]} : vector<100x200xf32> to vector<100x16xf32>
    %concatenate3A_1568 = tpu.concatenate %slice3A_1566, %slice3A_1567 in 1 : vector<100x184xf32>, vector<100x16xf32> -> vector<100x200xf32>
    %and3A_1569 = arith.constant 16 : i32
    %and3A_1570 = vector.broadcast %and3A_1569 : i32 to vector<100x200xi32>
    %and3A_1571 = arith.andi %iota3A, %and3A_1570 : vector<100x200xi32>
    %ne3A_1572 = arith.constant 0 : i32
    %ne3A_1573 = vector.broadcast %ne3A_1572 : i32 to vector<100x200xi32>
    %ne3A_1574 = arith.cmpi ne, %and3A_1571, %ne3A_1573 : vector<100x200xi32>
    %select_n3A_1575 = arith.select %ne3A_1574, %concatenate3A_1568, %select_n3A_1565 : vector<100x200xi1>, vector<100x200xf32>
    %slice3A_1576 = vector.extract_strided_slice %select_n3A_1575 {offsets = [0, 32], sizes = [100, 168], strides = [1, 1]} : vector<100x200xf32> to vector<100x168xf32>
    %slice3A_1577 = vector.extract_strided_slice %select_n3A_1575 {offsets = [0, 0], sizes = [100, 32], strides = [1, 1]} : vector<100x200xf32> to vector<100x32xf32>
    %concatenate3A_1578 = tpu.concatenate %slice3A_1576, %slice3A_1577 in 1 : vector<100x168xf32>, vector<100x32xf32> -> vector<100x200xf32>
    %and3A_1579 = arith.constant 32 : i32
    %and3A_1580 = vector.broadcast %and3A_1579 : i32 to vector<100x200xi32>
    %and3A_1581 = arith.andi %iota3A, %and3A_1580 : vector<100x200xi32>
    %ne3A_1582 = arith.constant 0 : i32
    %ne3A_1583 = vector.broadcast %ne3A_1582 : i32 to vector<100x200xi32>
    %ne3A_1584 = arith.cmpi ne, %and3A_1581, %ne3A_1583 : vector<100x200xi32>
    %select_n3A_1585 = arith.select %ne3A_1584, %concatenate3A_1578, %select_n3A_1575 : vector<100x200xi1>, vector<100x200xf32>
    %slice3A_1586 = vector.extract_strided_slice %select_n3A_1585 {offsets = [0, 64], sizes = [100, 136], strides = [1, 1]} : vector<100x200xf32> to vector<100x136xf32>
    %slice3A_1587 = vector.extract_strided_slice %select_n3A_1585 {offsets = [0, 0], sizes = [100, 64], strides = [1, 1]} : vector<100x200xf32> to vector<100x64xf32>
    %concatenate3A_1588 = tpu.concatenate %slice3A_1586, %slice3A_1587 in 1 : vector<100x136xf32>, vector<100x64xf32> -> vector<100x200xf32>
    %and3A_1589 = arith.constant 64 : i32
    %and3A_1590 = vector.broadcast %and3A_1589 : i32 to vector<100x200xi32>
    %and3A_1591 = arith.andi %iota3A, %and3A_1590 : vector<100x200xi32>
    %ne3A_1592 = arith.constant 0 : i32
    %ne3A_1593 = vector.broadcast %ne3A_1592 : i32 to vector<100x200xi32>
    %ne3A_1594 = arith.cmpi ne, %and3A_1591, %ne3A_1593 : vector<100x200xi32>
    %select_n3A_1595 = arith.select %ne3A_1594, %concatenate3A_1588, %select_n3A_1585 : vector<100x200xi1>, vector<100x200xf32>
    %slice3A_1596 = vector.extract_strided_slice %select_n3A_1595 {offsets = [0, 0], sizes = [100, 101], strides = [1, 1]} : vector<100x200xf32> to vector<100x101xf32>
    %dot_general3A_1597 = arith.constant dense<0.000000e+00> : vector<100x128xf32>
    %dot_general3A_1598 = tpu.matmul %slice3A_1596, %get3A_2, %dot_general3A_1597 {dimension_numbers = #tpu.dot_dimension_numbers<[1], [0], [0], [1], [0, 0, 1, 1], [], []>, transpose_lhs_hint = false} : vector<100x101xf32>, vector<101x128xf32>, vector<100x128xf32> -> vector<100x128xf32>
    %add3A_1599 = vector.broadcast %broadcast_in_dim3A_7 : vector<1x128xf32> to vector<100x128xf32>
    %add3A_1600 = arith.addf %dot_general3A_1598, %add3A_1599 : vector<100x128xf32>
    %max3A_1601 = arith.constant 0.000000e+00 : f32
    %max3A_1602 = vector.broadcast %max3A_1601 : f32 to vector<100x128xf32>
    %max3A_1603 = arith.maximumf %add3A_1600, %max3A_1602 : vector<100x128xf32>
    %swap3A_1604 = arith.constant 0 : index
    %swap3A_1605 = arith.constant 15 : index
    %swap3A_1606 = arith.constant 0 : index
    %swap3A_1607 = vector.load %arg4[%swap3A_1604, %swap3A_1605, %swap3A_1606] : memref<100x16x128xf32, #tpu.memory_space<vmem>>, vector<100x1x128xf32>
    %swap3A_1608 = vector.shape_cast %swap3A_1607 : vector<100x1x128xf32> to vector<100x128xf32>
    %swap3A_1609 = vector.shape_cast %max3A_1603 : vector<100x128xf32> to vector<100x1x128xf32>
    tpu.vector_store %arg4[%swap3A_1604, %swap3A_1605, %swap3A_1606], %swap3A_1609 {strides = array<i32>} : memref<100x16x128xf32, #tpu.memory_space<vmem>>, vector<100x1x128xf32>,
    return
  }
  func.func @transform_0(%arg0: i32) -> (i32, i32) {
    %c0_i32 = arith.constant 0 : i32
    %c0_i32_0 = arith.constant 0 : i32
    %c0_i32_1 = arith.constant 0 : i32
    return %c0_i32, %c0_i32_0 : i32, i32
  }
  func.func @transform_1(%arg0: i32) -> (i32, i32) {
    %c0_i32 = arith.constant 0 : i32
    %c0_i32_0 = arith.constant 0 : i32
    %c0_i32_1 = arith.constant 0 : i32
    return %c0_i32, %c0_i32_0 : i32, i32
  }
  func.func @transform_2(%arg0: i32) -> (i32, i32) {
    %c0_i32 = arith.constant 0 : i32
    %c0_i32_0 = arith.constant 0 : i32
    %c0_i32_1 = arith.constant 0 : i32
    return %c0_i32, %c0_i32_0 : i32, i32
  }
  func.func @transform_3(%arg0: i32) -> (i32, i32, i32) {
    %c0_i32 = arith.constant 0 : i32
    %c0_i32_0 = arith.constant 0 : i32
    %c0_i32_1 = arith.constant 0 : i32
    %c0_i32_2 = arith.constant 0 : i32
    return %c0_i32, %c0_i32_0, %c0_i32_1 : i32, i32, i32
  }
}

</mosaic_0001>

<sc_bundles>
// kernel: kernel.5.cloned.1.call-start
scs
__scs_entry_jumppad:
0x0: {  	(pc) =	sbr.rel $0x88, $3  }
0x1: {  	(tag) =	ssettag $0x0;
	lr =	simm.s32 $0x1  }
0x2: {  	[smem:$0x3F9E] =	sst lr;
	_ =	strace $0xD0000000  }
0x3: {  	_ = 	snop  }
0x4: {  	_ = 	snop  }
0x5: {  	_ = 	snop  }
0x6: {  	_ = 	snop  }
0x7: {  	_ = 	snop  }
__scs_overlays_trampoline_lowered:
0x8: {  	[smem:$0x3FAD] =	sst s0  }
0x9: {  	[smem:$0x3FAE] =	sst s1  }
0xa: {  	[smem:$0x3FAF] =	sst s2  }
0xb: {  	[smem:$0x3FB0] =	sst s3  }
0xc: {  	[smem:$0x3FB1] =	sst s4  }
0xd: {  	[smem:$0x3FB2] =	sst s5  }
0xe: {  	[smem:$0x3FB3] =	sst s6  }
0xf: {  	[smem:$0x3FB4] =	sst s7  }
0x10: {  	[smem:$0x3FB5] =	sst s8  }
0x11: {  	[smem:$0x3FB6] =	sst s9;
	s0 =	simm.s32 @!p0 $0x0  }
0x12: {  	s1 =	sld [smem:$0x3F9C];
	s0 =	simm.s32 @p0 $0x1  }
0x13: {  	[smem:$0x3FB7] =	sst s0;
	s0 =	simm.s32 @!p1 $0x0  }
0x14: {  	s2 =	sld [smem:$0x3F9B];
	s0 =	simm.s32 @p1 $0x1  }
0x15: {  	[smem:$0x3FB8] =	sst s0;
	s0 =	simm.s32 @!p2 $0x0  }
0x16: {  	s3 =	sld [smem:$0x3FDB];
	s0 =	simm.s32 @p2 $0x1  }
0x17: {  	s4 =	simm.s32 $0x1BF5;
	[smem:$0x3FBA] =	sst s0  }
0x18: {  	s0 =	sld [smem:$0x3F9D];
	_ =	swait.ge [sflag:s4], $0x0  }
0x19: {  	s7 =	sld [smem:$0x3F9E]  }
0x1a: {  	s8 =	sadd.s32 $0xFFFFE003, lr  }
0x1b: {  	s9 =	sadd.s32 $0xFFFFFEF7, lr;
	s5 =	simm.s32 $0xFFFFFFFF;
	p2 =	slt.u32 s8, $0xFFFFF086  }
0x1c: {  	p1 =	slt.u32 s9, $0xF7A;
	s5 =	simm.s32 @!p2 $0x0  }
0x1d: {  	s5 =	simm.s32 @p1 $0x1;
	p0 =	seq.s32 s7, s2  }
0x1e: {  	s7 =	smul.u32 @!p0 $0xF7A, s2;
	p2 =	seq.s32 @!p0 s5, $0x0  }
0x1f: {  	s9 =	smul.u32 $0xF7A, s1;
	s8 =	simm.s32 @!p0 $0x1BF5;
	p2 =	por !p2, p0  }
0x20: {  	[sflag:s8] =	ssyncset.s32 @!p0 $0xFFFFF086;
	s6 =	sadd.s32 @!p0 s3, s7;
	s7 =	simm.s32 @!p0 $0x108  }
0x21: {  	s3 =	sadd.s32 s3, s9;
	s6 =	sadd.s32 @!p0 $0x88, s6;
	s7 =	simm.s32 @p2 $0x1082  }
0x22: {  	[simem:s7], [sflag:s8] =	dma.local @!p0 [hbm:s6], $0xF7A  }
0x23: {  	s9 =	sor.u32 $0xD0000000, s2;
	s6 =	simm.s32 $0x108;
	_ =	swait.ge @!p0 [sflag:s8], $0x0  }
0x24: {  	s3 =	sadd.s32 $0x88, s3;
	s6 =	simm.s32 @!p1 $0x1082;
	[sflag:s4] =	ssyncset.s32 $0xFFFFF086  }
0x25: {  	[simem:s6], [sflag:s4] =	dma.local [hbm:s3], $0xF7A  }
0x26: {  	[smem:$0x3F9E] =	sst s1;
	(tag) =	ssettag s2;
	_ =	strace s9  }
0x27: {  	s1 =	sld [smem:$0x3FAE]  }
0x28: {  	s2 =	sld [smem:$0x3FAF]  }
0x29: {  	s4 =	sld [smem:$0x3FB1]  }
0x2a: {  	p0 =	seq.s32 s5, $0x0;
	s5 =	sld [smem:$0x3FB2]  }
0x2b: {  	s6 =	sld [smem:$0x3FB3]  }
0x2c: {  	s7 =	sld [smem:$0x3FB4]  }
0x2d: {  	s3 =	simm.s32 $0x108;
	s8 =	sld [smem:$0x3FB5]  }
0x2e: {  	s3 =	simm.s32 @!p0 $0x1082;
	s9 =	sld [smem:$0x3FB6]  }
0x2f: {  	lr =	sadd.s32 s0, s3;
	s0 =	sld [smem:$0x3FAD]  }
0x30: {  	s3 =	sld [smem:$0x3FB0]  }
0x31: {  	[smem:$0x3FB9] =	sst s10  }
0x32: {  	s10 =	sld [smem:$0x3FB7];
	_ =	sdelay $0x3  }
0x33: {  	p0 =	seq.s32 s10, $0x1;
	s10 =	sld [smem:$0x3FB9];
	_ =	sdelay $0x3  }
0x34: {  	[smem:$0x3FB9] =	sst s10  }
0x35: {  	s10 =	sld [smem:$0x3FB8];
	_ =	sdelay $0x3  }
0x36: {  	p1 =	seq.s32 s10, $0x1;
	s10 =	sld [smem:$0x3FB9];
	_ =	sdelay $0x3  }
0x37: {  	[smem:$0x3FB9] =	sst s10  }
0x38: {  	s10 =	sld [smem:$0x3FBA]  }
0x39: {  	_ = 	snop;
	(pc) =	sbr.ind lr, $3  }
0x3a: {  	_ = 	snop  }
0x3b: {  	_ = 	snop  }
0x3c: {  	p2 =	seq.s32 s10, $0x1;
	s10 =	sld [smem:$0x3FB9]  }
0x3d: {  	_ =	shalt  }
0x3e: {  	_ =	shalt  }
0x3f: {  	_ =	shalt  }
0x40: {  	_ =	shalt  }
0x41: {  	_ =	shalt  }
0x42: {  	_ =	shalt  }
0x43: {  	_ =	shalt  }
0x44: {  	_ =	shalt  }
0x45: {  	_ =	shalt  }
0x46: {  	_ =	shalt  }
0x47: {  	_ =	shalt  }
0x48: {  	_ =	shalt  }
0x49: {  	_ =	shalt  }
0x4a: {  	_ =	shalt  }
0x4b: {  	_ =	shalt  }
0x4c: {  	_ =	shalt  }
0x4d: {  	_ =	shalt  }
0x4e: {  	_ =	shalt  }
0x4f: {  	_ =	shalt  }
0x50: {  	_ =	shalt  }
0x51: {  	_ =	shalt  }
0x52: {  	_ =	shalt  }
0x53: {  	_ =	shalt  }
0x54: {  	_ =	shalt  }
0x55: {  	_ =	shalt  }
0x56: {  	_ =	shalt  }
0x57: {  	_ =	shalt  }
0x58: {  	_ =	shalt  }
0x59: {  	_ =	shalt  }
0x5a: {  	_ =	shalt  }
0x5b: {  	_ =	shalt  }
0x5c: {  	_ =	shalt  }
0x5d: {  	_ =	shalt  }
0x5e: {  	_ =	shalt  }
0x5f: {  	_ =	shalt  }
0x60: {  	_ =	shalt  }
0x61: {  	_ =	shalt  }
0x62: {  	_ =	shalt  }
0x63: {  	_ =	shalt  }
0x64: {  	_ =	shalt  }
0x65: {  	_ =	shalt  }
0x66: {  	_ =	shalt  }
0x67: {  	_ =	shalt  }
0x68: {  	_ =	shalt  }
0x69: {  	_ =	shalt  }
0x6a: {  	_ =	shalt  }
0x6b: {  	_ =	shalt  }
0x6c: {  	_ =	shalt  }
0x6d: {  	_ =	shalt  }
0x6e: {  	_ =	shalt  }
0x6f: {  	_ =	shalt  }
0x70: {  	_ =	shalt  }
0x71: {  	_ =	shalt  }
0x72: {  	_ =	shalt  }
0x73: {  	_ =	shalt  }
0x74: {  	_ =	shalt  }
0x75: {  	_ =	shalt  }
0x76: {  	_ =	shalt  }
0x77: {  	_ =	shalt  }
0x78: {  	_ =	shalt  }
0x79: {  	_ =	shalt  }
0x7a: {  	_ =	shalt  }
0x7b: {  	_ =	shalt  }
0x7c: {  	_ =	shalt  }
0x7d: {  	_ =	shalt  }
0x7e: {  	_ =	shalt  }
0x7f: {  	_ =	shalt  }
0x80: {  	_ =	shalt  }
0x81: {  	_ =	shalt  }
0x82: {  	_ =	shalt  }
0x83: {  	_ =	shalt  }
0x84: {  	_ =	shalt  }
0x85: {  	_ =	shalt  }
0x86: {  	_ =	shalt  }
0x87: {  	_ =	shalt  }
.Lfunc_end0:
.L_simem_size_0:
called_computation_lowered:
.L_overlay_start_0:
0x88: {  	s2 =	sld [smem:$0x3FD9]  }
0x89: {  	s3 =	sld [smem:$0x3FFE];
	_ =	sdelay $0x1  }
0x8a: {  	s1 =	srdreg.scid  }
0x8b: {  	s0 =	sand.u32 $0x1, s1  }
0x8c: {  	s16 =	sshll.u32 s0, $0xA;
	s2 =	sadd.s32 s3, s2  }
0x8d: {  	s2 =	sadd.s32 s2, s16  }
0x8e: {  	[smem:$0x3FC5] =	sst s2  }
0x8f: {  	_ = 	snop  }
0x90: {  	(tm) =	ssettm $0x1  }
0x91: {  	s17 =	sld [smem:$0x3FFB];
	_ =	sdelay $0x3  }
0x92: {  	_ =	strace s17  }
0x93: {  	s2 =	sld [smem:$0x3FFC];
	_ =	sdelay $0x3  }
0x94: {  	_ =	strace s2  }
0x95: {  	s2 =	sld [smem:$0x3FFD];
	_ =	sdelay $0x3  }
0x96: {  	_ =	strace s2  }
0x97: {  	_ =	strace $0x8FFFFFFF  }
0x98: {  	s18 =	sld [smem:$0x3FDB];
	_ =	sdelay $0x1  }
0x99: {  	s19 =	simm.s32 $_scs_section_size  }
0x9a: {  	s4 =	simm.s32 $_size__tile_overlayer_lowered;
	s5 =	simm.s32 $_tile_overlayer_lowered  }
0x9b: {  	s22 =	simm.s32 $0x1BFF;
	s21 =	sshll.u32 s5, $0x1;
	s2 =	sadd.s32 s19, s18  }
0x9c: {  	s6 =	simm.s32 $0x0;
	s20 =	sshll.u32 s4, $0x1;
	s4 =	sadd.s32 s21, s2  }
0x9d: {  	[timem:s6], [sflag:s22] =	dma.local [hbm:s4], s20  }
0x9e: {  	_ =	swait.ge [sflag:s22], s20  }
0x9f: {  	s3 =	ssub.s32 $0x0, s20;
	[sflag:s22] =	ssyncset.done $0x0  }
0xa0: {  	[sflag:s22] =	ssyncadd.s32 s3;
	_ =	sdelay $0x1  }
0xa1: {  	s23 =	simm.s32 $0x1B8B  }
0xa2: {  	_ =	swait.ge [sflag:s23], $0x1  }
0xa3: {  	[sflag:s23] =	ssyncset.done $0x0  }
0xa4: {  	s25 =	simm.s32 $0x1B8E;
	s24 =	sld [smem:$0x3FFE];
	[sflag:s23] =	ssyncadd.s32 $0xFFFFFFFF  }
0xa5: {  	s26 =	simm.s32 $execute0_lowered;
	[smem:$0x3FD2] =	sst s25  }
0xa6: {  	s4 =	sshll.u32 s26, $0x1;
	_ =	strace $0x80000046;
	[dreg:$0x1] =	wrdreg $0xFFFFFFFF  }
0xa7: {  	s28 =	simm.s32 $_size_execute0_lowered;
	s2 =	sadd.s32 s2, s4;
	[dreg:$0x0] =	wrdreg $0x0  }
0xa8: {  	s4 =	sshll.u32 s28, $0x1;
	[dreg:$0x2] =	wrdreg s2  }
0xa9: {  	[dreg:$0x3] =	wrdreg s4  }
0xaa: {  	[dreg:$0x4] =	wrdreg $0xC0  }
0xab: {  	_ =	task [dreg:s6], $0x5FFFF  }
0xac: {  	[dreg:$0x1] =	wrdreg $0xFFFFFFFF  }
0xad: {  	[dreg:$0x0] =	wrdreg $0x60  }
0xae: {  	[dreg:$0x2] =	wrdreg s24  }
0xaf: {  	[dreg:$0x3] =	wrdreg $0x9  }
0xb0: {  	_ =	task.clear_ibuf [dreg:s6], $0x4FFFF;
	_ =	strace $0x90000046  }
0xb1: {  	s29 =	simm.s32 $0x9;
	_ =	strace $0x80000048  }
0xb2: {  	_ =	swait.ge [sflag:s29], $0x1  }
0xb3: {  	[sflag:s29] =	ssyncadd.s32 $0xFFFFFFFF  }
0xb4: {  	_ =	strace $0x90000048  }
0xb5: {  	_ =	sfence  }
0xb6: {  	s30 =	sld [smem:$0x0];
	_ =	sdelay $0x2  }
0xb7: {  	s31 =	sshll.u32 s1, $0xD;
	s1 =	sshrl.u32 s1, $0x2  }
0xb8: {  	s3 =	sand.u32 $0x4000, s31;
	s1 =	sadd.s32 s1, s30  }
0xb9: {  	s0 =	sor.u32 s3, s0;
	s1 =	sshll.u32 s1, $0x11  }
0xba: {  	s0 =	sor.u32 s1, s0  }
0xbb: {  	s0 =	sadd.s32 $0x8F2B, s0  }
0xbc: {  	[sflag:s0] =	ssyncadd.remote.s32 $0x1  }
0xbd: {  	_ =	sfence.sel $0xFFFF  }
0xbe: {  	[dreg:$0x0] =	wrdreg $0xFFFFFFFF;
	(pc) =	sbr.abs _section_cstart, $3  }
0xbf: {  	[dreg:$0x1] =	wrdreg $0xFFFFFFFF  }
0xc0: {  	_ =	task.clear_ibuf [dreg:s6], $0x2FFFF;
	_ =	strace $0x9FFFFFFF  }
0xc1: {  	(tm) =	ssettm $0x7FFFFFFF  }
tec
execute0_lowered:
.L_overlay_start_1:
0x0: {  	(tag) =	ssettag $0x1  }
0x1: {  	s3 =	rddreg [dreg:$0x0]  }
0x2: {  	s0 =	rddreg [dreg:$0x1];
	s2 =	simm.s32 $0x0  }
0x3: {  	s4 =	srdreg.scid;
	s1 =	stileid.u32;
	s14 =	simm.s32 $0xB000  }
0x4: {  	s15 =	simm.s32 $0x2;
	s16 =	simm.s32 $0xD000;
	s17 =	simm.s32 $0x3  }
0x5: {  	s18 =	simm.s32 $0x4;
	s19 =	simm.s32 $0x0;
	[smem:$0x7FF] =	sst s2  }
0x6: {  	s4 =	sand.u32 $0x1, s4;
	s5 =	sshll.u32 s1, $0x1;
	s8 =	sadd.s32 $0x800, s3  }
0x7: {  	s10 =	sadd.s32 $0x45400, s3;
	p0 =	sgt.u32 s1, $0x1;
	s5 =	sor.u32 s4, s5  }
0x8: {  	_ =	strace $0x80000047;
	s6 =	smul.u32 $0xB00, s5;
	s7 =	sor.u32 $0x20, s5  }
0x9: {  	s4 =	ssub.s32 $0x2, s4;
	s12 =	sor.u32 $0x40, s5;
	s9 =	smul.u32 $0xB00, s7  }
0xa: {  	s28 =	sshrl.u32 s4, $0x1;
	s30 =	sor.u32 $0x60, s5;
	s29 =	smul.u32 $0xB00, s12  }
0xb: {  	s5 =	sshll.u32 s5, $0xA;
	s11 =	ssub.s32 s4, s28;
	s13 =	smul.u32 $0xB00, s30  }
.Ltmp0:
0xc: {  	s7 =	sshll.u32 s7, $0xA;
	s5 =	sadd.s32 s10, s5;
	(pc) =	sbr.rel .LBB2_1-.Ltmp0, $4  }
0xd: {  	s12 =	sshll.u32 s12, $0xA;
	s31 =	sshll.u32 s30, $0xA;
	s3 =	sadd.s32 s8, s6  }
0xe: {  	v2 =	vlaneseq.u32;
	s7 =	sadd.s32 s10, s7;
	s11 =	smax.u32 s11, $0x1;
	s4 =	sadd.s32 s8, s9  }
0xf: {  	v1 =	vmul.u32 $0x580, v2;
	s6 =	sadd.s32 s8, s29;
	s8 =	sadd.s32 s8, s13;
	s9 =	sadd.s32 s10, s12  }
0x10: {  	v0 =	vimm.s32 $0x0;
	v3 =	vimm.s32 $0x1;
	v2 =	vmul.u32 $0x200, v2;
	s10 =	sadd.s32 s10, s31;
	s12 =	simm.s32 $0x1;
	s13 =	simm.s32 $0x5800  }
.LBB2_18:
0x11: {  	_ =	sdelay $0x1  }
0x12: {  	v15 =	vmov s21;
	v16 =	vadd.s32 s21, v1;
	v14 =	vand.u32 $0x7A, v14  }
0x13: {  	v16 =	vand.u32 $0xFF80, v16;
	v15 =	vand.u32 $0x79, v15;
	v13 =	vor.u32 v14, v13  }
0x14: {  	[tilespmem:v11+s16+$0x0] =	vst.idx.add.s32.msk $0xffff, v3;
	v62 =	vor.u32 v15, v16  }
0x15: {  	v8 =	vld.idx.msk [tilespmem:v8+s13+$0x0], $0xffff  }
0x16: {  	v7 =	vld.idx.msk [tilespmem:v7+s13+$0x0], $0xffff  }
0x17: {  	v4 =	vadd.s32 v2, v4;
	v12 =	vld.idx.msk [tilespmem:v12+s13+$0x0], $0xffff  }
0x18: {  	v5 =	vadd.s32 v2, v5;
	v13 =	vld.idx.msk [tilespmem:v13+s13+$0x0], $0xffff  }
0x19: {  	v6 =	vadd.s32 v2, v6;
	v11 =	vld.idx.msk [tilespmem:v62+s13+$0x0], $0xffff  }
0x1a: {  	[tilespmem:v9+s16+$0x0] =	vst.idx.add.s32.msk $0xffff, v3;
	v8 =	vadd.s32 v2, v8  }
0x1b: {  	[tilespmem:v10+s16+$0x0] =	vst.idx.add.s32.msk $0xffff, v3;
	v7 =	vadd.s32 v2, v7  }
0x1c: {  	[tilespmem:v4+s16+$0x0] =	vst.idx.add.s32.msk $0xffff, v3;
	v4 =	vadd.s32 v2, v12  }
0x1d: {  	[tilespmem:v5+s16+$0x0] =	vst.idx.add.s32.msk $0xffff, v3;
	v5 =	vadd.s32 v2, v13  }
0x1e: {  	[tilespmem:v6+s16+$0x0] =	vst.idx.add.s32.msk $0xffff, v3;
	v63 =	vadd.s32 v2, v11  }
0x1f: {  	[tilespmem:v8+s16+$0x0] =	vst.idx.add.s32.msk $0xffff, v3  }
0x20: {  	[tilespmem:v7+s16+$0x0] =	vst.idx.add.s32.msk $0xffff, v3  }
0x21: {  	[tilespmem:v4+s16+$0x0] =	vst.idx.add.s32.msk $0xffff, v3  }
0x22: {  	[tilespmem:v5+s16+$0x0] =	vst.idx.add.s32.msk $0xffff, v3  }
0x23: {  	[tilespmem:v63+s16+$0x0] =	vst.idx.add.s32.msk $0xffff, v3  }
0x24: {  	[hbm4b:s10+s2] =	stream.linear.scatter [tilespmem:s16], [sflag:$0x4], $0x2000, $0x38;
	[tilespmem:$0xF000] =	vst v63  }
0x25: {  	_ =	swait.ge [sflag:s17], $0x2000  }
0x26: {  	[sflag:s17] =	ssyncset.done $0x0  }
0x27: {  	s20 =	simm.s32 $0x4;
	[sflag:s17] =	ssyncadd.s32 $0xFFFFE000  }
.LBB2_19:
0x28: {  	s19 =	sadd.s32 $0x1, s19  }
0x29: {  	p1 =	sne.s32 s19, s11  }
.Ltmp1:
0x2a: {  	_ = 	snop;
	(pc) =	sbr.rel @!p1 .LBB2_20-.Ltmp1, $4  }
0x2b: {  	_ = 	snop  }
0x2c: {  	_ =	swait.ge [sflag:s20], $0x2000  }
0x2d: {  	[sflag:s20] =	ssyncset.done $0x0  }
0x2e: {  	[sflag:s20] =	ssyncadd.s32 $0xFFFFE000  }
.LBB2_1:
0x2f: {  	[tilespmem:s2], [sflag:$0x1] =	stream.linear.gather [hbm4b:s3+s2], $0x5800, $0x38;
	[tilespmem:$0xF000] =	vst v63  }
0x30: {  	_ =	swait.ge [sflag:s12], $0x5800  }
0x31: {  	[sflag:s12] =	ssyncset.done $0x0  }
0x32: {  	s20 =	simm.s32 $0xB040;
	[sflag:s12] =	ssyncadd.s32 $0xFFFFA800  }
0x33: {  	[tilespmem:s13], [sflag:$0x2] =	stream.linear.gather [hbm4b:s4+s2], $0x5800, $0x38;
	[tilespmem:$0xF000] =	vst v63  }
0x34: {  	[tilespmem:s20+$0xFFFFFFC0] =	vst v0  }
0x35: {  	[tilespmem:s20+$0x30] =	vst v0  }
0x36: {  	[tilespmem:s20+$0x20] =	vst v0  }
0x37: {  	[tilespmem:s20+$0x10] =	vst v0  }
0x38: {  	[tilespmem:s20+$0x0] =	vst v0  }
0x39: {  	[tilespmem:s20+$0xFFFFFFF0] =	vst v0  }
0x3a: {  	s21 =	simm.s32 $0x0;
	[tilespmem:s20+$0xFFFFFFE0] =	vst v0  }
.LBB2_2:
0x3b: {  	s21 =	sadd.s32 $0x8, s21;
	[tilespmem:s20+$0xFFFFFFD0] =	vst v0;
	s20 =	sadd.s32 $0x80, s20  }
0x3c: {  	[tilespmem:s20+$0xFFFFFFC0] =	vst v0;
	p1 =	slt.u32 s21, $0x1F8  }
0x3d: {  	[tilespmem:s20+$0x30] =	vst v0  }
.Ltmp2:
0x3e: {  	[tilespmem:s20+$0x20] =	vst v0;
	(pc) =	sbr.rel @p1 .LBB2_2-.Ltmp2, $4  }
0x3f: {  	[tilespmem:s20+$0x10] =	vst v0  }
0x40: {  	[tilespmem:s20+$0x0] =	vst v0  }
0x41: {  	[tilespmem:s20+$0xFFFFFFF0] =	vst v0  }
0x42: {  	[tilespmem:s20+$0xFFFFFFE0] =	vst v0  }
0x43: {  	s21 =	simm.s32 $0x0  }
0x44: {  	s22 =	simm.s32 $0x7;
	s28 =	simm.s32 $0x6;
	v4 =	vmov s21  }
0x45: {  	s29 =	simm.s32 $0x4;
	v5 =	vadd.s32 s21, v1;
	v6 =	vadd.s32 s22, v1;
	v7 =	vadd.s32 s28, v1  }
0x46: {  	v8 =	vmov s28;
	v9 =	vmov s29;
	v10 =	vadd.s32 s29, v1  }
0x47: {  	v5 =	vand.u32 $0xFF80, v5;
	v4 =	vand.u32 $0x78, v4;
	v7 =	vand.u32 $0xFF80, v7  }
0x48: {  	s22 =	simm.s32 $0x2;
	v8 =	vand.u32 $0x7E, v8;
	v10 =	vand.u32 $0xFF80, v10;
	v9 =	vand.u32 $0x7C, v9  }
0x49: {  	s30 =	simm.s32 $0x5;
	v11 =	vadd.s32 s22, v1;
	v12 =	vmov s22;
	v4 =	vor.u32 v4, v5  }
0x4a: {  	s31 =	simm.s32 $0x3;
	v5 =	vor.u32 v8, v7;
	v7 =	vmov s30;
	v8 =	vadd.s32 s30, v1  }
0x4b: {  	v9 =	vor.u32 v9, v10;
	v10 =	vadd.s32 s31, v1;
	v11 =	vand.u32 $0xFF80, v11  }
0x4c: {  	[tilespmem:s20+$0xFFFFFFD0] =	vst v0;
	v12 =	vand.u32 $0x7A, v12;
	v8 =	vand.u32 $0xFF80, v8;
	v7 =	vand.u32 $0x7D, v7  }
0x4d: {  	v11 =	vor.u32 v12, v11;
	v7 =	vor.u32 v7, v8;
	v8 =	vmov s31;
	v6 =	vld.idx.msk [tilespmem:v6+s2+$0x0], $0xffff  }
0x4e: {  	s23 =	simm.s32 $0x1;
	v10 =	vand.u32 $0xFF80, v10;
	v8 =	vand.u32 $0x7B, v8  }
0x4f: {  	s25 =	simm.s32 $0xF;
	v13 =	vadd.s32 s23, v1;
	v8 =	vor.u32 v8, v10;
	v10 =	vmov s23;
	v4 =	vld.idx.msk [tilespmem:v4+s2+$0x0], $0xffff  }
0x50: {  	s24 =	simm.s32 $0x8;
	v14 =	vadd.s32 s25, v1;
	v13 =	vand.u32 $0xFF80, v13;
	v10 =	vand.u32 $0x79, v10;
	v5 =	vld.idx.msk [tilespmem:v5+s2+$0x0], $0xffff  }
0x51: {  	v12 =	vmov s24;
	v9 =	vld.idx.msk [tilespmem:v9+s2+$0x0], $0xffff;
	v10 =	vor.u32 v10, v13;
	v13 =	vadd.s32 s24, v1  }
0x52: {  	s26 =	simm.s32 $0xE;
	v12 =	vand.u32 $0x78, v12;
	v17 =	vld.idx.msk [tilespmem:v11+s2+$0x0], $0xffff;
	v13 =	vand.u32 $0xFF80, v13;
	v6 =	vadd.s32 v2, v6  }
0x53: {  	v15 =	vadd.s32 s26, v1;
	v7 =	vld.idx.msk [tilespmem:v7+s2+$0x0], $0xffff;
	v12 =	vor.u32 v12, v13;
	v13 =	vmov s26  }
0x54: {  	v15 =	vand.u32 $0xFF80, v15;
	v8 =	vld.idx.msk [tilespmem:v8+s2+$0x0], $0xffff;
	v13 =	vand.u32 $0x7E, v13;
	v16 =	vadd.s32 v2, v4  }
0x55: {  	s28 =	simm.s32 $0xD;
	v13 =	vor.u32 v13, v15;
	v4 =	vld.idx.msk [tilespmem:v14+s2+$0x0], $0xffff  }
0x56: {  	v11 =	vmov s28;
	v15 =	vadd.s32 s28, v1;
	v14 =	vadd.s32 v2, v5;
	v10 =	vld.idx.msk [tilespmem:v10+s2+$0x0], $0xffff  }
0x57: {  	s29 =	simm.s32 $0xC;
	v18 =	vand.u32 $0x7D, v11;
	v20 =	vadd.s32 v2, v9;
	v15 =	vand.u32 $0xFF80, v15;
	[tilespmem:v6+s14+$0x0] =	vst.idx.add.s32.msk $0xffff, v3  }
0x58: {  	v19 =	vadd.s32 v2, v7;
	v7 =	vadd.s32 s29, v1;
	v5 =	vld.idx.msk [tilespmem:v12+s2+$0x0], $0xffff;
	v6 =	vmov s29  }
0x59: {  	s30 =	simm.s32 $0xB;
	v7 =	vand.u32 $0xFF80, v7;
	v6 =	vand.u32 $0x7C, v6;
	v11 =	vadd.s32 v2, v8;
	[tilespmem:v16+s14+$0x0] =	vst.idx.add.s32.msk $0xffff, v3  }
0x5a: {  	v9 =	vadd.s32 v2, v17;
	v12 =	vmov s30;
	v7 =	vor.u32 v6, v7;
	v6 =	vld.idx.msk [tilespmem:v13+s2+$0x0], $0xffff  }
0x5b: {  	s31 =	simm.s32 $0xA;
	v8 =	vor.u32 v18, v15;
	v13 =	vadd.s32 s30, v1;
	[tilespmem:v14+s14+$0x0] =	vst.idx.add.s32.msk $0xffff, v3;
	v10 =	vadd.s32 v2, v10  }
0x5c: {  	v15 =	vadd.s32 s31, v1;
	v12 =	vand.u32 $0x7B, v12;
	[tilespmem:v20+s14+$0x0] =	vst.idx.add.s32.msk $0xffff, v3;
	v63 =	vand.u32 $0xFF80, v13  }
0x5d: {  	s20 =	simm.s32 $0x10;
	s21 =	simm.s32 $0x9;
	v14 =	vmov s31;
	v13 =	vand.u32 $0xFF80, v15;
	[tilespmem:v19+s14+$0x0] =	vst.idx.add.s32.msk $0xffff, v3;
	v12 =	vor.u32 v12, v63  }
.LBB2_4:
0x5e: {  	p1 =	slt.u32 s20, $0x508;
	v15 =	vmov s21;
	v16 =	vadd.s32 s21, v1;
	v14 =	vand.u32 $0x7A, v14;
	[tilespmem:v11+s14+$0x0] =	vst.idx.add.s32.msk $0xffff, v3  }
0x5f: {  	v11 =	vand.u32 $0xFF80, v16;
	v15 =	vand.u32 $0x79, v15;
	v13 =	vor.u32 v14, v13;
	[tilespmem:v9+s14+$0x0] =	vst.idx.add.s32.msk $0xffff, v3  }
0x60: {  	s21 =	sadd.s32 $0x7, s20;
	v9 =	vor.u32 v15, v11;
	[tilespmem:v10+s14+$0x0] =	vst.idx.add.s32.msk $0xffff, v3  }
0x61: {  	v14 =	vadd.s32 s21, v1;
	v10 =	vmov s20;
	v11 =	vadd.s32 s20, v1;
	v8 =	vld.idx.msk [tilespmem:v8+s2+$0x0], $0xffff  }
0x62: {  	s21 =	sadd.s32 $0x6, s20;
	v15 =	vadd.s32 v2, v4;
	v11 =	vand.u32 $0xFF80, v11;
	v10 =	vand.u32 $0x78, v10;
	v7 =	vld.idx.msk [tilespmem:v7+s2+$0x0], $0xffff  }
0x63: {  	v4 =	vmov s21;
	v10 =	vor.u32 v10, v11;
	v11 =	vadd.s32 s21, v1;
	v12 =	vld.idx.msk [tilespmem:v12+s2+$0x0], $0xffff  }
0x64: {  	v16 =	vadd.s32 v2, v5;
	v4 =	vand.u32 $0x7E, v4;
	v11 =	vand.u32 $0xFF80, v11;
	v13 =	vld.idx.msk [tilespmem:v13+s2+$0x0], $0xffff  }
0x65: {  	s21 =	sadd.s32 $0x5, s20;
	v17 =	vor.u32 v4, v11;
	v18 =	vld.idx.msk [tilespmem:v9+s2+$0x0], $0xffff  }
0x66: {  	v5 =	vmov s21;
	v9 =	vadd.s32 s21, v1;
	v4 =	vld.idx.msk [tilespmem:v14+s2+$0x0], $0xffff;
	v14 =	vadd.s32 v2, v6  }
0x67: {  	s21 =	sadd.s32 $0x4, s20;
	v6 =	vand.u32 $0xFF80, v9;
	v9 =	vand.u32 $0x7D, v5;
	v19 =	vadd.s32 v2, v8;
	[tilespmem:v15+s14+$0x0] =	vst.idx.add.s32.msk $0xffff, v3  }
0x68: {  	v8 =	vmov s21;
	v15 =	vadd.s32 v2, v7;
	v5 =	vld.idx.msk [tilespmem:v10+s2+$0x0], $0xffff;
	v10 =	vadd.s32 s21, v1  }
.Ltmp3:
0x69: {  	v8 =	vand.u32 $0x7C, v8;
	v11 =	vadd.s32 v2, v12;
	v7 =	vand.u32 $0xFF80, v10;
	[tilespmem:v16+s14+$0x0] =	vst.idx.add.s32.msk $0xffff, v3;
	(pc) =	sbr.rel @p1 .LBB2_4-.Ltmp3, $4  }
0x6a: {  	s21 =	sadd.s32 $0x3, s20;
	v7 =	vor.u32 v8, v7;
	v8 =	vor.u32 v9, v6;
	v6 =	vld.idx.msk [tilespmem:v17+s2+$0x0], $0xffff;
	v9 =	vadd.s32 v2, v13  }
0x6b: {  	s22 =	sadd.s32 $0x2, s20;
	v12 =	vmov s21;
	v13 =	vadd.s32 s21, v1;
	v10 =	vadd.s32 v2, v18;
	[tilespmem:v14+s14+$0x0] =	vst.idx.add.s32.msk $0xffff, v3  }
0x6c: {  	v16 =	vadd.s32 s22, v1;
	v12 =	vand.u32 $0x7B, v12;
	v17 =	vand.u32 $0xFF80, v13;
	[tilespmem:v19+s14+$0x0] =	vst.idx.add.s32.msk $0xffff, v3  }
0x6d: {  	s21 =	sadd.s32 $0x1, s20;
	s20 =	sadd.s32 $0x8, s20;
	v14 =	vmov s22;
	v13 =	vand.u32 $0xFF80, v16;
	v12 =	vor.u32 v12, v17;
	[tilespmem:v15+s14+$0x0] =	vst.idx.add.s32.msk $0xffff, v3  }
0x6e: {  	_ =	sdelay $0x1  }
0x6f: {  	v15 =	vmov s21;
	v16 =	vadd.s32 s21, v1;
	v14 =	vand.u32 $0x7A, v14  }
0x70: {  	v16 =	vand.u32 $0xFF80, v16;
	v15 =	vand.u32 $0x79, v15;
	v13 =	vor.u32 v14, v13  }
0x71: {  	[tilespmem:v11+s14+$0x0] =	vst.idx.add.s32.msk $0xffff, v3;
	v62 =	vor.u32 v15, v16  }
0x72: {  	v8 =	vld.idx.msk [tilespmem:v8+s2+$0x0], $0xffff  }
0x73: {  	v7 =	vld.idx.msk [tilespmem:v7+s2+$0x0], $0xffff  }
0x74: {  	v4 =	vadd.s32 v2, v4;
	v12 =	vld.idx.msk [tilespmem:v12+s2+$0x0], $0xffff  }
0x75: {  	v5 =	vadd.s32 v2, v5;
	v13 =	vld.idx.msk [tilespmem:v13+s2+$0x0], $0xffff  }
0x76: {  	v6 =	vadd.s32 v2, v6;
	v11 =	vld.idx.msk [tilespmem:v62+s2+$0x0], $0xffff  }
0x77: {  	[tilespmem:v9+s14+$0x0] =	vst.idx.add.s32.msk $0xffff, v3;
	v8 =	vadd.s32 v2, v8  }
0x78: {  	[tilespmem:v10+s14+$0x0] =	vst.idx.add.s32.msk $0xffff, v3;
	v7 =	vadd.s32 v2, v7  }
0x79: {  	[tilespmem:v4+s14+$0x0] =	vst.idx.add.s32.msk $0xffff, v3;
	v4 =	vadd.s32 v2, v12  }
0x7a: {  	[tilespmem:v5+s14+$0x0] =	vst.idx.add.s32.msk $0xffff, v3;
	v5 =	vadd.s32 v2, v13  }
0x7b: {  	[tilespmem:v6+s14+$0x0] =	vst.idx.add.s32.msk $0xffff, v3;
	v63 =	vadd.s32 v2, v11  }
0x7c: {  	[tilespmem:v8+s14+$0x0] =	vst.idx.add.s32.msk $0xffff, v3  }
0x7d: {  	[tilespmem:v7+s14+$0x0] =	vst.idx.add.s32.msk $0xffff, v3  }
0x7e: {  	[tilespmem:v4+s14+$0x0] =	vst.idx.add.s32.msk $0xffff, v3  }
0x7f: {  	[tilespmem:v5+s14+$0x0] =	vst.idx.add.s32.msk $0xffff, v3  }
0x80: {  	[tilespmem:v63+s14+$0x0] =	vst.idx.add.s32.msk $0xffff, v3  }
0x81: {  	[hbm4b:s5+s2] =	stream.linear.scatter [tilespmem:s14], [sflag:$0x3], $0x2000, $0x38;
	[tilespmem:$0xF000] =	vst v63  }
0x82: {  	_ =	swait.ge [sflag:s15], $0x5800  }
0x83: {  	[sflag:s15] =	ssyncset.done $0x0  }
0x84: {  	s20 =	simm.s32 $0xD040;
	[sflag:s15] =	ssyncadd.s32 $0xFFFFA800  }
0x85: {  	[tilespmem:s2], [sflag:$0x1] =	stream.linear.gather [hbm4b:s6+s2], $0x5800, $0x38;
	[tilespmem:$0xF000] =	vst v63  }
0x86: {  	[tilespmem:s20+$0xFFFFFFC0] =	vst v0  }
0x87: {  	[tilespmem:s20+$0x30] =	vst v0  }
0x88: {  	[tilespmem:s20+$0x20] =	vst v0  }
0x89: {  	[tilespmem:s20+$0x10] =	vst v0  }
0x8a: {  	[tilespmem:s20+$0x0] =	vst v0  }
0x8b: {  	[tilespmem:s20+$0xFFFFFFF0] =	vst v0  }
0x8c: {  	s21 =	simm.s32 $0x0;
	[tilespmem:s20+$0xFFFFFFE0] =	vst v0  }
.LBB2_6:
0x8d: {  	s21 =	sadd.s32 $0x8, s21;
	[tilespmem:s20+$0xFFFFFFD0] =	vst v0;
	s20 =	sadd.s32 $0x80, s20  }
0x8e: {  	[tilespmem:s20+$0xFFFFFFC0] =	vst v0;
	p1 =	slt.u32 s21, $0x1F8  }
0x8f: {  	[tilespmem:s20+$0x30] =	vst v0  }
.Ltmp4:
0x90: {  	[tilespmem:s20+$0x20] =	vst v0;
	(pc) =	sbr.rel @p1 .LBB2_6-.Ltmp4, $4  }
0x91: {  	[tilespmem:s20+$0x10] =	vst v0  }
0x92: {  	[tilespmem:s20+$0x0] =	vst v0  }
0x93: {  	[tilespmem:s20+$0xFFFFFFF0] =	vst v0  }
0x94: {  	[tilespmem:s20+$0xFFFFFFE0] =	vst v0  }
0x95: {  	s21 =	simm.s32 $0x0  }
0x96: {  	s22 =	simm.s32 $0x7;
	s28 =	simm.s32 $0x6;
	v4 =	vmov s21  }
0x97: {  	s29 =	simm.s32 $0x4;
	v5 =	vadd.s32 s21, v1;
	v6 =	vadd.s32 s22, v1;
	v7 =	vadd.s32 s28, v1  }
0x98: {  	v8 =	vmov s28;
	v9 =	vmov s29;
	v10 =	vadd.s32 s29, v1  }
0x99: {  	v5 =	vand.u32 $0xFF80, v5;
	v4 =	vand.u32 $0x78, v4;
	v7 =	vand.u32 $0xFF80, v7  }
0x9a: {  	s22 =	simm.s32 $0x2;
	v8 =	vand.u32 $0x7E, v8;
	v10 =	vand.u32 $0xFF80, v10;
	v9 =	vand.u32 $0x7C, v9  }
0x9b: {  	s30 =	simm.s32 $0x5;
	v11 =	vadd.s32 s22, v1;
	v12 =	vmov s22;
	v4 =	vor.u32 v4, v5  }
0x9c: {  	s31 =	simm.s32 $0x3;
	v5 =	vor.u32 v8, v7;
	v7 =	vmov s30;
	v8 =	vadd.s32 s30, v1  }
0x9d: {  	v9 =	vor.u32 v9, v10;
	v10 =	vadd.s32 s31, v1;
	v11 =	vand.u32 $0xFF80, v11  }
0x9e: {  	[tilespmem:s20+$0xFFFFFFD0] =	vst v0;
	v12 =	vand.u32 $0x7A, v12;
	v8 =	vand.u32 $0xFF80, v8;
	v7 =	vand.u32 $0x7D, v7  }
0x9f: {  	v11 =	vor.u32 v12, v11;
	v7 =	vor.u32 v7, v8;
	v8 =	vmov s31;
	v6 =	vld.idx.msk [tilespmem:v6+s13+$0x0], $0xffff  }
0xa0: {  	s23 =	simm.s32 $0x1;
	v10 =	vand.u32 $0xFF80, v10;
	v8 =	vand.u32 $0x7B, v8  }
0xa1: {  	s25 =	simm.s32 $0xF;
	v13 =	vadd.s32 s23, v1;
	v8 =	vor.u32 v8, v10;
	v10 =	vmov s23;
	v4 =	vld.idx.msk [tilespmem:v4+s13+$0x0], $0xffff  }
0xa2: {  	s24 =	simm.s32 $0x8;
	v14 =	vadd.s32 s25, v1;
	v13 =	vand.u32 $0xFF80, v13;
	v10 =	vand.u32 $0x79, v10;
	v5 =	vld.idx.msk [tilespmem:v5+s13+$0x0], $0xffff  }
0xa3: {  	v12 =	vmov s24;
	v9 =	vld.idx.msk [tilespmem:v9+s13+$0x0], $0xffff;
	v10 =	vor.u32 v10, v13;
	v13 =	vadd.s32 s24, v1  }
0xa4: {  	s26 =	simm.s32 $0xE;
	v12 =	vand.u32 $0x78, v12;
	v17 =	vld.idx.msk [tilespmem:v11+s13+$0x0], $0xffff;
	v13 =	vand.u32 $0xFF80, v13;
	v6 =	vadd.s32 v2, v6  }
0xa5: {  	v15 =	vadd.s32 s26, v1;
	v7 =	vld.idx.msk [tilespmem:v7+s13+$0x0], $0xffff;
	v12 =	vor.u32 v12, v13;
	v13 =	vmov s26  }
0xa6: {  	v15 =	vand.u32 $0xFF80, v15;
	v8 =	vld.idx.msk [tilespmem:v8+s13+$0x0], $0xffff;
	v13 =	vand.u32 $0x7E, v13;
	v16 =	vadd.s32 v2, v4  }
0xa7: {  	s28 =	simm.s32 $0xD;
	v13 =	vor.u32 v13, v15;
	v4 =	vld.idx.msk [tilespmem:v14+s13+$0x0], $0xffff  }
0xa8: {  	v11 =	vmov s28;
	v15 =	vadd.s32 s28, v1;
	v14 =	vadd.s32 v2, v5;
	v10 =	vld.idx.msk [tilespmem:v10+s13+$0x0], $0xffff  }
0xa9: {  	s29 =	simm.s32 $0xC;
	v18 =	vand.u32 $0x7D, v11;
	v20 =	vadd.s32 v2, v9;
	v15 =	vand.u32 $0xFF80, v15;
	[tilespmem:v6+s16+$0x0] =	vst.idx.add.s32.msk $0xffff, v3  }
0xaa: {  	v19 =	vadd.s32 v2, v7;
	v7 =	vadd.s32 s29, v1;
	v5 =	vld.idx.msk [tilespmem:v12+s13+$0x0], $0xffff;
	v6 =	vmov s29  }
0xab: {  	s30 =	simm.s32 $0xB;
	v7 =	vand.u32 $0xFF80, v7;
	v6 =	vand.u32 $0x7C, v6;
	v11 =	vadd.s32 v2, v8;
	[tilespmem:v16+s16+$0x0] =	vst.idx.add.s32.msk $0xffff, v3  }
0xac: {  	v9 =	vadd.s32 v2, v17;
	v12 =	vmov s30;
	v7 =	vor.u32 v6, v7;
	v6 =	vld.idx.msk [tilespmem:v13+s13+$0x0], $0xffff  }
0xad: {  	s31 =	simm.s32 $0xA;
	v8 =	vor.u32 v18, v15;
	v13 =	vadd.s32 s30, v1;
	[tilespmem:v14+s16+$0x0] =	vst.idx.add.s32.msk $0xffff, v3;
	v10 =	vadd.s32 v2, v10  }
0xae: {  	v15 =	vadd.s32 s31, v1;
	v12 =	vand.u32 $0x7B, v12;
	[tilespmem:v20+s16+$0x0] =	vst.idx.add.s32.msk $0xffff, v3;
	v63 =	vand.u32 $0xFF80, v13  }
0xaf: {  	s20 =	simm.s32 $0x10;
	s21 =	simm.s32 $0x9;
	v14 =	vmov s31;
	v13 =	vand.u32 $0xFF80, v15;
	[tilespmem:v19+s16+$0x0] =	vst.idx.add.s32.msk $0xffff, v3;
	v12 =	vor.u32 v12, v63  }
.LBB2_8:
0xb0: {  	p1 =	slt.u32 s20, $0x508;
	v15 =	vmov s21;
	v16 =	vadd.s32 s21, v1;
	v14 =	vand.u32 $0x7A, v14;
	[tilespmem:v11+s16+$0x0] =	vst.idx.add.s32.msk $0xffff, v3  }
0xb1: {  	v11 =	vand.u32 $0xFF80, v16;
	v15 =	vand.u32 $0x79, v15;
	v13 =	vor.u32 v14, v13;
	[tilespmem:v9+s16+$0x0] =	vst.idx.add.s32.msk $0xffff, v3  }
0xb2: {  	s21 =	sadd.s32 $0x7, s20;
	v9 =	vor.u32 v15, v11;
	[tilespmem:v10+s16+$0x0] =	vst.idx.add.s32.msk $0xffff, v3  }
0xb3: {  	v14 =	vadd.s32 s21, v1;
	v10 =	vmov s20;
	v11 =	vadd.s32 s20, v1;
	v8 =	vld.idx.msk [tilespmem:v8+s13+$0x0], $0xffff  }
0xb4: {  	s21 =	sadd.s32 $0x6, s20;
	v15 =	vadd.s32 v2, v4;
	v11 =	vand.u32 $0xFF80, v11;
	v10 =	vand.u32 $0x78, v10;
	v7 =	vld.idx.msk [tilespmem:v7+s13+$0x0], $0xffff  }
0xb5: {  	v4 =	vmov s21;
	v10 =	vor.u32 v10, v11;
	v11 =	vadd.s32 s21, v1;
	v12 =	vld.idx.msk [tilespmem:v12+s13+$0x0], $0xffff  }
0xb6: {  	v16 =	vadd.s32 v2, v5;
	v4 =	vand.u32 $0x7E, v4;
	v11 =	vand.u32 $0xFF80, v11;
	v13 =	vld.idx.msk [tilespmem:v13+s13+$0x0], $0xffff  }
0xb7: {  	s21 =	sadd.s32 $0x5, s20;
	v17 =	vor.u32 v4, v11;
	v18 =	vld.idx.msk [tilespmem:v9+s13+$0x0], $0xffff  }
0xb8: {  	v5 =	vmov s21;
	v9 =	vadd.s32 s21, v1;
	v4 =	vld.idx.msk [tilespmem:v14+s13+$0x0], $0xffff;
	v14 =	vadd.s32 v2, v6  }
0xb9: {  	s21 =	sadd.s32 $0x4, s20;
	v6 =	vand.u32 $0xFF80, v9;
	v9 =	vand.u32 $0x7D, v5;
	v19 =	vadd.s32 v2, v8;
	[tilespmem:v15+s16+$0x0] =	vst.idx.add.s32.msk $0xffff, v3  }
0xba: {  	v8 =	vmov s21;
	v15 =	vadd.s32 v2, v7;
	v5 =	vld.idx.msk [tilespmem:v10+s13+$0x0], $0xffff;
	v10 =	vadd.s32 s21, v1  }
.Ltmp5:
0xbb: {  	v8 =	vand.u32 $0x7C, v8;
	v11 =	vadd.s32 v2, v12;
	v7 =	vand.u32 $0xFF80, v10;
	[tilespmem:v16+s16+$0x0] =	vst.idx.add.s32.msk $0xffff, v3;
	(pc) =	sbr.rel @p1 .LBB2_8-.Ltmp5, $4  }
0xbc: {  	s21 =	sadd.s32 $0x3, s20;
	v7 =	vor.u32 v8, v7;
	v8 =	vor.u32 v9, v6;
	v6 =	vld.idx.msk [tilespmem:v17+s13+$0x0], $0xffff;
	v9 =	vadd.s32 v2, v13  }
0xbd: {  	s22 =	sadd.s32 $0x2, s20;
	v12 =	vmov s21;
	v13 =	vadd.s32 s21, v1;
	v10 =	vadd.s32 v2, v18;
	[tilespmem:v14+s16+$0x0] =	vst.idx.add.s32.msk $0xffff, v3  }
0xbe: {  	v16 =	vadd.s32 s22, v1;
	v12 =	vand.u32 $0x7B, v12;
	v17 =	vand.u32 $0xFF80, v13;
	[tilespmem:v19+s16+$0x0] =	vst.idx.add.s32.msk $0xffff, v3  }
0xbf: {  	s21 =	sadd.s32 $0x1, s20;
	s20 =	sadd.s32 $0x8, s20;
	v14 =	vmov s22;
	v13 =	vand.u32 $0xFF80, v16;
	v12 =	vor.u32 v12, v17;
	[tilespmem:v15+s16+$0x0] =	vst.idx.add.s32.msk $0xffff, v3  }
0xc0: {  	_ =	sdelay $0x1  }
0xc1: {  	v15 =	vmov s21;
	v16 =	vadd.s32 s21, v1;
	v14 =	vand.u32 $0x7A, v14  }
0xc2: {  	v16 =	vand.u32 $0xFF80, v16;
	v15 =	vand.u32 $0x79, v15;
	v13 =	vor.u32 v14, v13  }
0xc3: {  	[tilespmem:v11+s16+$0x0] =	vst.idx.add.s32.msk $0xffff, v3;
	v62 =	vor.u32 v15, v16  }
0xc4: {  	v8 =	vld.idx.msk [tilespmem:v8+s13+$0x0], $0xffff  }
0xc5: {  	v7 =	vld.idx.msk [tilespmem:v7+s13+$0x0], $0xffff  }
0xc6: {  	v4 =	vadd.s32 v2, v4;
	v12 =	vld.idx.msk [tilespmem:v12+s13+$0x0], $0xffff  }
0xc7: {  	v5 =	vadd.s32 v2, v5;
	v13 =	vld.idx.msk [tilespmem:v13+s13+$0x0], $0xffff  }
0xc8: {  	v6 =	vadd.s32 v2, v6;
	v11 =	vld.idx.msk [tilespmem:v62+s13+$0x0], $0xffff  }
0xc9: {  	[tilespmem:v9+s16+$0x0] =	vst.idx.add.s32.msk $0xffff, v3;
	v8 =	vadd.s32 v2, v8  }
0xca: {  	[tilespmem:v10+s16+$0x0] =	vst.idx.add.s32.msk $0xffff, v3;
	v7 =	vadd.s32 v2, v7  }
0xcb: {  	[tilespmem:v4+s16+$0x0] =	vst.idx.add.s32.msk $0xffff, v3;
	v4 =	vadd.s32 v2, v12  }
0xcc: {  	[tilespmem:v5+s16+$0x0] =	vst.idx.add.s32.msk $0xffff, v3;
	v5 =	vadd.s32 v2, v13  }
0xcd: {  	[tilespmem:v6+s16+$0x0] =	vst.idx.add.s32.msk $0xffff, v3;
	v63 =	vadd.s32 v2, v11  }
0xce: {  	[tilespmem:v8+s16+$0x0] =	vst.idx.add.s32.msk $0xffff, v3  }
0xcf: {  	[tilespmem:v7+s16+$0x0] =	vst.idx.add.s32.msk $0xffff, v3  }
0xd0: {  	[tilespmem:v4+s16+$0x0] =	vst.idx.add.s32.msk $0xffff, v3  }
0xd1: {  	[tilespmem:v5+s16+$0x0] =	vst.idx.add.s32.msk $0xffff, v3  }
0xd2: {  	[tilespmem:v63+s16+$0x0] =	vst.idx.add.s32.msk $0xffff, v3  }
0xd3: {  	[hbm4b:s7+s2] =	stream.linear.scatter [tilespmem:s16], [sflag:$0x4], $0x2000, $0x38;
	[tilespmem:$0xF000] =	vst v63  }
0xd4: {  	_ =	swait.ge [sflag:s12], $0x5800  }
0xd5: {  	[sflag:s12] =	ssyncset.done $0x0  }
0xd6: {  	s20 =	simm.s32 @!p0 $0x0;
	s21 =	simm.s32 @!p0 $0x5800;
	[sflag:s12] =	ssyncadd.s32 $0xFFFFA800  }
0xd7: {  	[tilespmem:s21], [sflag:$0x2] =	stream.linear.gather @!p0 [hbm4b:s8+s20], $0x5800, $0x38;
	[tilespmem:$0xF000] =	vst v63  }
0xd8: {  	_ =	swait.ge [sflag:s17], $0x2000  }
0xd9: {  	[sflag:s17] =	ssyncset.done $0x0  }
0xda: {  	s20 =	simm.s32 $0xB040;
	[sflag:s17] =	ssyncadd.s32 $0xFFFFE000  }
0xdb: {  	[tilespmem:s20+$0xFFFFFFC0] =	vst v0  }
0xdc: {  	[tilespmem:s20+$0x30] =	vst v0  }
0xdd: {  	[tilespmem:s20+$0x20] =	vst v0  }
0xde: {  	[tilespmem:s20+$0x10] =	vst v0  }
0xdf: {  	[tilespmem:s20+$0x0] =	vst v0  }
0xe0: {  	[tilespmem:s20+$0xFFFFFFF0] =	vst v0  }
0xe1: {  	s21 =	simm.s32 $0x0;
	[tilespmem:s20+$0xFFFFFFE0] =	vst v0  }
.LBB2_10:
0xe2: {  	s21 =	sadd.s32 $0x8, s21;
	[tilespmem:s20+$0xFFFFFFD0] =	vst v0;
	s20 =	sadd.s32 $0x80, s20  }
0xe3: {  	[tilespmem:s20+$0xFFFFFFC0] =	vst v0;
	p1 =	slt.u32 s21, $0x1F8  }
0xe4: {  	[tilespmem:s20+$0x30] =	vst v0  }
.Ltmp6:
0xe5: {  	[tilespmem:s20+$0x20] =	vst v0;
	(pc) =	sbr.rel @p1 .LBB2_10-.Ltmp6, $4  }
0xe6: {  	[tilespmem:s20+$0x10] =	vst v0  }
0xe7: {  	[tilespmem:s20+$0x0] =	vst v0  }
0xe8: {  	[tilespmem:s20+$0xFFFFFFF0] =	vst v0  }
0xe9: {  	[tilespmem:s20+$0xFFFFFFE0] =	vst v0  }
0xea: {  	s21 =	simm.s32 $0x0  }
0xeb: {  	s22 =	simm.s32 $0x7;
	s28 =	simm.s32 $0x6;
	v4 =	vmov s21  }
0xec: {  	s29 =	simm.s32 $0x4;
	v5 =	vadd.s32 s21, v1;
	v6 =	vadd.s32 s22, v1;
	v7 =	vadd.s32 s28, v1  }
0xed: {  	v8 =	vmov s28;
	v9 =	vmov s29;
	v10 =	vadd.s32 s29, v1  }
0xee: {  	v5 =	vand.u32 $0xFF80, v5;
	v4 =	vand.u32 $0x78, v4;
	v7 =	vand.u32 $0xFF80, v7  }
0xef: {  	s22 =	simm.s32 $0x2;
	v8 =	vand.u32 $0x7E, v8;
	v10 =	vand.u32 $0xFF80, v10;
	v9 =	vand.u32 $0x7C, v9  }
0xf0: {  	s30 =	simm.s32 $0x5;
	v11 =	vadd.s32 s22, v1;
	v12 =	vmov s22;
	v4 =	vor.u32 v4, v5  }
0xf1: {  	s31 =	simm.s32 $0x3;
	v5 =	vor.u32 v8, v7;
	v7 =	vmov s30;
	v8 =	vadd.s32 s30, v1  }
0xf2: {  	v9 =	vor.u32 v9, v10;
	v10 =	vadd.s32 s31, v1;
	v11 =	vand.u32 $0xFF80, v11  }
0xf3: {  	[tilespmem:s20+$0xFFFFFFD0] =	vst v0;
	v12 =	vand.u32 $0x7A, v12;
	v8 =	vand.u32 $0xFF80, v8;
	v7 =	vand.u32 $0x7D, v7  }
0xf4: {  	v11 =	vor.u32 v12, v11;
	v7 =	vor.u32 v7, v8;
	v8 =	vmov s31;
	v6 =	vld.idx.msk [tilespmem:v6+s2+$0x0], $0xffff  }
0xf5: {  	s23 =	simm.s32 $0x1;
	v10 =	vand.u32 $0xFF80, v10;
	v8 =	vand.u32 $0x7B, v8  }
0xf6: {  	s25 =	simm.s32 $0xF;
	v13 =	vadd.s32 s23, v1;
	v8 =	vor.u32 v8, v10;
	v10 =	vmov s23;
	v4 =	vld.idx.msk [tilespmem:v4+s2+$0x0], $0xffff  }
0xf7: {  	s24 =	simm.s32 $0x8;
	v14 =	vadd.s32 s25, v1;
	v13 =	vand.u32 $0xFF80, v13;
	v10 =	vand.u32 $0x79, v10;
	v5 =	vld.idx.msk [tilespmem:v5+s2+$0x0], $0xffff  }
0xf8: {  	v12 =	vmov s24;
	v9 =	vld.idx.msk [tilespmem:v9+s2+$0x0], $0xffff;
	v10 =	vor.u32 v10, v13;
	v13 =	vadd.s32 s24, v1  }
0xf9: {  	s26 =	simm.s32 $0xE;
	v12 =	vand.u32 $0x78, v12;
	v17 =	vld.idx.msk [tilespmem:v11+s2+$0x0], $0xffff;
	v13 =	vand.u32 $0xFF80, v13;
	v6 =	vadd.s32 v2, v6  }
0xfa: {  	v15 =	vadd.s32 s26, v1;
	v7 =	vld.idx.msk [tilespmem:v7+s2+$0x0], $0xffff;
	v12 =	vor.u32 v12, v13;
	v13 =	vmov s26  }
0xfb: {  	v15 =	vand.u32 $0xFF80, v15;
	v8 =	vld.idx.msk [tilespmem:v8+s2+$0x0], $0xffff;
	v13 =	vand.u32 $0x7E, v13;
	v16 =	vadd.s32 v2, v4  }
0xfc: {  	s28 =	simm.s32 $0xD;
	v13 =	vor.u32 v13, v15;
	v4 =	vld.idx.msk [tilespmem:v14+s2+$0x0], $0xffff  }
0xfd: {  	v11 =	vmov s28;
	v15 =	vadd.s32 s28, v1;
	v14 =	vadd.s32 v2, v5;
	v10 =	vld.idx.msk [tilespmem:v10+s2+$0x0], $0xffff  }
0xfe: {  	s29 =	simm.s32 $0xC;
	v18 =	vand.u32 $0x7D, v11;
	v20 =	vadd.s32 v2, v9;
	v15 =	vand.u32 $0xFF80, v15;
	[tilespmem:v6+s14+$0x0] =	vst.idx.add.s32.msk $0xffff, v3  }
0xff: {  	v19 =	vadd.s32 v2, v7;
	v7 =	vadd.s32 s29, v1;
	v5 =	vld.idx.msk [tilespmem:v12+s2+$0x0], $0xffff;
	v6 =	vmov s29  }
0x100: {  	s30 =	simm.s32 $0xB;
	v7 =	vand.u32 $0xFF80, v7;
	v6 =	vand.u32 $0x7C, v6;
	v11 =	vadd.s32 v2, v8;
	[tilespmem:v16+s14+$0x0] =	vst.idx.add.s32.msk $0xffff, v3  }
0x101: {  	v9 =	vadd.s32 v2, v17;
	v12 =	vmov s30;
	v7 =	vor.u32 v6, v7;
	v6 =	vld.idx.msk [tilespmem:v13+s2+$0x0], $0xffff  }
0x102: {  	s31 =	simm.s32 $0xA;
	v8 =	vor.u32 v18, v15;
	v13 =	vadd.s32 s30, v1;
	[tilespmem:v14+s14+$0x0] =	vst.idx.add.s32.msk $0xffff, v3;
	v10 =	vadd.s32 v2, v10  }
0x103: {  	v15 =	vadd.s32 s31, v1;
	v12 =	vand.u32 $0x7B, v12;
	[tilespmem:v20+s14+$0x0] =	vst.idx.add.s32.msk $0xffff, v3;
	v63 =	vand.u32 $0xFF80, v13  }
0x104: {  	s20 =	simm.s32 $0x10;
	s21 =	simm.s32 $0x9;
	v14 =	vmov s31;
	v13 =	vand.u32 $0xFF80, v15;
	[tilespmem:v19+s14+$0x0] =	vst.idx.add.s32.msk $0xffff, v3;
	v12 =	vor.u32 v12, v63  }
.LBB2_12:
0x105: {  	p1 =	slt.u32 s20, $0x508;
	v15 =	vmov s21;
	v16 =	vadd.s32 s21, v1;
	v14 =	vand.u32 $0x7A, v14;
	[tilespmem:v11+s14+$0x0] =	vst.idx.add.s32.msk $0xffff, v3  }
0x106: {  	v11 =	vand.u32 $0xFF80, v16;
	v15 =	vand.u32 $0x79, v15;
	v13 =	vor.u32 v14, v13;
	[tilespmem:v9+s14+$0x0] =	vst.idx.add.s32.msk $0xffff, v3  }
0x107: {  	s21 =	sadd.s32 $0x7, s20;
	v9 =	vor.u32 v15, v11;
	[tilespmem:v10+s14+$0x0] =	vst.idx.add.s32.msk $0xffff, v3  }
0x108: {  	v14 =	vadd.s32 s21, v1;
	v10 =	vmov s20;
	v11 =	vadd.s32 s20, v1;
	v8 =	vld.idx.msk [tilespmem:v8+s2+$0x0], $0xffff  }
0x109: {  	s21 =	sadd.s32 $0x6, s20;
	v15 =	vadd.s32 v2, v4;
	v11 =	vand.u32 $0xFF80, v11;
	v10 =	vand.u32 $0x78, v10;
	v7 =	vld.idx.msk [tilespmem:v7+s2+$0x0], $0xffff  }
0x10a: {  	v4 =	vmov s21;
	v10 =	vor.u32 v10, v11;
	v11 =	vadd.s32 s21, v1;
	v12 =	vld.idx.msk [tilespmem:v12+s2+$0x0], $0xffff  }
0x10b: {  	v16 =	vadd.s32 v2, v5;
	v4 =	vand.u32 $0x7E, v4;
	v11 =	vand.u32 $0xFF80, v11;
	v13 =	vld.idx.msk [tilespmem:v13+s2+$0x0], $0xffff  }
0x10c: {  	s21 =	sadd.s32 $0x5, s20;
	v17 =	vor.u32 v4, v11;
	v18 =	vld.idx.msk [tilespmem:v9+s2+$0x0], $0xffff  }
0x10d: {  	v5 =	vmov s21;
	v9 =	vadd.s32 s21, v1;
	v4 =	vld.idx.msk [tilespmem:v14+s2+$0x0], $0xffff;
	v14 =	vadd.s32 v2, v6  }
0x10e: {  	s21 =	sadd.s32 $0x4, s20;
	v6 =	vand.u32 $0xFF80, v9;
	v9 =	vand.u32 $0x7D, v5;
	v19 =	vadd.s32 v2, v8;
	[tilespmem:v15+s14+$0x0] =	vst.idx.add.s32.msk $0xffff, v3  }
0x10f: {  	v8 =	vmov s21;
	v15 =	vadd.s32 v2, v7;
	v5 =	vld.idx.msk [tilespmem:v10+s2+$0x0], $0xffff;
	v10 =	vadd.s32 s21, v1  }
.Ltmp7:
0x110: {  	v8 =	vand.u32 $0x7C, v8;
	v11 =	vadd.s32 v2, v12;
	v7 =	vand.u32 $0xFF80, v10;
	[tilespmem:v16+s14+$0x0] =	vst.idx.add.s32.msk $0xffff, v3;
	(pc) =	sbr.rel @p1 .LBB2_12-.Ltmp7, $4  }
0x111: {  	s21 =	sadd.s32 $0x3, s20;
	v7 =	vor.u32 v8, v7;
	v8 =	vor.u32 v9, v6;
	v6 =	vld.idx.msk [tilespmem:v17+s2+$0x0], $0xffff;
	v9 =	vadd.s32 v2, v13  }
0x112: {  	s22 =	sadd.s32 $0x2, s20;
	v12 =	vmov s21;
	v13 =	vadd.s32 s21, v1;
	v10 =	vadd.s32 v2, v18;
	[tilespmem:v14+s14+$0x0] =	vst.idx.add.s32.msk $0xffff, v3  }
0x113: {  	v16 =	vadd.s32 s22, v1;
	v12 =	vand.u32 $0x7B, v12;
	v17 =	vand.u32 $0xFF80, v13;
	[tilespmem:v19+s14+$0x0] =	vst.idx.add.s32.msk $0xffff, v3  }
0x114: {  	s21 =	sadd.s32 $0x1, s20;
	s20 =	sadd.s32 $0x8, s20;
	v14 =	vmov s22;
	v13 =	vand.u32 $0xFF80, v16;
	v12 =	vor.u32 v12, v17;
	[tilespmem:v15+s14+$0x0] =	vst.idx.add.s32.msk $0xffff, v3  }
0x115: {  	_ =	sdelay $0x1  }
0x116: {  	v15 =	vmov s21;
	v16 =	vadd.s32 s21, v1;
	v14 =	vand.u32 $0x7A, v14  }
0x117: {  	v16 =	vand.u32 $0xFF80, v16;
	v15 =	vand.u32 $0x79, v15;
	v13 =	vor.u32 v14, v13  }
0x118: {  	[tilespmem:v11+s14+$0x0] =	vst.idx.add.s32.msk $0xffff, v3;
	v62 =	vor.u32 v15, v16  }
0x119: {  	v8 =	vld.idx.msk [tilespmem:v8+s2+$0x0], $0xffff  }
0x11a: {  	v7 =	vld.idx.msk [tilespmem:v7+s2+$0x0], $0xffff  }
0x11b: {  	v4 =	vadd.s32 v2, v4;
	v12 =	vld.idx.msk [tilespmem:v12+s2+$0x0], $0xffff  }
0x11c: {  	v5 =	vadd.s32 v2, v5;
	v13 =	vld.idx.msk [tilespmem:v13+s2+$0x0], $0xffff  }
0x11d: {  	v6 =	vadd.s32 v2, v6;
	v11 =	vld.idx.msk [tilespmem:v62+s2+$0x0], $0xffff  }
0x11e: {  	[tilespmem:v9+s14+$0x0] =	vst.idx.add.s32.msk $0xffff, v3;
	v8 =	vadd.s32 v2, v8  }
0x11f: {  	[tilespmem:v10+s14+$0x0] =	vst.idx.add.s32.msk $0xffff, v3;
	v7 =	vadd.s32 v2, v7  }
0x120: {  	[tilespmem:v4+s14+$0x0] =	vst.idx.add.s32.msk $0xffff, v3;
	v4 =	vadd.s32 v2, v12  }
0x121: {  	[tilespmem:v5+s14+$0x0] =	vst.idx.add.s32.msk $0xffff, v3;
	v5 =	vadd.s32 v2, v13  }
0x122: {  	[tilespmem:v6+s14+$0x0] =	vst.idx.add.s32.msk $0xffff, v3;
	v63 =	vadd.s32 v2, v11  }
0x123: {  	[tilespmem:v8+s14+$0x0] =	vst.idx.add.s32.msk $0xffff, v3  }
.Ltmp8:
0x124: {  	[tilespmem:v7+s14+$0x0] =	vst.idx.add.s32.msk $0xffff, v3;
	(pc) =	sbr.rel @p0 .LBB2_19-.Ltmp8, $4  }
0x125: {  	[tilespmem:v4+s14+$0x0] =	vst.idx.add.s32.msk $0xffff, v3  }
0x126: {  	[tilespmem:v5+s14+$0x0] =	vst.idx.add.s32.msk $0xffff, v3  }
0x127: {  	s20 =	simm.s32 $0x3;
	[tilespmem:v63+s14+$0x0] =	vst.idx.add.s32.msk $0xffff, v3  }
0x128: {  	[hbm4b:s9+s2] =	stream.linear.scatter [tilespmem:s14], [sflag:$0x3], $0x2000, $0x38;
	[tilespmem:$0xF000] =	vst v63  }
0x129: {  	_ =	swait.ge [sflag:s15], $0x5800  }
0x12a: {  	[sflag:s15] =	ssyncset.done $0x0  }
0x12b: {  	[sflag:s15] =	ssyncadd.s32 $0xFFFFA800  }
0x12c: {  	_ =	swait.ge [sflag:s18], $0x2000  }
0x12d: {  	[sflag:s18] =	ssyncset.done $0x0  }
0x12e: {  	s20 =	simm.s32 $0xD040;
	[sflag:s18] =	ssyncadd.s32 $0xFFFFE000  }
0x12f: {  	[tilespmem:s20+$0xFFFFFFC0] =	vst v0  }
0x130: {  	[tilespmem:s20+$0x30] =	vst v0  }
0x131: {  	[tilespmem:s20+$0x20] =	vst v0  }
0x132: {  	[tilespmem:s20+$0x10] =	vst v0  }
0x133: {  	[tilespmem:s20+$0x0] =	vst v0  }
0x134: {  	[tilespmem:s20+$0xFFFFFFF0] =	vst v0  }
0x135: {  	s21 =	simm.s32 $0x0;
	[tilespmem:s20+$0xFFFFFFE0] =	vst v0  }
.LBB2_15:
0x136: {  	s21 =	sadd.s32 $0x8, s21;
	[tilespmem:s20+$0xFFFFFFD0] =	vst v0;
	s20 =	sadd.s32 $0x80, s20  }
0x137: {  	[tilespmem:s20+$0xFFFFFFC0] =	vst v0;
	p1 =	slt.u32 s21, $0x1F8  }
0x138: {  	[tilespmem:s20+$0x30] =	vst v0  }
.Ltmp9:
0x139: {  	[tilespmem:s20+$0x20] =	vst v0;
	(pc) =	sbr.rel @p1 .LBB2_15-.Ltmp9, $4  }
0x13a: {  	[tilespmem:s20+$0x10] =	vst v0  }
0x13b: {  	[tilespmem:s20+$0x0] =	vst v0  }
0x13c: {  	[tilespmem:s20+$0xFFFFFFF0] =	vst v0  }
0x13d: {  	[tilespmem:s20+$0xFFFFFFE0] =	vst v0  }
0x13e: {  	s21 =	simm.s32 $0x0  }
0x13f: {  	s22 =	simm.s32 $0x7;
	s28 =	simm.s32 $0x6;
	v4 =	vmov s21  }
0x140: {  	s29 =	simm.s32 $0x4;
	v5 =	vadd.s32 s21, v1;
	v6 =	vadd.s32 s22, v1;
	v7 =	vadd.s32 s28, v1  }
0x141: {  	v8 =	vmov s28;
	v9 =	vmov s29;
	v10 =	vadd.s32 s29, v1  }
0x142: {  	v5 =	vand.u32 $0xFF80, v5;
	v4 =	vand.u32 $0x78, v4;
	v7 =	vand.u32 $0xFF80, v7  }
0x143: {  	s22 =	simm.s32 $0x2;
	v8 =	vand.u32 $0x7E, v8;
	v10 =	vand.u32 $0xFF80, v10;
	v9 =	vand.u32 $0x7C, v9  }
0x144: {  	s30 =	simm.s32 $0x5;
	v11 =	vadd.s32 s22, v1;
	v12 =	vmov s22;
	v4 =	vor.u32 v4, v5  }
0x145: {  	s31 =	simm.s32 $0x3;
	v5 =	vor.u32 v8, v7;
	v7 =	vmov s30;
	v8 =	vadd.s32 s30, v1  }
0x146: {  	v9 =	vor.u32 v9, v10;
	v10 =	vadd.s32 s31, v1;
	v11 =	vand.u32 $0xFF80, v11  }
0x147: {  	[tilespmem:s20+$0xFFFFFFD0] =	vst v0;
	v12 =	vand.u32 $0x7A, v12;
	v8 =	vand.u32 $0xFF80, v8;
	v7 =	vand.u32 $0x7D, v7  }
0x148: {  	v11 =	vor.u32 v12, v11;
	v7 =	vor.u32 v7, v8;
	v8 =	vmov s31;
	v6 =	vld.idx.msk [tilespmem:v6+s13+$0x0], $0xffff  }
0x149: {  	s23 =	simm.s32 $0x1;
	v10 =	vand.u32 $0xFF80, v10;
	v8 =	vand.u32 $0x7B, v8  }
0x14a: {  	s25 =	simm.s32 $0xF;
	v13 =	vadd.s32 s23, v1;
	v8 =	vor.u32 v8, v10;
	v10 =	vmov s23;
	v4 =	vld.idx.msk [tilespmem:v4+s13+$0x0], $0xffff  }
0x14b: {  	s24 =	simm.s32 $0x8;
	v14 =	vadd.s32 s25, v1;
	v13 =	vand.u32 $0xFF80, v13;
	v10 =	vand.u32 $0x79, v10;
	v5 =	vld.idx.msk [tilespmem:v5+s13+$0x0], $0xffff  }
0x14c: {  	v12 =	vmov s24;
	v9 =	vld.idx.msk [tilespmem:v9+s13+$0x0], $0xffff;
	v10 =	vor.u32 v10, v13;
	v13 =	vadd.s32 s24, v1  }
0x14d: {  	s26 =	simm.s32 $0xE;
	v12 =	vand.u32 $0x78, v12;
	v17 =	vld.idx.msk [tilespmem:v11+s13+$0x0], $0xffff;
	v13 =	vand.u32 $0xFF80, v13;
	v6 =	vadd.s32 v2, v6  }
0x14e: {  	v15 =	vadd.s32 s26, v1;
	v7 =	vld.idx.msk [tilespmem:v7+s13+$0x0], $0xffff;
	v12 =	vor.u32 v12, v13;
	v13 =	vmov s26  }
0x14f: {  	v15 =	vand.u32 $0xFF80, v15;
	v8 =	vld.idx.msk [tilespmem:v8+s13+$0x0], $0xffff;
	v13 =	vand.u32 $0x7E, v13;
	v16 =	vadd.s32 v2, v4  }
0x150: {  	s28 =	simm.s32 $0xD;
	v13 =	vor.u32 v13, v15;
	v4 =	vld.idx.msk [tilespmem:v14+s13+$0x0], $0xffff  }
0x151: {  	v11 =	vmov s28;
	v15 =	vadd.s32 s28, v1;
	v14 =	vadd.s32 v2, v5;
	v10 =	vld.idx.msk [tilespmem:v10+s13+$0x0], $0xffff  }
0x152: {  	s29 =	simm.s32 $0xC;
	v18 =	vand.u32 $0x7D, v11;
	v20 =	vadd.s32 v2, v9;
	v15 =	vand.u32 $0xFF80, v15;
	[tilespmem:v6+s16+$0x0] =	vst.idx.add.s32.msk $0xffff, v3  }
0x153: {  	v19 =	vadd.s32 v2, v7;
	v7 =	vadd.s32 s29, v1;
	v5 =	vld.idx.msk [tilespmem:v12+s13+$0x0], $0xffff;
	v6 =	vmov s29  }
0x154: {  	s30 =	simm.s32 $0xB;
	v7 =	vand.u32 $0xFF80, v7;
	v6 =	vand.u32 $0x7C, v6;
	v11 =	vadd.s32 v2, v8;
	[tilespmem:v16+s16+$0x0] =	vst.idx.add.s32.msk $0xffff, v3  }
0x155: {  	v9 =	vadd.s32 v2, v17;
	v12 =	vmov s30;
	v7 =	vor.u32 v6, v7;
	v6 =	vld.idx.msk [tilespmem:v13+s13+$0x0], $0xffff  }
0x156: {  	s31 =	simm.s32 $0xA;
	v8 =	vor.u32 v18, v15;
	v13 =	vadd.s32 s30, v1;
	[tilespmem:v14+s16+$0x0] =	vst.idx.add.s32.msk $0xffff, v3;
	v10 =	vadd.s32 v2, v10  }
0x157: {  	v15 =	vadd.s32 s31, v1;
	v12 =	vand.u32 $0x7B, v12;
	[tilespmem:v20+s16+$0x0] =	vst.idx.add.s32.msk $0xffff, v3;
	v63 =	vand.u32 $0xFF80, v13  }
0x158: {  	s20 =	simm.s32 $0x10;
	s21 =	simm.s32 $0x9;
	v14 =	vmov s31;
	v13 =	vand.u32 $0xFF80, v15;
	[tilespmem:v19+s16+$0x0] =	vst.idx.add.s32.msk $0xffff, v3;
	v12 =	vor.u32 v12, v63  }
.LBB2_17:
0x159: {  	p1 =	slt.u32 s20, $0x508;
	v15 =	vmov s21;
	v16 =	vadd.s32 s21, v1;
	v14 =	vand.u32 $0x7A, v14;
	[tilespmem:v11+s16+$0x0] =	vst.idx.add.s32.msk $0xffff, v3  }
0x15a: {  	v11 =	vand.u32 $0xFF80, v16;
	v15 =	vand.u32 $0x79, v15;
	v13 =	vor.u32 v14, v13;
	[tilespmem:v9+s16+$0x0] =	vst.idx.add.s32.msk $0xffff, v3  }
0x15b: {  	s21 =	sadd.s32 $0x7, s20;
	v9 =	vor.u32 v15, v11;
	[tilespmem:v10+s16+$0x0] =	vst.idx.add.s32.msk $0xffff, v3  }
0x15c: {  	v14 =	vadd.s32 s21, v1;
	v10 =	vmov s20;
	v11 =	vadd.s32 s20, v1;
	v8 =	vld.idx.msk [tilespmem:v8+s13+$0x0], $0xffff  }
0x15d: {  	s21 =	sadd.s32 $0x6, s20;
	v15 =	vadd.s32 v2, v4;
	v11 =	vand.u32 $0xFF80, v11;
	v10 =	vand.u32 $0x78, v10;
	v7 =	vld.idx.msk [tilespmem:v7+s13+$0x0], $0xffff  }
0x15e: {  	v4 =	vmov s21;
	v10 =	vor.u32 v10, v11;
	v11 =	vadd.s32 s21, v1;
	v12 =	vld.idx.msk [tilespmem:v12+s13+$0x0], $0xffff  }
0x15f: {  	v16 =	vadd.s32 v2, v5;
	v4 =	vand.u32 $0x7E, v4;
	v11 =	vand.u32 $0xFF80, v11;
	v13 =	vld.idx.msk [tilespmem:v13+s13+$0x0], $0xffff  }
0x160: {  	s21 =	sadd.s32 $0x5, s20;
	v17 =	vor.u32 v4, v11;
	v18 =	vld.idx.msk [tilespmem:v9+s13+$0x0], $0xffff  }
0x161: {  	v5 =	vmov s21;
	v9 =	vadd.s32 s21, v1;
	v4 =	vld.idx.msk [tilespmem:v14+s13+$0x0], $0xffff;
	v14 =	vadd.s32 v2, v6  }
0x162: {  	s21 =	sadd.s32 $0x4, s20;
	v6 =	vand.u32 $0xFF80, v9;
	v9 =	vand.u32 $0x7D, v5;
	v19 =	vadd.s32 v2, v8;
	[tilespmem:v15+s16+$0x0] =	vst.idx.add.s32.msk $0xffff, v3  }
0x163: {  	v8 =	vmov s21;
	v15 =	vadd.s32 v2, v7;
	v5 =	vld.idx.msk [tilespmem:v10+s13+$0x0], $0xffff;
	v10 =	vadd.s32 s21, v1  }
.Ltmp10:
0x164: {  	v8 =	vand.u32 $0x7C, v8;
	v11 =	vadd.s32 v2, v12;
	v7 =	vand.u32 $0xFF80, v10;
	[tilespmem:v16+s16+$0x0] =	vst.idx.add.s32.msk $0xffff, v3;
	(pc) =	sbr.rel @p1 .LBB2_17-.Ltmp10, $4  }
0x165: {  	s21 =	sadd.s32 $0x3, s20;
	v7 =	vor.u32 v8, v7;
	v8 =	vor.u32 v9, v6;
	v6 =	vld.idx.msk [tilespmem:v17+s13+$0x0], $0xffff;
	v9 =	vadd.s32 v2, v13  }
0x166: {  	s22 =	sadd.s32 $0x2, s20;
	v12 =	vmov s21;
	v13 =	vadd.s32 s21, v1;
	v10 =	vadd.s32 v2, v18;
	[tilespmem:v14+s16+$0x0] =	vst.idx.add.s32.msk $0xffff, v3  }
0x167: {  	v16 =	vadd.s32 s22, v1;
	v12 =	vand.u32 $0x7B, v12;
	v17 =	vand.u32 $0xFF80, v13;
	[tilespmem:v19+s16+$0x0] =	vst.idx.add.s32.msk $0xffff, v3  }
0x168: {  	s21 =	sadd.s32 $0x1, s20;
	s20 =	sadd.s32 $0x8, s20;
	v14 =	vmov s22;
	v13 =	vand.u32 $0xFF80, v16;
	v12 =	vor.u32 v12, v17;
	[tilespmem:v15+s16+$0x0] =	vst.idx.add.s32.msk $0xffff, v3  }
.Ltmp11:
0x169: {  	_ = 	snop;
	(pc) =	sbr.rel .LBB2_18-.Ltmp11, $1  }
0x16a: {  	_ =	sdelay $0x3  }
.LBB2_20:
0x16b: {  	_ =	sfence.sel $0x180000  }
0x16c: {  	[bflag:$0x0] =	sbarrier.arrive $0xFFFF  }
0x16d: {  	p0 =	sne.s32 s1, $0x0;
	_ =	strace $0x90000047  }
0x16e: {  	s0 =	sadd.s32 @!p0 $0x100000, s0;
	[bflag:$0x2] =	sbarrier.arrive $0xFFFF  }
0x16f: {  	[sflag:s0] =	ssyncadd.tile.s32 @!p0 $0x1;
	_ =	shalt  }
.Lfunc_end2:
_tile_overlayer_lowered:
.L_overlay_start_2:
0x170: {  	(tag) =	ssettag $0x2  }
0x171: {  	s0 =	rddreg [dreg:$0x0];
	s2 =	stileid.u32  }
0x172: {  	s1 =	rddreg [dreg:$0x1];
	p0 =	sne.s32 s2, $0x0  }
0x173: {  	s3 =	rddreg [dreg:$0x2];
	[bflag:$0x3] =	sbarrier.arrive $0xFFFF;
	s2 =	simm.s32 @!p0 $0x1C05  }
0x174: {  	[timem:s3], [sflag:s2] =	dma.local @!p0 [hbm:s0], s1  }
0x175: {  	s0 =	simm.s32 @!p0 $0x5  }
0x176: {  	_ =	swait.ge @!p0 [sflag:s0], s1  }
0x177: {  	s1 =	ssub.s32 @!p0 $0x0, s1;
	[sflag:s0] =	ssyncset.done @!p0 $0x0  }
0x178: {  	[sflag:s0] =	ssyncadd.s32 @!p0 s1  }
0x179: {  	[bflag:$0x3] =	sbarrier.arrive $0xFFFF  }
0x17a: {  	_ =	shalt  }

</sc_bundles>
